<compile_context>
chip_gen: v7x
topology: tpu7x:2x2x1
jax: 0.10.2.dev20260603
libtpu: 0.0.44.dev20260713+nightly
codegen_flags: <defaults>
</compile_context>

<pallas_src>
import functools

import jax
import jax.numpy as jnp
from jax import lax
from jax.experimental import pallas as pl
from jax.experimental.pallas import tpu as pltpu
from jax.experimental.pallas import tpu_sc as plsc

N = 10000
D = 128
NP = 10240
TR = NP // 16
E = 320000
C = 64
GRP = 16
NW = 32
CW = ((-(-E // (NW * C)) + GRP - 1) // GRP) * GRP
NG = CW // GRP
EP = NW * CW * C
EROWS = EP // C
EC = 1024
NC2 = (EP // 2) // EC
HC = 64
NP2 = 10112
BLK = 256


def _proj_body(nf, wn, gh, wg, asrc, adst, ht_out, ss_out, sd_out, m_out,
               macc):
    i = pl.program_id(0)
    hg = gh[...] @ wg[...]
    hb = nf[...] @ wn[...] + hg
    ht_out[...] = jnp.transpose(hb)
    sb = hb @ asrc[...]
    db = hb @ adst[...]
    ss_out[...] = sb
    sd_out[...] = db

    @pl.when(i == 0)
    def _():
        macc[0] = jnp.float32(-3.4e38)
        macc[1] = jnp.float32(-3.4e38)

    macc[0] = jnp.maximum(macc[0], jnp.max(sb))
    macc[1] = jnp.maximum(macc[1], jnp.max(db))

    @pl.when(i == pl.num_programs(0) - 1)
    def _():
        m_out[...] = jnp.full((1, 1), jnp.maximum(macc[0] + macc[1], 0.0))


def _project(nf_pad, Wn, gh, Wg, asrc, adst):
    grid = NP // BLK
    return pl.pallas_call(
        _proj_body,
        grid=(grid,),
        in_specs=[
            pl.BlockSpec((BLK, D), lambda i: (i, 0)),
            pl.BlockSpec((D, D), lambda i: (0, 0)),
            pl.BlockSpec((1, D), lambda i: (0, 0)),
            pl.BlockSpec((D, D), lambda i: (0, 0)),
            pl.BlockSpec((D, 1), lambda i: (0, 0)),
            pl.BlockSpec((D, 1), lambda i: (0, 0)),
        ],
        out_specs=[
            pl.BlockSpec((D, BLK), lambda i: (0, i)),
            pl.BlockSpec((BLK, 1), lambda i: (i, 0)),
            pl.BlockSpec((BLK, 1), lambda i: (i, 0)),
            pl.BlockSpec((1, 1), lambda i: (0, 0)),
        ],
        out_shape=[
            jax.ShapeDtypeStruct((D, NP), jnp.float32),
            jax.ShapeDtypeStruct((NP, 1), jnp.float32),
            jax.ShapeDtypeStruct((NP, 1), jnp.float32),
            jax.ShapeDtypeStruct((1, 1), jnp.float32),
        ],
        scratch_shapes=[pltpu.SMEM((2,), jnp.float32)],
    )(nf_pad, Wn, gh, Wg, asrc, adst)


def _p1_body(srcm_hbm, dstm_hbm, ssrc_hbm, sdst_hbm, mval_hbm,
             w_out, den_out,
             ssrc_v, sdst_v, sg_src, sg_dst, wb, mv_v, zden, den_sh):
    cid = lax.axis_index("c")
    sid = lax.axis_index("s")
    wid = sid * 2 + cid

    pltpu.sync_copy(ssrc_hbm, ssrc_v)
    pltpu.sync_copy(sdst_hbm, sdst_v)
    pltpu.sync_copy(mval_hbm, mv_v)

    def _zden(r, _):
        zden[pl.ds(r * 16, 16)] = jnp.zeros((16,), jnp.float32)
        return 0
    lax.fori_loop(0, TR // 16, _zden, 0)
    pltpu.sync_copy(zden, den_sh.at[pl.ds(sid * TR, TR)])
    plsc.subcore_barrier()

    mvec = mv_v[...]

    def _group(g, _):
        base = wid * CW + g * GRP
        pltpu.sync_copy(srcm_hbm.at[pl.ds(base, GRP)], sg_src)
        pltpu.sync_copy(dstm_hbm.at[pl.ds(base, GRP)], sg_dst)

        def _chunk(j, _):
            for k in range(C // 16):
                si = sg_src[j, pl.ds(k * 16, 16)]
                di = sg_dst[j, pl.ds(k * 16, 16)]
                a = plsc.load_gather(ssrc_v, [si])
                b = plsc.load_gather(sdst_v, [di])
                pre = a + b
                e = jnp.where(pre >= 0.0, pre, 0.2 * pre)
                wb[pl.ds(k * 16, 16)] = jnp.exp(e - mvec)
            pltpu.sync_copy(wb, w_out.at[pl.ds((base + j) * C, C)])
            pltpu.sync_copy(wb, den_sh.at[sg_dst.at[j]], add=True)
            return 0

        lax.fori_loop(0, GRP, _chunk, 0)
        return 0

    lax.fori_loop(0, NG, _group, 0)
    plsc.subcore_barrier()
    pltpu.sync_copy(den_sh.at[pl.ds(sid * TR, TR)],
                    den_out.at[cid, pl.ds(sid * TR, TR)])


def _phase1(srcm, dstm, ssrc, sdst, mval):
    mesh = plsc.VectorSubcoreMesh(
        core_axis_name="c", subcore_axis_name="s", num_cores=2,
        num_subcores=16)
    f = pl.kernel(
        _p1_body,
        out_type=[
            jax.ShapeDtypeStruct((EP,), jnp.float32),
            jax.ShapeDtypeStruct((2, NP), jnp.float32),
        ],
        mesh=mesh,
        compiler_params=pltpu.CompilerParams(needs_layout_passes=False),
        scratch_types=[
            pltpu.VMEM((NP,), jnp.float32),
            pltpu.VMEM((NP,), jnp.float32),
            pltpu.VMEM((GRP, C), jnp.int32),
            pltpu.VMEM((GRP, C), jnp.int32),
            pltpu.VMEM((C,), jnp.float32),
            pltpu.VMEM((16,), jnp.float32),
            pltpu.VMEM((TR,), jnp.float32),
            pltpu.VMEM_SHARED((NP,), jnp.float32),
        ],
    )
    return f(srcm, dstm, ssrc, sdst, mval)


def _p2_body(ht_hbm, srcm_hbm, dstm_hbm, w_hbm, u_out,
             table, ubuf, sb0, db0, wb0, sb1, db1, wb1,
             sem0, sem1):
    cid = lax.axis_index("c")
    sid = lax.axis_index("s")

    pltpu.sync_copy(ht_hbm.at[pl.ds(sid * 8, 8), pl.ds(0, NP2)], ubuf)

    def _packcols(i, _):
        for j in range(4):
            a = ubuf[2 * j, pl.ds(i * 16, 16)]
            b = ubuf[2 * j + 1, pl.ds(i * 16, 16)]
            pk = plsc.pack(a, b, format=plsc.PackFormat.INTERLEAVED)
            table[j, pl.ds(i * 16, 16)] = plsc.bitcast(pk, jnp.int32)
        return 0
    lax.fori_loop(0, NP2 // 16, _packcols, 0)

    def _zu(r, _):
        for j in range(8):
            ubuf[j, pl.ds(r * 16, 16)] = jnp.zeros((16,), jnp.float32)
        return 0
    lax.fori_loop(0, NP2 // 16, _zu, 0)

    jconst = [jnp.full((16,), j, jnp.int32) for j in range(8)]
    ebase0 = cid * (EP // 2)

    def _fire(ch, sb, db, wb, sem):
        ebase = ebase0 + ch * EC
        pltpu.async_copy(srcm_hbm.at[pl.ds(ebase, EC)], sb, sem)
        pltpu.async_copy(dstm_hbm.at[pl.ds(ebase, EC)], db, sem)
        pltpu.async_copy(w_hbm.at[pl.ds(ebase, EC)], wb, sem)

    def _drain(ch, sb, db, wb, sem):
        ebase = ebase0 + ch * EC
        pltpu.make_async_copy(
            srcm_hbm.at[pl.ds(ebase, EC)], sb, sem).wait()
        pltpu.make_async_copy(
            dstm_hbm.at[pl.ds(ebase, EC)], db, sem).wait()
        pltpu.make_async_copy(
            w_hbm.at[pl.ds(ebase, EC)], wb, sem).wait()

    def _process(sb, db, wb):
        def _step(i, _):
            off = i * 16
            srcv = sb[pl.ds(off, 16)]
            dstv = db[pl.ds(off, 16)]
            wv = wb[pl.ds(off, 16)]
            for j in range(4):
                g = plsc.load_gather(table, [jconst[j], srcv])
                bf = plsc.bitcast(g, jnp.bfloat16)
                fa, fb = plsc.unpack(
                    bf, format=plsc.PackFormat.INTERLEAVED)
                plsc.addupdate_scatter(
                    ubuf, [jconst[2 * j], dstv], wv * fa)
                plsc.addupdate_scatter(
                    ubuf, [jconst[2 * j + 1], dstv], wv * fb)
            return 0
        lax.fori_loop(0, EC // 16, _step, 0, unroll=4)

    _fire(0, sb0, db0, wb0, sem0)

    def _loop(ch, _):
        @pl.when(jnp.logical_and(ch + 1 < NC2, ch % 2 == 0))
        def _():
            _fire(ch + 1, sb1, db1, wb1, sem1)

        @pl.when(jnp.logical_and(ch + 1 < NC2, ch % 2 == 1))
        def _():
            _fire(ch + 1, sb0, db0, wb0, sem0)

        @pl.when(ch % 2 == 0)
        def _():
            _drain(ch, sb0, db0, wb0, sem0)
            _process(sb0, db0, wb0)

        @pl.when(ch % 2 == 1)
        def _():
            _drain(ch, sb1, db1, wb1, sem1)
            _process(sb1, db1, wb1)
        return 0

    lax.fori_loop(0, NC2, _loop, 0)

    pltpu.sync_copy(ubuf, u_out.at[cid, pl.ds(sid * 8, 8)])


def _phase2(ht, srcm, dstm, w):
    mesh = plsc.VectorSubcoreMesh(
        core_axis_name="c", subcore_axis_name="s", num_cores=2,
        num_subcores=16)
    f = pl.kernel(
        _p2_body,
        out_type=jax.ShapeDtypeStruct((2, D, NP2), jnp.float32),
        mesh=mesh,
        compiler_params=pltpu.CompilerParams(needs_layout_passes=False),
        scratch_types=[
            pltpu.VMEM((4, NP2), jnp.int32),
            pltpu.VMEM((8, NP2), jnp.float32),
            pltpu.VMEM((EC,), jnp.int32),
            pltpu.VMEM((EC,), jnp.int32),
            pltpu.VMEM((EC,), jnp.float32),
            pltpu.VMEM((EC,), jnp.int32),
            pltpu.VMEM((EC,), jnp.int32),
            pltpu.VMEM((EC,), jnp.float32),
            pltpu.SemaphoreType.DMA,
            pltpu.SemaphoreType.DMA,
        ],
    )
    return f(ht, srcm, dstm, w)


def _head_body(u_ref, den_ref, bg_ref, wih_ref, whh_ref, bl_ref,
               w1_ref, b1_ref, w2_ref, b2_ref, out_ref):
    u = u_ref[0] + u_ref[1]
    den = den_ref[0] + den_ref[1]
    agg = u / (den + 1e-9)
    x = agg + bg_ref[...]
    nodes = jnp.where(x > 0.0, x, jnp.exp(x) - 1.0)
    cols = lax.broadcasted_iota(jnp.int32, (1, NP2), 1)
    valid = cols < N
    nodes = jnp.where(valid, nodes, 0.0)

    q_star = jnp.zeros((1, 2 * D), jnp.float32)
    hh = jnp.zeros((1, D), jnp.float32)
    cc = jnp.zeros((1, D), jnp.float32)
    for _ in range(3):
        z = q_star @ wih_ref[...] + hh @ whh_ref[...] + bl_ref[...]
        zi = z[:, 0:D]
        zf = z[:, D:2 * D]
        zg = z[:, 2 * D:3 * D]
        zo = z[:, 3 * D:4 * D]
        cc = jax.nn.sigmoid(zf) * cc + jax.nn.sigmoid(zi) * jnp.tanh(zg)
        hh = jax.nn.sigmoid(zo) * jnp.tanh(cc)
        logits = hh @ nodes
        logits = jnp.where(valid, logits, -3.4e38)
        mx = jnp.max(logits)
        aw = jnp.exp(logits - mx)
        aw = aw / jnp.sum(aw)
        r = lax.dot_general(aw, nodes, (((1,), (1,)), ((), ())))
        q_star = jnp.concatenate([hh, r], axis=1)

    xm = jnp.maximum(q_star @ w1_ref[...] + b1_ref[...], 0.0)
    out_ref[...] = xm @ w2_ref[...] + b2_ref[...]


def _head(u2, den2, bg, wih, whh, bl, w1, b1, w2, b2):
    return pl.pallas_call(
        _head_body,
        out_shape=jax.ShapeDtypeStruct((1, 1), jnp.float32),
    )(u2, den2, bg, wih, whh, bl, w1, b1, w2, b2)


def kernel(node_feats, edge_index, gh, Wn, Wg, a_src, a_dst, b_gat,
           W_ih, W_hh, b_lstm, W1, b1, W2, b2):
    nf_pad = jnp.pad(node_feats, ((0, NP - N), (0, 0)))
    ht, ss, sd, mout = _project(
        nf_pad, Wn, gh, Wg, a_src.reshape(D, 1), a_dst.reshape(D, 1))

    pad = EP - E
    srcm = jnp.concatenate(
        [edge_index[0], jnp.zeros((pad,), jnp.int32)]).reshape(EROWS, C)
    dstm = jnp.concatenate(
        [edge_index[1], jnp.full((pad,), N, jnp.int32)]).reshape(EROWS, C)
    mval = jnp.broadcast_to(jnp.reshape(mout, ()), (16,))

    w, den2 = _phase1(srcm, dstm, ss.reshape(NP), sd.reshape(NP), mval)
    u2 = _phase2(ht, srcm.reshape(EP), dstm.reshape(EP), w)

    return _head(
        u2, den2[:, :NP2].reshape(2, 1, NP2), b_gat.reshape(D, 1), W_ih, W_hh,
        b_lstm.reshape(1, 4 * D), W1, b1.reshape(1, D), W2,
        b2.reshape(1, 1))

# --- scband reference (transcript-rebuilt; emitter-appended) ---
"""Pipeline reference for scband-graph-predictor-68015102099733 (READ-ONLY COPY).

The authoritative reference and input builder live on the scoring server;
editing this copy changes nothing except your own understanding.
"""

import jax, jax.numpy as jnp
import numpy as np

N = 10000
E = 320000
D = 128      # node_in_feats
H = 128      # graph_hidden_feats
OUT = 128    # node_out_feats
T = 3        # num_step_set2set
NT = 1       # n_tasks


def setup_inputs(seed: int = 0) -> dict:
    key = jax.random.key(seed)
    ks = jax.random.split(key, 16)
    s = 1.0 / np.sqrt(D)
    so = 1.0 / np.sqrt(OUT)
    inp = {}
    inp["node_feats"] = jax.random.normal(ks[0], (N, D), dtype=jnp.float32)
    inp["edge_index"] = jax.random.randint(ks[1], (2, E), 0, N, dtype=jnp.int32)
    inp["gh"] = jax.random.normal(ks[2], (1, H), dtype=jnp.float32)
    # LGGAT (GAT-style) parameters
    inp["Wn"] = jax.random.normal(ks[3], (D, OUT), dtype=jnp.float32) * s
    inp["Wg"] = jax.random.normal(ks[4], (H, OUT), dtype=jnp.float32) * s
    inp["a_src"] = jax.random.normal(ks[5], (OUT,), dtype=jnp.float32) * so
    inp["a_dst"] = jax.random.normal(ks[6], (OUT,), dtype=jnp.float32) * so
    inp["b_gat"] = jnp.zeros((OUT,), dtype=jnp.float32)
    # Set2Set LSTM parameters (input 2*OUT -> hidden OUT)
    inp["W_ih"] = jax.random.normal(ks[7], (2 * OUT, 4 * OUT), dtype=jnp.float32) * so
    inp["W_hh"] = jax.random.normal(ks[8], (OUT, 4 * OUT), dtype=jnp.float32) * so
    inp["b_lstm"] = jnp.zeros((4 * OUT,), dtype=jnp.float32)
    # prediction MLP: Linear(2*OUT -> OUT), ReLU, Linear(OUT -> NT)
    inp["W1"] = jax.random.normal(ks[9], (2 * OUT, OUT), dtype=jnp.float32) * so
    inp["b1"] = jnp.zeros((OUT,), dtype=jnp.float32)
    inp["W2"] = jax.random.normal(ks[10], (OUT, NT), dtype=jnp.float32) * so
    inp["b2"] = jnp.zeros((NT,), dtype=jnp.float32)
    return inp


def reference(node_feats, edge_index, gh, Wn, Wg, a_src, a_dst, b_gat,
              W_ih, W_hh, b_lstm, W1, b1, W2, b2):
    src = edge_index[0]
    dst = edge_index[1]
    # LGGAT layer: project node feats + graph hidden context, attention over edges
    h = node_feats @ Wn + gh @ Wg  # [N, OUT] (gh broadcast)
    e = jax.nn.leaky_relu(h[src] @ a_src + h[dst] @ a_dst, negative_slope=0.2)  # [E]
    m = jax.ops.segment_max(e, dst, num_segments=N)
    m = jnp.where(jnp.isfinite(m), m, 0.0)
    ex = jnp.exp(e - m[dst])
    denom = jax.ops.segment_sum(ex, dst, num_segments=N)
    alpha = ex / (denom[dst] + 1e-9)
    agg = jax.ops.segment_sum(alpha[:, None] * h[src], dst, num_segments=N)  # [N, OUT]
    nodes = jax.nn.elu(agg + b_gat)
    # Set2Set readout (single graph, n_iters=T, 1-layer LSTM)
    d = nodes.shape[1]
    q_star = jnp.zeros((1, 2 * d), dtype=nodes.dtype)
    hh = jnp.zeros((1, d), dtype=nodes.dtype)
    cc = jnp.zeros((1, d), dtype=nodes.dtype)
    for _ in range(T):
        z = q_star @ W_ih + hh @ W_hh + b_lstm
        i, f, g, o = jnp.split(z, 4, axis=1)
        cc = jax.nn.sigmoid(f) * cc + jax.nn.sigmoid(i) * jnp.tanh(g)
        hh = jax.nn.sigmoid(o) * jnp.tanh(cc)
        q = hh  # [1, d]
        logits = nodes @ q[0]  # [N]
        a = jax.nn.softmax(logits)
        r = jnp.sum(a[:, None] * nodes, axis=0, keepdims=True)  # [1, d]
        q_star = jnp.concatenate([q, r], axis=1)
    # predict MLP (dropout = identity at inference)
    x = q_star @ W1 + b1
    x = jax.nn.relu(x)
    return x @ W2 + b2  # [1, n_tasks]

if __name__ == "__main__":
    import jax
    _d = setup_inputs()
    print(jax.jit(kernel)(*tuple(_d.values())))

</pallas_src>

<mosaic_0001>
#map = affine_map<(d0, d1) -> (0, 0)>
#map1 = affine_map<(d0, d1) -> (0)>
#map2 = affine_map<(d0, d1) -> (0, 0, 0)>
module attributes {stable_mosaic.version = 14 : i64} {
  func.func @_p2_body(%arg0: i32, %arg1: i32, %arg2: memref<128x10240xf32, #tpu.memory_space<hbm>>, %arg3: memref<327680xi32, #tpu.memory_space<hbm>>, %arg4: memref<327680xi32, #tpu.memory_space<hbm>>, %arg5: memref<327680xf32, #tpu.memory_space<hbm>>, %arg6: memref<2x128x10112xf32, #tpu.memory_space<hbm>>, %arg7: memref<4x10112xi32, #tpu.memory_space<vmem>>, %arg8: memref<8x10112xf32, #tpu.memory_space<vmem>>, %arg9: memref<1024xi32, #tpu.memory_space<vmem>>, %arg10: memref<1024xi32, #tpu.memory_space<vmem>>, %arg11: memref<1024xf32, #tpu.memory_space<vmem>>, %arg12: memref<1024xi32, #tpu.memory_space<vmem>>, %arg13: memref<1024xi32, #tpu.memory_space<vmem>>, %arg14: memref<1024xf32, #tpu.memory_space<vmem>>, %arg15: memref<!tpu.dma_semaphore, #tpu.memory_space<semaphore_mem>>, %arg16: memref<!tpu.dma_semaphore, #tpu.memory_space<semaphore_mem>>) attributes {dimension_semantics = [#tpu.dimension_semantics<core_parallel>, #tpu.dimension_semantics<subcore_parallel>], iteration_bounds = array<i64: 2, 16>, scalar_prefetch = 0 : i64, scratch_operands = 10 : i64, tpu.core_type = #tpu.core_type<sc_vector_subcore>, window_params = [{transform_indices = #map}, {transform_indices = #map1}, {transform_indices = #map1}, {transform_indices = #map1}, {transform_indices = #map2}]} {
    %mul3A = arith.constant 8 : i32
    %mul3A_0 = arith.muli %arg1, %mul3A : i32
    "tpu.region"() ({
      %run_scoped3A = tpu.sem_alloc : memref<!tpu.dma_semaphore, #tpu.memory_space<semaphore_mem>>
      %dma_start3A_46 = arith.constant 0 : i32
      %dma_start3A_47 = tpu.memref_slice %arg2[%mul3A_0, %dma_start3A_46] : memref<128x10240xf32, #tpu.memory_space<hbm>> -> memref<8x10112xf32, #tpu.memory_space<hbm>>
      %dma_start3A_48 = arith.constant 0 : i32
      %dma_start3A_49 = tpu.memref_slice %arg2[%mul3A_0, %dma_start3A_48] : memref<128x10240xf32, #tpu.memory_space<hbm>> -> memref<8x10112xf32, #tpu.memory_space<hbm>>
      tpu.enqueue_dma source(%dma_start3A_49 : memref<8x10112xf32, #tpu.memory_space<hbm>>) target(%arg8 : memref<8x10112xf32, #tpu.memory_space<vmem>>) target_semaphore(%run_scoped3A : memref<!tpu.dma_semaphore, #tpu.memory_space<semaphore_mem>>)
      %dma_wait3A = arith.constant 0 : i32
      %dma_wait3A_50 = tpu.memref_slice %arg2[%mul3A_0, %dma_wait3A] : memref<128x10240xf32, #tpu.memory_space<hbm>> -> memref<8x10112xf32, #tpu.memory_space<hbm>>
      %dma_wait3A_51 = arith.constant 0 : i32
      %dma_wait3A_52 = tpu.memref_slice %arg2[%mul3A_0, %dma_wait3A_51] : memref<128x10240xf32, #tpu.memory_space<hbm>> -> memref<8x10112xf32, #tpu.memory_space<hbm>>
      tpu.wait_dma2 semaphore(%run_scoped3A : memref<!tpu.dma_semaphore, #tpu.memory_space<semaphore_mem>>) src(%dma_wait3A_52 : memref<8x10112xf32, #tpu.memory_space<hbm>>) dst(%arg8 : memref<8x10112xf32, #tpu.memory_space<vmem>>)
      tpu.yield
    }) : () -> ()
    %scan3A = arith.constant 0 : i32
    %scan3A_1 = arith.constant 0 : i32
    %scan3A_2 = arith.constant 632 : i32
    %scan3A_3 = arith.addi %scan3A_1, %scan3A_2 : i32
    %scan3A_4 = arith.constant 1 : i32
    %scan3A_5 = scf.for %scan3A_46 = %scan3A_1 to %scan3A_3 step %scan3A_4 iter_args(%scan3A_47 = %scan3A) -> (i32)  : i32 {
      %mul3A_48 = arith.constant 16 : i32
      %mul3A_49 = arith.muli %scan3A_46, %mul3A_48 : i32
      %get3A = arith.constant 0 : i32
      %get3A_50 = arith.index_cast %get3A : i32 to index
      %get3A_51 = arith.index_cast %mul3A_49 : i32 to index
      %get3A_52 = tpu.vector_load %arg8[%get3A_50, %get3A_51] {strides = array<i32>} : memref<8x10112xf32, #tpu.memory_space<vmem>>, vector<16xf32>,
      %mul3A_53 = arith.constant 16 : i32
      %mul3A_54 = arith.muli %scan3A_46, %mul3A_53 : i32
      %get3A_55 = arith.constant 1 : i32
      %get3A_56 = arith.index_cast %get3A_55 : i32 to index
      %get3A_57 = arith.index_cast %mul3A_54 : i32 to index
      %get3A_58 = tpu.vector_load %arg8[%get3A_56, %get3A_57] {strides = array<i32>} : memref<8x10112xf32, #tpu.memory_space<vmem>>, vector<16xf32>,
      %pack3A = tpu.pack_subelements %get3A_52, %get3A_58 {pack_format = #tpu.pack_format<interleaved>, positions = array<i32: 0, 1>} : vector<16xf32>, vector<16xf32> -> vector<32xbf16>
      %bitcast3A = vector.bitcast %pack3A : vector<32xbf16> to vector<16xi32>
      %mul3A_59 = arith.constant 16 : i32
      %mul3A_60 = arith.muli %scan3A_46, %mul3A_59 : i32
      %swap3A = arith.constant 0 : i32
      %swap3A_61 = arith.index_cast %swap3A : i32 to index
      %swap3A_62 = arith.index_cast %mul3A_60 : i32 to index
      %swap3A_63 = tpu.vector_load %arg7[%swap3A_61, %swap3A_62] {strides = array<i32>} : memref<4x10112xi32, #tpu.memory_space<vmem>>, vector<16xi32>,
      tpu.vector_store %arg7[%swap3A_61, %swap3A_62], %bitcast3A {strides = array<i32>} : memref<4x10112xi32, #tpu.memory_space<vmem>>, vector<16xi32>,
      %mul3A_64 = arith.constant 16 : i32
      %mul3A_65 = arith.muli %scan3A_46, %mul3A_64 : i32
      %get3A_66 = arith.constant 2 : i32
      %get3A_67 = arith.index_cast %get3A_66 : i32 to index
      %get3A_68 = arith.index_cast %mul3A_65 : i32 to index
      %get3A_69 = tpu.vector_load %arg8[%get3A_67, %get3A_68] {strides = array<i32>} : memref<8x10112xf32, #tpu.memory_space<vmem>>, vector<16xf32>,
      %mul3A_70 = arith.constant 16 : i32
      %mul3A_71 = arith.muli %scan3A_46, %mul3A_70 : i32
      %get3A_72 = arith.constant 3 : i32
      %get3A_73 = arith.index_cast %get3A_72 : i32 to index
      %get3A_74 = arith.index_cast %mul3A_71 : i32 to index
      %get3A_75 = tpu.vector_load %arg8[%get3A_73, %get3A_74] {strides = array<i32>} : memref<8x10112xf32, #tpu.memory_space<vmem>>, vector<16xf32>,
      %pack3A_76 = tpu.pack_subelements %get3A_69, %get3A_75 {pack_format = #tpu.pack_format<interleaved>, positions = array<i32: 0, 1>} : vector<16xf32>, vector<16xf32> -> vector<32xbf16>
      %bitcast3A_77 = vector.bitcast %pack3A_76 : vector<32xbf16> to vector<16xi32>
      %mul3A_78 = arith.constant 16 : i32
      %mul3A_79 = arith.muli %scan3A_46, %mul3A_78 : i32
      %swap3A_80 = arith.constant 1 : i32
      %swap3A_81 = arith.index_cast %swap3A_80 : i32 to index
      %swap3A_82 = arith.index_cast %mul3A_79 : i32 to index
      %swap3A_83 = tpu.vector_load %arg7[%swap3A_81, %swap3A_82] {strides = array<i32>} : memref<4x10112xi32, #tpu.memory_space<vmem>>, vector<16xi32>,
      tpu.vector_store %arg7[%swap3A_81, %swap3A_82], %bitcast3A_77 {strides = array<i32>} : memref<4x10112xi32, #tpu.memory_space<vmem>>, vector<16xi32>,
      %mul3A_84 = arith.constant 16 : i32
      %mul3A_85 = arith.muli %scan3A_46, %mul3A_84 : i32
      %get3A_86 = arith.constant 4 : i32
      %get3A_87 = arith.index_cast %get3A_86 : i32 to index
      %get3A_88 = arith.index_cast %mul3A_85 : i32 to index
      %get3A_89 = tpu.vector_load %arg8[%get3A_87, %get3A_88] {strides = array<i32>} : memref<8x10112xf32, #tpu.memory_space<vmem>>, vector<16xf32>,
      %mul3A_90 = arith.constant 16 : i32
      %mul3A_91 = arith.muli %scan3A_46, %mul3A_90 : i32
      %get3A_92 = arith.constant 5 : i32
      %get3A_93 = arith.index_cast %get3A_92 : i32 to index
      %get3A_94 = arith.index_cast %mul3A_91 : i32 to index
      %get3A_95 = tpu.vector_load %arg8[%get3A_93, %get3A_94] {strides = array<i32>} : memref<8x10112xf32, #tpu.memory_space<vmem>>, vector<16xf32>,
      %pack3A_96 = tpu.pack_subelements %get3A_89, %get3A_95 {pack_format = #tpu.pack_format<interleaved>, positions = array<i32: 0, 1>} : vector<16xf32>, vector<16xf32> -> vector<32xbf16>
      %bitcast3A_97 = vector.bitcast %pack3A_96 : vector<32xbf16> to vector<16xi32>
      %mul3A_98 = arith.constant 16 : i32
      %mul3A_99 = arith.muli %scan3A_46, %mul3A_98 : i32
      %swap3A_100 = arith.constant 2 : i32
      %swap3A_101 = arith.index_cast %swap3A_100 : i32 to index
      %swap3A_102 = arith.index_cast %mul3A_99 : i32 to index
      %swap3A_103 = tpu.vector_load %arg7[%swap3A_101, %swap3A_102] {strides = array<i32>} : memref<4x10112xi32, #tpu.memory_space<vmem>>, vector<16xi32>,
      tpu.vector_store %arg7[%swap3A_101, %swap3A_102], %bitcast3A_97 {strides = array<i32>} : memref<4x10112xi32, #tpu.memory_space<vmem>>, vector<16xi32>,
      %mul3A_104 = arith.constant 16 : i32
      %mul3A_105 = arith.muli %scan3A_46, %mul3A_104 : i32
      %get3A_106 = arith.constant 6 : i32
      %get3A_107 = arith.index_cast %get3A_106 : i32 to index
      %get3A_108 = arith.index_cast %mul3A_105 : i32 to index
      %get3A_109 = tpu.vector_load %arg8[%get3A_107, %get3A_108] {strides = array<i32>} : memref<8x10112xf32, #tpu.memory_space<vmem>>, vector<16xf32>,
      %mul3A_110 = arith.constant 16 : i32
      %mul3A_111 = arith.muli %scan3A_46, %mul3A_110 : i32
      %get3A_112 = arith.constant 7 : i32
      %get3A_113 = arith.index_cast %get3A_112 : i32 to index
      %get3A_114 = arith.index_cast %mul3A_111 : i32 to index
      %get3A_115 = tpu.vector_load %arg8[%get3A_113, %get3A_114] {strides = array<i32>} : memref<8x10112xf32, #tpu.memory_space<vmem>>, vector<16xf32>,
      %pack3A_116 = tpu.pack_subelements %get3A_109, %get3A_115 {pack_format = #tpu.pack_format<interleaved>, positions = array<i32: 0, 1>} : vector<16xf32>, vector<16xf32> -> vector<32xbf16>
      %bitcast3A_117 = vector.bitcast %pack3A_116 : vector<32xbf16> to vector<16xi32>
      %mul3A_118 = arith.constant 16 : i32
      %mul3A_119 = arith.muli %scan3A_46, %mul3A_118 : i32
      %swap3A_120 = arith.constant 3 : i32
      %swap3A_121 = arith.index_cast %swap3A_120 : i32 to index
      %swap3A_122 = arith.index_cast %mul3A_119 : i32 to index
      %swap3A_123 = tpu.vector_load %arg7[%swap3A_121, %swap3A_122] {strides = array<i32>} : memref<4x10112xi32, #tpu.memory_space<vmem>>, vector<16xi32>,
      tpu.vector_store %arg7[%swap3A_121, %swap3A_122], %bitcast3A_117 {strides = array<i32>} : memref<4x10112xi32, #tpu.memory_space<vmem>>, vector<16xi32>,
      %scan3A_124 = arith.constant 0 : i32
      scf.yield %scan3A_124 : i32
    }
    %scan3A_6 = arith.constant 632 : i32
    %scan3A_7 = arith.constant 0 : i32
    %scan3A_8 = arith.constant 0 : i32
    %scan3A_9 = arith.constant 632 : i32
    %scan3A_10 = arith.addi %scan3A_8, %scan3A_9 : i32
    %scan3A_11 = arith.constant 1 : i32
    %scan3A_12 = scf.for %scan3A_46 = %scan3A_8 to %scan3A_10 step %scan3A_11 iter_args(%scan3A_47 = %scan3A_7) -> (i32)  : i32 {
      %broadcast_in_dim3A_48 = arith.constant 0.000000e+00 : f32
      %broadcast_in_dim3A_49 = vector.broadcast %broadcast_in_dim3A_48 : f32 to vector<16xf32>
      %mul3A_50 = arith.constant 16 : i32
      %mul3A_51 = arith.muli %scan3A_46, %mul3A_50 : i32
      %swap3A = arith.constant 0 : i32
      %swap3A_52 = arith.index_cast %swap3A : i32 to index
      %swap3A_53 = arith.index_cast %mul3A_51 : i32 to index
      %swap3A_54 = tpu.vector_load %arg8[%swap3A_52, %swap3A_53] {strides = array<i32>} : memref<8x10112xf32, #tpu.memory_space<vmem>>, vector<16xf32>,
      tpu.vector_store %arg8[%swap3A_52, %swap3A_53], %broadcast_in_dim3A_49 {strides = array<i32>} : memref<8x10112xf32, #tpu.memory_space<vmem>>, vector<16xf32>,
      %broadcast_in_dim3A_55 = arith.constant 0.000000e+00 : f32
      %broadcast_in_dim3A_56 = vector.broadcast %broadcast_in_dim3A_55 : f32 to vector<16xf32>
      %mul3A_57 = arith.constant 16 : i32
      %mul3A_58 = arith.muli %scan3A_46, %mul3A_57 : i32
      %swap3A_59 = arith.constant 1 : i32
      %swap3A_60 = arith.index_cast %swap3A_59 : i32 to index
      %swap3A_61 = arith.index_cast %mul3A_58 : i32 to index
      %swap3A_62 = tpu.vector_load %arg8[%swap3A_60, %swap3A_61] {strides = array<i32>} : memref<8x10112xf32, #tpu.memory_space<vmem>>, vector<16xf32>,
      tpu.vector_store %arg8[%swap3A_60, %swap3A_61], %broadcast_in_dim3A_56 {strides = array<i32>} : memref<8x10112xf32, #tpu.memory_space<vmem>>, vector<16xf32>,
      %broadcast_in_dim3A_63 = arith.constant 0.000000e+00 : f32
      %broadcast_in_dim3A_64 = vector.broadcast %broadcast_in_dim3A_63 : f32 to vector<16xf32>
      %mul3A_65 = arith.constant 16 : i32
      %mul3A_66 = arith.muli %scan3A_46, %mul3A_65 : i32
      %swap3A_67 = arith.constant 2 : i32
      %swap3A_68 = arith.index_cast %swap3A_67 : i32 to index
      %swap3A_69 = arith.index_cast %mul3A_66 : i32 to index
      %swap3A_70 = tpu.vector_load %arg8[%swap3A_68, %swap3A_69] {strides = array<i32>} : memref<8x10112xf32, #tpu.memory_space<vmem>>, vector<16xf32>,
      tpu.vector_store %arg8[%swap3A_68, %swap3A_69], %broadcast_in_dim3A_64 {strides = array<i32>} : memref<8x10112xf32, #tpu.memory_space<vmem>>, vector<16xf32>,
      %broadcast_in_dim3A_71 = arith.constant 0.000000e+00 : f32
      %broadcast_in_dim3A_72 = vector.broadcast %broadcast_in_dim3A_71 : f32 to vector<16xf32>
      %mul3A_73 = arith.constant 16 : i32
      %mul3A_74 = arith.muli %scan3A_46, %mul3A_73 : i32
      %swap3A_75 = arith.constant 3 : i32
      %swap3A_76 = arith.index_cast %swap3A_75 : i32 to index
      %swap3A_77 = arith.index_cast %mul3A_74 : i32 to index
      %swap3A_78 = tpu.vector_load %arg8[%swap3A_76, %swap3A_77] {strides = array<i32>} : memref<8x10112xf32, #tpu.memory_space<vmem>>, vector<16xf32>,
      tpu.vector_store %arg8[%swap3A_76, %swap3A_77], %broadcast_in_dim3A_72 {strides = array<i32>} : memref<8x10112xf32, #tpu.memory_space<vmem>>, vector<16xf32>,
      %broadcast_in_dim3A_79 = arith.constant 0.000000e+00 : f32
      %broadcast_in_dim3A_80 = vector.broadcast %broadcast_in_dim3A_79 : f32 to vector<16xf32>
      %mul3A_81 = arith.constant 16 : i32
      %mul3A_82 = arith.muli %scan3A_46, %mul3A_81 : i32
      %swap3A_83 = arith.constant 4 : i32
      %swap3A_84 = arith.index_cast %swap3A_83 : i32 to index
      %swap3A_85 = arith.index_cast %mul3A_82 : i32 to index
      %swap3A_86 = tpu.vector_load %arg8[%swap3A_84, %swap3A_85] {strides = array<i32>} : memref<8x10112xf32, #tpu.memory_space<vmem>>, vector<16xf32>,
      tpu.vector_store %arg8[%swap3A_84, %swap3A_85], %broadcast_in_dim3A_80 {strides = array<i32>} : memref<8x10112xf32, #tpu.memory_space<vmem>>, vector<16xf32>,
      %broadcast_in_dim3A_87 = arith.constant 0.000000e+00 : f32
      %broadcast_in_dim3A_88 = vector.broadcast %broadcast_in_dim3A_87 : f32 to vector<16xf32>
      %mul3A_89 = arith.constant 16 : i32
      %mul3A_90 = arith.muli %scan3A_46, %mul3A_89 : i32
      %swap3A_91 = arith.constant 5 : i32
      %swap3A_92 = arith.index_cast %swap3A_91 : i32 to index
      %swap3A_93 = arith.index_cast %mul3A_90 : i32 to index
      %swap3A_94 = tpu.vector_load %arg8[%swap3A_92, %swap3A_93] {strides = array<i32>} : memref<8x10112xf32, #tpu.memory_space<vmem>>, vector<16xf32>,
      tpu.vector_store %arg8[%swap3A_92, %swap3A_93], %broadcast_in_dim3A_88 {strides = array<i32>} : memref<8x10112xf32, #tpu.memory_space<vmem>>, vector<16xf32>,
      %broadcast_in_dim3A_95 = arith.constant 0.000000e+00 : f32
      %broadcast_in_dim3A_96 = vector.broadcast %broadcast_in_dim3A_95 : f32 to vector<16xf32>
      %mul3A_97 = arith.constant 16 : i32
      %mul3A_98 = arith.muli %scan3A_46, %mul3A_97 : i32
      %swap3A_99 = arith.constant 6 : i32
      %swap3A_100 = arith.index_cast %swap3A_99 : i32 to index
      %swap3A_101 = arith.index_cast %mul3A_98 : i32 to index
      %swap3A_102 = tpu.vector_load %arg8[%swap3A_100, %swap3A_101] {strides = array<i32>} : memref<8x10112xf32, #tpu.memory_space<vmem>>, vector<16xf32>,
      tpu.vector_store %arg8[%swap3A_100, %swap3A_101], %broadcast_in_dim3A_96 {strides = array<i32>} : memref<8x10112xf32, #tpu.memory_space<vmem>>, vector<16xf32>,
      %broadcast_in_dim3A_103 = arith.constant 0.000000e+00 : f32
      %broadcast_in_dim3A_104 = vector.broadcast %broadcast_in_dim3A_103 : f32 to vector<16xf32>
      %mul3A_105 = arith.constant 16 : i32
      %mul3A_106 = arith.muli %scan3A_46, %mul3A_105 : i32
      %swap3A_107 = arith.constant 7 : i32
      %swap3A_108 = arith.index_cast %swap3A_107 : i32 to index
      %swap3A_109 = arith.index_cast %mul3A_106 : i32 to index
      %swap3A_110 = tpu.vector_load %arg8[%swap3A_108, %swap3A_109] {strides = array<i32>} : memref<8x10112xf32, #tpu.memory_space<vmem>>, vector<16xf32>,
      tpu.vector_store %arg8[%swap3A_108, %swap3A_109], %broadcast_in_dim3A_104 {strides = array<i32>} : memref<8x10112xf32, #tpu.memory_space<vmem>>, vector<16xf32>,
      %scan3A_111 = arith.constant 0 : i32
      scf.yield %scan3A_111 : i32
    }
    %scan3A_13 = arith.constant 632 : i32
    %broadcast_in_dim3A = arith.constant 0 : i32
    %broadcast_in_dim3A_14 = vector.broadcast %broadcast_in_dim3A : i32 to vector<16xi32>
    %broadcast_in_dim3A_15 = arith.constant 1 : i32
    %broadcast_in_dim3A_16 = vector.broadcast %broadcast_in_dim3A_15 : i32 to vector<16xi32>
    %broadcast_in_dim3A_17 = arith.constant 2 : i32
    %broadcast_in_dim3A_18 = vector.broadcast %broadcast_in_dim3A_17 : i32 to vector<16xi32>
    %broadcast_in_dim3A_19 = arith.constant 3 : i32
    %broadcast_in_dim3A_20 = vector.broadcast %broadcast_in_dim3A_19 : i32 to vector<16xi32>
    %broadcast_in_dim3A_21 = arith.constant 4 : i32
    %broadcast_in_dim3A_22 = vector.broadcast %broadcast_in_dim3A_21 : i32 to vector<16xi32>
    %broadcast_in_dim3A_23 = arith.constant 5 : i32
    %broadcast_in_dim3A_24 = vector.broadcast %broadcast_in_dim3A_23 : i32 to vector<16xi32>
    %broadcast_in_dim3A_25 = arith.constant 6 : i32
    %broadcast_in_dim3A_26 = vector.broadcast %broadcast_in_dim3A_25 : i32 to vector<16xi32>
    %broadcast_in_dim3A_27 = arith.constant 7 : i32
    %broadcast_in_dim3A_28 = vector.broadcast %broadcast_in_dim3A_27 : i32 to vector<16xi32>
    %mul3A_29 = arith.constant 163840 : i32
    %mul3A_30 = arith.muli %arg0, %mul3A_29 : i32
    %add3A = arith.constant 0 : i32
    %add3A_31 = arith.addi %mul3A_30, %add3A : i32
    %dma_start3A = tpu.memref_slice %arg3[%add3A_31] : memref<327680xi32, #tpu.memory_space<hbm>> -> memref<1024xi32, #tpu.memory_space<hbm>>
    %dma_start3A_32 = tpu.memref_slice %arg3[%add3A_31] : memref<327680xi32, #tpu.memory_space<hbm>> -> memref<1024xi32, #tpu.memory_space<hbm>>
    tpu.enqueue_dma source(%dma_start3A_32 : memref<1024xi32, #tpu.memory_space<hbm>>) target(%arg9 : memref<1024xi32, #tpu.memory_space<vmem>>) target_semaphore(%arg15 : memref<!tpu.dma_semaphore, #tpu.memory_space<semaphore_mem>>)
    %dma_start3A_33 = tpu.memref_slice %arg4[%add3A_31] : memref<327680xi32, #tpu.memory_space<hbm>> -> memref<1024xi32, #tpu.memory_space<hbm>>
    %dma_start3A_34 = tpu.memref_slice %arg4[%add3A_31] : memref<327680xi32, #tpu.memory_space<hbm>> -> memref<1024xi32, #tpu.memory_space<hbm>>
    tpu.enqueue_dma source(%dma_start3A_34 : memref<1024xi32, #tpu.memory_space<hbm>>) target(%arg10 : memref<1024xi32, #tpu.memory_space<vmem>>) target_semaphore(%arg15 : memref<!tpu.dma_semaphore, #tpu.memory_space<semaphore_mem>>)
    %dma_start3A_35 = tpu.memref_slice %arg5[%add3A_31] : memref<327680xf32, #tpu.memory_space<hbm>> -> memref<1024xf32, #tpu.memory_space<hbm>>
    %dma_start3A_36 = tpu.memref_slice %arg5[%add3A_31] : memref<327680xf32, #tpu.memory_space<hbm>> -> memref<1024xf32, #tpu.memory_space<hbm>>
    tpu.enqueue_dma source(%dma_start3A_36 : memref<1024xf32, #tpu.memory_space<hbm>>) target(%arg11 : memref<1024xf32, #tpu.memory_space<vmem>>) target_semaphore(%arg15 : memref<!tpu.dma_semaphore, #tpu.memory_space<semaphore_mem>>)
    %scan3A_37 = arith.constant 0 : i32
    %scan3A_38 = arith.constant 0 : i32
    %scan3A_39 = arith.constant 160 : i32
    %scan3A_40 = arith.addi %scan3A_38, %scan3A_39 : i32
    %scan3A_41 = arith.constant 1 : i32
    %scan3A_42 = scf.for %scan3A_46 = %scan3A_38 to %scan3A_40 step %scan3A_41 iter_args(%scan3A_47 = %scan3A_37) -> (i32)  : i32 {
      %add3A_48 = arith.constant 1 : i32
      %add3A_49 = arith.addi %scan3A_46, %add3A_48 : i32
      %lt3A = arith.constant 160 : i32
      %lt3A_50 = arith.cmpi slt, %add3A_49, %lt3A : i32
      %jit3A = arith.constant 2 : i32
      %eq3A = arith.constant 0 : i32
      %eq3A_51 = arith.cmpi eq, %jit3A, %eq3A : i32
      %jit3A_52 = arith.constant 1 : i32
      %select_n3A = arith.select %eq3A_51, %jit3A_52, %jit3A : i32
      %rem3A = arith.remsi %scan3A_46, %select_n3A : i32
      %ne3A = arith.constant 0 : i32
      %ne3A_53 = arith.cmpi ne, %rem3A, %ne3A : i32
      %lt3A_54 = arith.constant 0 : i32
      %lt3A_55 = arith.cmpi slt, %rem3A, %lt3A_54 : i32
      %lt3A_56 = arith.constant 0 : i32
      %lt3A_57 = arith.cmpi slt, %select_n3A, %lt3A_56 : i32
      %ne3A_58 = arith.xori %lt3A_55, %lt3A_57 : i1
      %and3A = arith.andi %ne3A_58, %ne3A_53 : i1
      %add3A_59 = arith.addi %rem3A, %select_n3A : i32
      %select_n3A_60 = arith.select %and3A, %add3A_59, %rem3A : i32
      %eq3A_61 = arith.constant 0 : i32
      %eq3A_62 = arith.cmpi eq, %select_n3A_60, %eq3A_61 : i32
      %and3A_63 = arith.andi %lt3A_50, %eq3A_62 : i1
      %convert_element_type3A = arith.extui %and3A_63 : i1 to i32
      %cond3A = arith.constant 0 : i32
      %cond3A_64 = arith.cmpi ne, %convert_element_type3A, %cond3A : i32
      scf.if %cond3A_64 {
        %add3A_134 = arith.constant 1 : i32
        %add3A_135 = arith.addi %scan3A_46, %add3A_134 : i32
        %mul3A_136 = arith.constant 1024 : i32
        %mul3A_137 = arith.muli %add3A_135, %mul3A_136 : i32
        %add3A_138 = arith.addi %mul3A_30, %mul3A_137 : i32
        %dma_start3A_139 = tpu.memref_slice %arg3[%add3A_138] : memref<327680xi32, #tpu.memory_space<hbm>> -> memref<1024xi32, #tpu.memory_space<hbm>>
        %dma_start3A_140 = tpu.memref_slice %arg3[%add3A_138] : memref<327680xi32, #tpu.memory_space<hbm>> -> memref<1024xi32, #tpu.memory_space<hbm>>
        tpu.enqueue_dma source(%dma_start3A_140 : memref<1024xi32, #tpu.memory_space<hbm>>) target(%arg12 : memref<1024xi32, #tpu.memory_space<vmem>>) target_semaphore(%arg16 : memref<!tpu.dma_semaphore, #tpu.memory_space<semaphore_mem>>)
        %dma_start3A_141 = tpu.memref_slice %arg4[%add3A_138] : memref<327680xi32, #tpu.memory_space<hbm>> -> memref<1024xi32, #tpu.memory_space<hbm>>
        %dma_start3A_142 = tpu.memref_slice %arg4[%add3A_138] : memref<327680xi32, #tpu.memory_space<hbm>> -> memref<1024xi32, #tpu.memory_space<hbm>>
        tpu.enqueue_dma source(%dma_start3A_142 : memref<1024xi32, #tpu.memory_space<hbm>>) target(%arg13 : memref<1024xi32, #tpu.memory_space<vmem>>) target_semaphore(%arg16 : memref<!tpu.dma_semaphore, #tpu.memory_space<semaphore_mem>>)
        %dma_start3A_143 = tpu.memref_slice %arg5[%add3A_138] : memref<327680xf32, #tpu.memory_space<hbm>> -> memref<1024xf32, #tpu.memory_space<hbm>>
        %dma_start3A_144 = tpu.memref_slice %arg5[%add3A_138] : memref<327680xf32, #tpu.memory_space<hbm>> -> memref<1024xf32, #tpu.memory_space<hbm>>
        tpu.enqueue_dma source(%dma_start3A_144 : memref<1024xf32, #tpu.memory_space<hbm>>) target(%arg14 : memref<1024xf32, #tpu.memory_space<vmem>>) target_semaphore(%arg16 : memref<!tpu.dma_semaphore, #tpu.memory_space<semaphore_mem>>)
      } else {
      }
      %add3A_65 = arith.constant 1 : i32
      %add3A_66 = arith.addi %scan3A_46, %add3A_65 : i32
      %lt3A_67 = arith.constant 160 : i32
      %lt3A_68 = arith.cmpi slt, %add3A_66, %lt3A_67 : i32
      %jit3A_69 = arith.constant 2 : i32
      %eq3A_70 = arith.constant 0 : i32
      %eq3A_71 = arith.cmpi eq, %jit3A_69, %eq3A_70 : i32
      %jit3A_72 = arith.constant 1 : i32
      %select_n3A_73 = arith.select %eq3A_71, %jit3A_72, %jit3A_69 : i32
      %rem3A_74 = arith.remsi %scan3A_46, %select_n3A_73 : i32
      %ne3A_75 = arith.constant 0 : i32
      %ne3A_76 = arith.cmpi ne, %rem3A_74, %ne3A_75 : i32
      %lt3A_77 = arith.constant 0 : i32
      %lt3A_78 = arith.cmpi slt, %rem3A_74, %lt3A_77 : i32
      %lt3A_79 = arith.constant 0 : i32
      %lt3A_80 = arith.cmpi slt, %select_n3A_73, %lt3A_79 : i32
      %ne3A_81 = arith.xori %lt3A_78, %lt3A_80 : i1
      %and3A_82 = arith.andi %ne3A_81, %ne3A_76 : i1
      %add3A_83 = arith.addi %rem3A_74, %select_n3A_73 : i32
      %select_n3A_84 = arith.select %and3A_82, %add3A_83, %rem3A_74 : i32
      %eq3A_85 = arith.constant 1 : i32
      %eq3A_86 = arith.cmpi eq, %select_n3A_84, %eq3A_85 : i32
      %and3A_87 = arith.andi %lt3A_68, %eq3A_86 : i1
      %convert_element_type3A_88 = arith.extui %and3A_87 : i1 to i32
      %cond3A_89 = arith.constant 0 : i32
      %cond3A_90 = arith.cmpi ne, %convert_element_type3A_88, %cond3A_89 : i32
      scf.if %cond3A_90 {
        %add3A_134 = arith.constant 1 : i32
        %add3A_135 = arith.addi %scan3A_46, %add3A_134 : i32
        %mul3A_136 = arith.constant 1024 : i32
        %mul3A_137 = arith.muli %add3A_135, %mul3A_136 : i32
        %add3A_138 = arith.addi %mul3A_30, %mul3A_137 : i32
        %dma_start3A_139 = tpu.memref_slice %arg3[%add3A_138] : memref<327680xi32, #tpu.memory_space<hbm>> -> memref<1024xi32, #tpu.memory_space<hbm>>
        %dma_start3A_140 = tpu.memref_slice %arg3[%add3A_138] : memref<327680xi32, #tpu.memory_space<hbm>> -> memref<1024xi32, #tpu.memory_space<hbm>>
        tpu.enqueue_dma source(%dma_start3A_140 : memref<1024xi32, #tpu.memory_space<hbm>>) target(%arg9 : memref<1024xi32, #tpu.memory_space<vmem>>) target_semaphore(%arg15 : memref<!tpu.dma_semaphore, #tpu.memory_space<semaphore_mem>>)
        %dma_start3A_141 = tpu.memref_slice %arg4[%add3A_138] : memref<327680xi32, #tpu.memory_space<hbm>> -> memref<1024xi32, #tpu.memory_space<hbm>>
        %dma_start3A_142 = tpu.memref_slice %arg4[%add3A_138] : memref<327680xi32, #tpu.memory_space<hbm>> -> memref<1024xi32, #tpu.memory_space<hbm>>
        tpu.enqueue_dma source(%dma_start3A_142 : memref<1024xi32, #tpu.memory_space<hbm>>) target(%arg10 : memref<1024xi32, #tpu.memory_space<vmem>>) target_semaphore(%arg15 : memref<!tpu.dma_semaphore, #tpu.memory_space<semaphore_mem>>)
        %dma_start3A_143 = tpu.memref_slice %arg5[%add3A_138] : memref<327680xf32, #tpu.memory_space<hbm>> -> memref<1024xf32, #tpu.memory_space<hbm>>
        %dma_start3A_144 = tpu.memref_slice %arg5[%add3A_138] : memref<327680xf32, #tpu.memory_space<hbm>> -> memref<1024xf32, #tpu.memory_space<hbm>>
        tpu.enqueue_dma source(%dma_start3A_144 : memref<1024xf32, #tpu.memory_space<hbm>>) target(%arg11 : memref<1024xf32, #tpu.memory_space<vmem>>) target_semaphore(%arg15 : memref<!tpu.dma_semaphore, #tpu.memory_space<semaphore_mem>>)
      } else {
      }
      %jit3A_91 = arith.constant 2 : i32
      %eq3A_92 = arith.constant 0 : i32
      %eq3A_93 = arith.cmpi eq, %jit3A_91, %eq3A_92 : i32
      %jit3A_94 = arith.constant 1 : i32
      %select_n3A_95 = arith.select %eq3A_93, %jit3A_94, %jit3A_91 : i32
      %rem3A_96 = arith.remsi %scan3A_46, %select_n3A_95 : i32
      %ne3A_97 = arith.constant 0 : i32
      %ne3A_98 = arith.cmpi ne, %rem3A_96, %ne3A_97 : i32
      %lt3A_99 = arith.constant 0 : i32
      %lt3A_100 = arith.cmpi slt, %rem3A_96, %lt3A_99 : i32
      %lt3A_101 = arith.constant 0 : i32
      %lt3A_102 = arith.cmpi slt, %select_n3A_95, %lt3A_101 : i32
      %ne3A_103 = arith.xori %lt3A_100, %lt3A_102 : i1
      %and3A_104 = arith.andi %ne3A_103, %ne3A_98 : i1
      %add3A_105 = arith.addi %rem3A_96, %select_n3A_95 : i32
      %select_n3A_106 = arith.select %and3A_104, %add3A_105, %rem3A_96 : i32
      %eq3A_107 = arith.constant 0 : i32
      %eq3A_108 = arith.cmpi eq, %select_n3A_106, %eq3A_107 : i32
      %convert_element_type3A_109 = arith.extui %eq3A_108 : i1 to i32
      %cond3A_110 = arith.constant 0 : i32
      %cond3A_111 = arith.cmpi ne, %convert_element_type3A_109, %cond3A_110 : i32
      scf.if %cond3A_111 {
        %mul3A_134 = arith.constant 1024 : i32
        %mul3A_135 = arith.muli %scan3A_46, %mul3A_134 : i32
        %add3A_136 = arith.addi %mul3A_30, %mul3A_135 : i32
        %dma_wait3A = tpu.memref_slice %arg3[%add3A_136] : memref<327680xi32, #tpu.memory_space<hbm>> -> memref<1024xi32, #tpu.memory_space<hbm>>
        %dma_wait3A_137 = tpu.memref_slice %arg3[%add3A_136] : memref<327680xi32, #tpu.memory_space<hbm>> -> memref<1024xi32, #tpu.memory_space<hbm>>
        tpu.wait_dma2 semaphore(%arg15 : memref<!tpu.dma_semaphore, #tpu.memory_space<semaphore_mem>>) src(%dma_wait3A_137 : memref<1024xi32, #tpu.memory_space<hbm>>) dst(%arg9 : memref<1024xi32, #tpu.memory_space<vmem>>)
        %dma_wait3A_138 = tpu.memref_slice %arg4[%add3A_136] : memref<327680xi32, #tpu.memory_space<hbm>> -> memref<1024xi32, #tpu.memory_space<hbm>>
        %dma_wait3A_139 = tpu.memref_slice %arg4[%add3A_136] : memref<327680xi32, #tpu.memory_space<hbm>> -> memref<1024xi32, #tpu.memory_space<hbm>>
        tpu.wait_dma2 semaphore(%arg15 : memref<!tpu.dma_semaphore, #tpu.memory_space<semaphore_mem>>) src(%dma_wait3A_139 : memref<1024xi32, #tpu.memory_space<hbm>>) dst(%arg10 : memref<1024xi32, #tpu.memory_space<vmem>>)
        %dma_wait3A_140 = tpu.memref_slice %arg5[%add3A_136] : memref<327680xf32, #tpu.memory_space<hbm>> -> memref<1024xf32, #tpu.memory_space<hbm>>
        %dma_wait3A_141 = tpu.memref_slice %arg5[%add3A_136] : memref<327680xf32, #tpu.memory_space<hbm>> -> memref<1024xf32, #tpu.memory_space<hbm>>
        tpu.wait_dma2 semaphore(%arg15 : memref<!tpu.dma_semaphore, #tpu.memory_space<semaphore_mem>>) src(%dma_wait3A_141 : memref<1024xf32, #tpu.memory_space<hbm>>) dst(%arg11 : memref<1024xf32, #tpu.memory_space<vmem>>)
        %scan3A_142 = arith.constant 0 : i32
        %scan3A_143 = arith.constant 0 : i32
        %scan3A_144 = arith.constant 64 : i32
        %scan3A_145 = arith.addi %scan3A_143, %scan3A_144 : i32
        %scan3A_146 = arith.constant 4 : i32
        %scan3A_147 = scf.for %scan3A_149 = %scan3A_143 to %scan3A_145 step %scan3A_146 iter_args(%scan3A_150 = %scan3A_142) -> (i32)  : i32 {
          %mul3A_151 = arith.constant 16 : i32
          %mul3A_152 = arith.muli %scan3A_149, %mul3A_151 : i32
          %get3A = arith.index_cast %mul3A_152 : i32 to index
          %get3A_153 = tpu.vector_load %arg9[%get3A] {strides = array<i32>} : memref<1024xi32, #tpu.memory_space<vmem>>, vector<16xi32>,
          %get3A_154 = arith.index_cast %mul3A_152 : i32 to index
          %get3A_155 = tpu.vector_load %arg10[%get3A_154] {strides = array<i32>} : memref<1024xi32, #tpu.memory_space<vmem>>, vector<16xi32>,
          %get3A_156 = arith.index_cast %mul3A_152 : i32 to index
          %get3A_157 = tpu.vector_load %arg11[%get3A_156] {strides = array<i32>} : memref<1024xf32, #tpu.memory_space<vmem>>, vector<16xf32>,
          %gather3A = tpu.vector_load_idx %arg7[%broadcast_in_dim3A_14, %get3A_153] : memref<4x10112xi32, #tpu.memory_space<vmem>>[vector<16xi32>, vector<16xi32>], vector<16xi32>,
          %bitcast3A = vector.bitcast %gather3A : vector<16xi32> to vector<32xbf16>
          %unpack3A = tpu.unpack_subelements %bitcast3A, 0 {pack_format = #tpu.pack_format<interleaved>} : vector<32xbf16> -> vector<16xf32>
          %unpack3A_158 = tpu.unpack_subelements %bitcast3A, 1 {pack_format = #tpu.pack_format<interleaved>} : vector<32xbf16> -> vector<16xf32>
          %mul3A_159 = arith.mulf %get3A_157, %unpack3A : vector<16xf32>
          tpu.vector_store_idx %arg8[%broadcast_in_dim3A_14, %get3A_155], %mul3A_159 {add = true} : memref<8x10112xf32, #tpu.memory_space<vmem>>[vector<16xi32>, vector<16xi32>], vector<16xf32>,
          %mul3A_160 = arith.mulf %get3A_157, %unpack3A_158 : vector<16xf32>
          tpu.vector_store_idx %arg8[%broadcast_in_dim3A_16, %get3A_155], %mul3A_160 {add = true} : memref<8x10112xf32, #tpu.memory_space<vmem>>[vector<16xi32>, vector<16xi32>], vector<16xf32>,
          %gather3A_161 = tpu.vector_load_idx %arg7[%broadcast_in_dim3A_16, %get3A_153] : memref<4x10112xi32, #tpu.memory_space<vmem>>[vector<16xi32>, vector<16xi32>], vector<16xi32>,
          %bitcast3A_162 = vector.bitcast %gather3A_161 : vector<16xi32> to vector<32xbf16>
          %unpack3A_163 = tpu.unpack_subelements %bitcast3A_162, 0 {pack_format = #tpu.pack_format<interleaved>} : vector<32xbf16> -> vector<16xf32>
          %unpack3A_164 = tpu.unpack_subelements %bitcast3A_162, 1 {pack_format = #tpu.pack_format<interleaved>} : vector<32xbf16> -> vector<16xf32>
          %mul3A_165 = arith.mulf %get3A_157, %unpack3A_163 : vector<16xf32>
          tpu.vector_store_idx %arg8[%broadcast_in_dim3A_18, %get3A_155], %mul3A_165 {add = true} : memref<8x10112xf32, #tpu.memory_space<vmem>>[vector<16xi32>, vector<16xi32>], vector<16xf32>,
          %mul3A_166 = arith.mulf %get3A_157, %unpack3A_164 : vector<16xf32>
          tpu.vector_store_idx %arg8[%broadcast_in_dim3A_20, %get3A_155], %mul3A_166 {add = true} : memref<8x10112xf32, #tpu.memory_space<vmem>>[vector<16xi32>, vector<16xi32>], vector<16xf32>,
          %gather3A_167 = tpu.vector_load_idx %arg7[%broadcast_in_dim3A_18, %get3A_153] : memref<4x10112xi32, #tpu.memory_space<vmem>>[vector<16xi32>, vector<16xi32>], vector<16xi32>,
          %bitcast3A_168 = vector.bitcast %gather3A_167 : vector<16xi32> to vector<32xbf16>
          %unpack3A_169 = tpu.unpack_subelements %bitcast3A_168, 0 {pack_format = #tpu.pack_format<interleaved>} : vector<32xbf16> -> vector<16xf32>
          %unpack3A_170 = tpu.unpack_subelements %bitcast3A_168, 1 {pack_format = #tpu.pack_format<interleaved>} : vector<32xbf16> -> vector<16xf32>
          %mul3A_171 = arith.mulf %get3A_157, %unpack3A_169 : vector<16xf32>
          tpu.vector_store_idx %arg8[%broadcast_in_dim3A_22, %get3A_155], %mul3A_171 {add = true} : memref<8x10112xf32, #tpu.memory_space<vmem>>[vector<16xi32>, vector<16xi32>], vector<16xf32>,
          %mul3A_172 = arith.mulf %get3A_157, %unpack3A_170 : vector<16xf32>
          tpu.vector_store_idx %arg8[%broadcast_in_dim3A_24, %get3A_155], %mul3A_172 {add = true} : memref<8x10112xf32, #tpu.memory_space<vmem>>[vector<16xi32>, vector<16xi32>], vector<16xf32>,
          %gather3A_173 = tpu.vector_load_idx %arg7[%broadcast_in_dim3A_20, %get3A_153] : memref<4x10112xi32, #tpu.memory_space<vmem>>[vector<16xi32>, vector<16xi32>], vector<16xi32>,
          %bitcast3A_174 = vector.bitcast %gather3A_173 : vector<16xi32> to vector<32xbf16>
          %unpack3A_175 = tpu.unpack_subelements %bitcast3A_174, 0 {pack_format = #tpu.pack_format<interleaved>} : vector<32xbf16> -> vector<16xf32>
          %unpack3A_176 = tpu.unpack_subelements %bitcast3A_174, 1 {pack_format = #tpu.pack_format<interleaved>} : vector<32xbf16> -> vector<16xf32>
          %mul3A_177 = arith.mulf %get3A_157, %unpack3A_175 : vector<16xf32>
          tpu.vector_store_idx %arg8[%broadcast_in_dim3A_26, %get3A_155], %mul3A_177 {add = true} : memref<8x10112xf32, #tpu.memory_space<vmem>>[vector<16xi32>, vector<16xi32>], vector<16xf32>,
          %mul3A_178 = arith.mulf %get3A_157, %unpack3A_176 : vector<16xf32>
          tpu.vector_store_idx %arg8[%broadcast_in_dim3A_28, %get3A_155], %mul3A_178 {add = true} : memref<8x10112xf32, #tpu.memory_space<vmem>>[vector<16xi32>, vector<16xi32>], vector<16xf32>,
          %scan3A_179 = arith.constant 0 : i32
          %scan3A_180 = arith.constant 1 : i32
          %scan3A_181 = arith.addi %scan3A_149, %scan3A_180 : i32
          %mul3A_182 = arith.constant 16 : i32
          %mul3A_183 = arith.muli %scan3A_181, %mul3A_182 : i32
          %get3A_184 = arith.index_cast %mul3A_183 : i32 to index
          %get3A_185 = tpu.vector_load %arg9[%get3A_184] {strides = array<i32>} : memref<1024xi32, #tpu.memory_space<vmem>>, vector<16xi32>,
          %get3A_186 = arith.index_cast %mul3A_183 : i32 to index
          %get3A_187 = tpu.vector_load %arg10[%get3A_186] {strides = array<i32>} : memref<1024xi32, #tpu.memory_space<vmem>>, vector<16xi32>,
          %get3A_188 = arith.index_cast %mul3A_183 : i32 to index
          %get3A_189 = tpu.vector_load %arg11[%get3A_188] {strides = array<i32>} : memref<1024xf32, #tpu.memory_space<vmem>>, vector<16xf32>,
          %gather3A_190 = tpu.vector_load_idx %arg7[%broadcast_in_dim3A_14, %get3A_185] : memref<4x10112xi32, #tpu.memory_space<vmem>>[vector<16xi32>, vector<16xi32>], vector<16xi32>,
          %bitcast3A_191 = vector.bitcast %gather3A_190 : vector<16xi32> to vector<32xbf16>
          %unpack3A_192 = tpu.unpack_subelements %bitcast3A_191, 0 {pack_format = #tpu.pack_format<interleaved>} : vector<32xbf16> -> vector<16xf32>
          %unpack3A_193 = tpu.unpack_subelements %bitcast3A_191, 1 {pack_format = #tpu.pack_format<interleaved>} : vector<32xbf16> -> vector<16xf32>
          %mul3A_194 = arith.mulf %get3A_189, %unpack3A_192 : vector<16xf32>
          tpu.vector_store_idx %arg8[%broadcast_in_dim3A_14, %get3A_187], %mul3A_194 {add = true} : memref<8x10112xf32, #tpu.memory_space<vmem>>[vector<16xi32>, vector<16xi32>], vector<16xf32>,
          %mul3A_195 = arith.mulf %get3A_189, %unpack3A_193 : vector<16xf32>
          tpu.vector_store_idx %arg8[%broadcast_in_dim3A_16, %get3A_187], %mul3A_195 {add = true} : memref<8x10112xf32, #tpu.memory_space<vmem>>[vector<16xi32>, vector<16xi32>], vector<16xf32>,
          %gather3A_196 = tpu.vector_load_idx %arg7[%broadcast_in_dim3A_16, %get3A_185] : memref<4x10112xi32, #tpu.memory_space<vmem>>[vector<16xi32>, vector<16xi32>], vector<16xi32>,
          %bitcast3A_197 = vector.bitcast %gather3A_196 : vector<16xi32> to vector<32xbf16>
          %unpack3A_198 = tpu.unpack_subelements %bitcast3A_197, 0 {pack_format = #tpu.pack_format<interleaved>} : vector<32xbf16> -> vector<16xf32>
          %unpack3A_199 = tpu.unpack_subelements %bitcast3A_197, 1 {pack_format = #tpu.pack_format<interleaved>} : vector<32xbf16> -> vector<16xf32>
          %mul3A_200 = arith.mulf %get3A_189, %unpack3A_198 : vector<16xf32>
          tpu.vector_store_idx %arg8[%broadcast_in_dim3A_18, %get3A_187], %mul3A_200 {add = true} : memref<8x10112xf32, #tpu.memory_space<vmem>>[vector<16xi32>, vector<16xi32>], vector<16xf32>,
          %mul3A_201 = arith.mulf %get3A_189, %unpack3A_199 : vector<16xf32>
          tpu.vector_store_idx %arg8[%broadcast_in_dim3A_20, %get3A_187], %mul3A_201 {add = true} : memref<8x10112xf32, #tpu.memory_space<vmem>>[vector<16xi32>, vector<16xi32>], vector<16xf32>,
          %gather3A_202 = tpu.vector_load_idx %arg7[%broadcast_in_dim3A_18, %get3A_185] : memref<4x10112xi32, #tpu.memory_space<vmem>>[vector<16xi32>, vector<16xi32>], vector<16xi32>,
          %bitcast3A_203 = vector.bitcast %gather3A_202 : vector<16xi32> to vector<32xbf16>
          %unpack3A_204 = tpu.unpack_subelements %bitcast3A_203, 0 {pack_format = #tpu.pack_format<interleaved>} : vector<32xbf16> -> vector<16xf32>
          %unpack3A_205 = tpu.unpack_subelements %bitcast3A_203, 1 {pack_format = #tpu.pack_format<interleaved>} : vector<32xbf16> -> vector<16xf32>
          %mul3A_206 = arith.mulf %get3A_189, %unpack3A_204 : vector<16xf32>
          tpu.vector_store_idx %arg8[%broadcast_in_dim3A_22, %get3A_187], %mul3A_206 {add = true} : memref<8x10112xf32, #tpu.memory_space<vmem>>[vector<16xi32>, vector<16xi32>], vector<16xf32>,
          %mul3A_207 = arith.mulf %get3A_189, %unpack3A_205 : vector<16xf32>
          tpu.vector_store_idx %arg8[%broadcast_in_dim3A_24, %get3A_187], %mul3A_207 {add = true} : memref<8x10112xf32, #tpu.memory_space<vmem>>[vector<16xi32>, vector<16xi32>], vector<16xf32>,
          %gather3A_208 = tpu.vector_load_idx %arg7[%broadcast_in_dim3A_20, %get3A_185] : memref<4x10112xi32, #tpu.memory_space<vmem>>[vector<16xi32>, vector<16xi32>], vector<16xi32>,
          %bitcast3A_209 = vector.bitcast %gather3A_208 : vector<16xi32> to vector<32xbf16>
          %unpack3A_210 = tpu.unpack_subelements %bitcast3A_209, 0 {pack_format = #tpu.pack_format<interleaved>} : vector<32xbf16> -> vector<16xf32>
          %unpack3A_211 = tpu.unpack_subelements %bitcast3A_209, 1 {pack_format = #tpu.pack_format<interleaved>} : vector<32xbf16> -> vector<16xf32>
          %mul3A_212 = arith.mulf %get3A_189, %unpack3A_210 : vector<16xf32>
          tpu.vector_store_idx %arg8[%broadcast_in_dim3A_26, %get3A_187], %mul3A_212 {add = true} : memref<8x10112xf32, #tpu.memory_space<vmem>>[vector<16xi32>, vector<16xi32>], vector<16xf32>,
          %mul3A_213 = arith.mulf %get3A_189, %unpack3A_211 : vector<16xf32>
          tpu.vector_store_idx %arg8[%broadcast_in_dim3A_28, %get3A_187], %mul3A_213 {add = true} : memref<8x10112xf32, #tpu.memory_space<vmem>>[vector<16xi32>, vector<16xi32>], vector<16xf32>,
          %scan3A_214 = arith.constant 0 : i32
          %scan3A_215 = arith.constant 2 : i32
          %scan3A_216 = arith.addi %scan3A_149, %scan3A_215 : i32
          %mul3A_217 = arith.constant 16 : i32
          %mul3A_218 = arith.muli %scan3A_216, %mul3A_217 : i32
          %get3A_219 = arith.index_cast %mul3A_218 : i32 to index
          %get3A_220 = tpu.vector_load %arg9[%get3A_219] {strides = array<i32>} : memref<1024xi32, #tpu.memory_space<vmem>>, vector<16xi32>,
          %get3A_221 = arith.index_cast %mul3A_218 : i32 to index
          %get3A_222 = tpu.vector_load %arg10[%get3A_221] {strides = array<i32>} : memref<1024xi32, #tpu.memory_space<vmem>>, vector<16xi32>,
          %get3A_223 = arith.index_cast %mul3A_218 : i32 to index
          %get3A_224 = tpu.vector_load %arg11[%get3A_223] {strides = array<i32>} : memref<1024xf32, #tpu.memory_space<vmem>>, vector<16xf32>,
          %gather3A_225 = tpu.vector_load_idx %arg7[%broadcast_in_dim3A_14, %get3A_220] : memref<4x10112xi32, #tpu.memory_space<vmem>>[vector<16xi32>, vector<16xi32>], vector<16xi32>,
          %bitcast3A_226 = vector.bitcast %gather3A_225 : vector<16xi32> to vector<32xbf16>
          %unpack3A_227 = tpu.unpack_subelements %bitcast3A_226, 0 {pack_format = #tpu.pack_format<interleaved>} : vector<32xbf16> -> vector<16xf32>
          %unpack3A_228 = tpu.unpack_subelements %bitcast3A_226, 1 {pack_format = #tpu.pack_format<interleaved>} : vector<32xbf16> -> vector<16xf32>
          %mul3A_229 = arith.mulf %get3A_224, %unpack3A_227 : vector<16xf32>
          tpu.vector_store_idx %arg8[%broadcast_in_dim3A_14, %get3A_222], %mul3A_229 {add = true} : memref<8x10112xf32, #tpu.memory_space<vmem>>[vector<16xi32>, vector<16xi32>], vector<16xf32>,
          %mul3A_230 = arith.mulf %get3A_224, %unpack3A_228 : vector<16xf32>
          tpu.vector_store_idx %arg8[%broadcast_in_dim3A_16, %get3A_222], %mul3A_230 {add = true} : memref<8x10112xf32, #tpu.memory_space<vmem>>[vector<16xi32>, vector<16xi32>], vector<16xf32>,
          %gather3A_231 = tpu.vector_load_idx %arg7[%broadcast_in_dim3A_16, %get3A_220] : memref<4x10112xi32, #tpu.memory_space<vmem>>[vector<16xi32>, vector<16xi32>], vector<16xi32>,
          %bitcast3A_232 = vector.bitcast %gather3A_231 : vector<16xi32> to vector<32xbf16>
          %unpack3A_233 = tpu.unpack_subelements %bitcast3A_232, 0 {pack_format = #tpu.pack_format<interleaved>} : vector<32xbf16> -> vector<16xf32>
          %unpack3A_234 = tpu.unpack_subelements %bitcast3A_232, 1 {pack_format = #tpu.pack_format<interleaved>} : vector<32xbf16> -> vector<16xf32>
          %mul3A_235 = arith.mulf %get3A_224, %unpack3A_233 : vector<16xf32>
          tpu.vector_store_idx %arg8[%broadcast_in_dim3A_18, %get3A_222], %mul3A_235 {add = true} : memref<8x10112xf32, #tpu.memory_space<vmem>>[vector<16xi32>, vector<16xi32>], vector<16xf32>,
          %mul3A_236 = arith.mulf %get3A_224, %unpack3A_234 : vector<16xf32>
          tpu.vector_store_idx %arg8[%broadcast_in_dim3A_20, %get3A_222], %mul3A_236 {add = true} : memref<8x10112xf32, #tpu.memory_space<vmem>>[vector<16xi32>, vector<16xi32>], vector<16xf32>,
          %gather3A_237 = tpu.vector_load_idx %arg7[%broadcast_in_dim3A_18, %get3A_220] : memref<4x10112xi32, #tpu.memory_space<vmem>>[vector<16xi32>, vector<16xi32>], vector<16xi32>,
          %bitcast3A_238 = vector.bitcast %gather3A_237 : vector<16xi32> to vector<32xbf16>
          %unpack3A_239 = tpu.unpack_subelements %bitcast3A_238, 0 {pack_format = #tpu.pack_format<interleaved>} : vector<32xbf16> -> vector<16xf32>
          %unpack3A_240 = tpu.unpack_subelements %bitcast3A_238, 1 {pack_format = #tpu.pack_format<interleaved>} : vector<32xbf16> -> vector<16xf32>
          %mul3A_241 = arith.mulf %get3A_224, %unpack3A_239 : vector<16xf32>
          tpu.vector_store_idx %arg8[%broadcast_in_dim3A_22, %get3A_222], %mul3A_241 {add = true} : memref<8x10112xf32, #tpu.memory_space<vmem>>[vector<16xi32>, vector<16xi32>], vector<16xf32>,
          %mul3A_242 = arith.mulf %get3A_224, %unpack3A_240 : vector<16xf32>
          tpu.vector_store_idx %arg8[%broadcast_in_dim3A_24, %get3A_222], %mul3A_242 {add = true} : memref<8x10112xf32, #tpu.memory_space<vmem>>[vector<16xi32>, vector<16xi32>], vector<16xf32>,
          %gather3A_243 = tpu.vector_load_idx %arg7[%broadcast_in_dim3A_20, %get3A_220] : memref<4x10112xi32, #tpu.memory_space<vmem>>[vector<16xi32>, vector<16xi32>], vector<16xi32>,
          %bitcast3A_244 = vector.bitcast %gather3A_243 : vector<16xi32> to vector<32xbf16>
          %unpack3A_245 = tpu.unpack_subelements %bitcast3A_244, 0 {pack_format = #tpu.pack_format<interleaved>} : vector<32xbf16> -> vector<16xf32>
          %unpack3A_246 = tpu.unpack_subelements %bitcast3A_244, 1 {pack_format = #tpu.pack_format<interleaved>} : vector<32xbf16> -> vector<16xf32>
          %mul3A_247 = arith.mulf %get3A_224, %unpack3A_245 : vector<16xf32>
          tpu.vector_store_idx %arg8[%broadcast_in_dim3A_26, %get3A_222], %mul3A_247 {add = true} : memref<8x10112xf32, #tpu.memory_space<vmem>>[vector<16xi32>, vector<16xi32>], vector<16xf32>,
          %mul3A_248 = arith.mulf %get3A_224, %unpack3A_246 : vector<16xf32>
          tpu.vector_store_idx %arg8[%broadcast_in_dim3A_28, %get3A_222], %mul3A_248 {add = true} : memref<8x10112xf32, #tpu.memory_space<vmem>>[vector<16xi32>, vector<16xi32>], vector<16xf32>,
          %scan3A_249 = arith.constant 0 : i32
          %scan3A_250 = arith.constant 3 : i32
          %scan3A_251 = arith.addi %scan3A_149, %scan3A_250 : i32
          %mul3A_252 = arith.constant 16 : i32
          %mul3A_253 = arith.muli %scan3A_251, %mul3A_252 : i32
          %get3A_254 = arith.index_cast %mul3A_253 : i32 to index
          %get3A_255 = tpu.vector_load %arg9[%get3A_254] {strides = array<i32>} : memref<1024xi32, #tpu.memory_space<vmem>>, vector<16xi32>,
          %get3A_256 = arith.index_cast %mul3A_253 : i32 to index
          %get3A_257 = tpu.vector_load %arg10[%get3A_256] {strides = array<i32>} : memref<1024xi32, #tpu.memory_space<vmem>>, vector<16xi32>,
          %get3A_258 = arith.index_cast %mul3A_253 : i32 to index
          %get3A_259 = tpu.vector_load %arg11[%get3A_258] {strides = array<i32>} : memref<1024xf32, #tpu.memory_space<vmem>>, vector<16xf32>,
          %gather3A_260 = tpu.vector_load_idx %arg7[%broadcast_in_dim3A_14, %get3A_255] : memref<4x10112xi32, #tpu.memory_space<vmem>>[vector<16xi32>, vector<16xi32>], vector<16xi32>,
          %bitcast3A_261 = vector.bitcast %gather3A_260 : vector<16xi32> to vector<32xbf16>
          %unpack3A_262 = tpu.unpack_subelements %bitcast3A_261, 0 {pack_format = #tpu.pack_format<interleaved>} : vector<32xbf16> -> vector<16xf32>
          %unpack3A_263 = tpu.unpack_subelements %bitcast3A_261, 1 {pack_format = #tpu.pack_format<interleaved>} : vector<32xbf16> -> vector<16xf32>
          %mul3A_264 = arith.mulf %get3A_259, %unpack3A_262 : vector<16xf32>
          tpu.vector_store_idx %arg8[%broadcast_in_dim3A_14, %get3A_257], %mul3A_264 {add = true} : memref<8x10112xf32, #tpu.memory_space<vmem>>[vector<16xi32>, vector<16xi32>], vector<16xf32>,
          %mul3A_265 = arith.mulf %get3A_259, %unpack3A_263 : vector<16xf32>
          tpu.vector_store_idx %arg8[%broadcast_in_dim3A_16, %get3A_257], %mul3A_265 {add = true} : memref<8x10112xf32, #tpu.memory_space<vmem>>[vector<16xi32>, vector<16xi32>], vector<16xf32>,
          %gather3A_266 = tpu.vector_load_idx %arg7[%broadcast_in_dim3A_16, %get3A_255] : memref<4x10112xi32, #tpu.memory_space<vmem>>[vector<16xi32>, vector<16xi32>], vector<16xi32>,
          %bitcast3A_267 = vector.bitcast %gather3A_266 : vector<16xi32> to vector<32xbf16>
          %unpack3A_268 = tpu.unpack_subelements %bitcast3A_267, 0 {pack_format = #tpu.pack_format<interleaved>} : vector<32xbf16> -> vector<16xf32>
          %unpack3A_269 = tpu.unpack_subelements %bitcast3A_267, 1 {pack_format = #tpu.pack_format<interleaved>} : vector<32xbf16> -> vector<16xf32>
          %mul3A_270 = arith.mulf %get3A_259, %unpack3A_268 : vector<16xf32>
          tpu.vector_store_idx %arg8[%broadcast_in_dim3A_18, %get3A_257], %mul3A_270 {add = true} : memref<8x10112xf32, #tpu.memory_space<vmem>>[vector<16xi32>, vector<16xi32>], vector<16xf32>,
          %mul3A_271 = arith.mulf %get3A_259, %unpack3A_269 : vector<16xf32>
          tpu.vector_store_idx %arg8[%broadcast_in_dim3A_20, %get3A_257], %mul3A_271 {add = true} : memref<8x10112xf32, #tpu.memory_space<vmem>>[vector<16xi32>, vector<16xi32>], vector<16xf32>,
          %gather3A_272 = tpu.vector_load_idx %arg7[%broadcast_in_dim3A_18, %get3A_255] : memref<4x10112xi32, #tpu.memory_space<vmem>>[vector<16xi32>, vector<16xi32>], vector<16xi32>,
          %bitcast3A_273 = vector.bitcast %gather3A_272 : vector<16xi32> to vector<32xbf16>
          %unpack3A_274 = tpu.unpack_subelements %bitcast3A_273, 0 {pack_format = #tpu.pack_format<interleaved>} : vector<32xbf16> -> vector<16xf32>
          %unpack3A_275 = tpu.unpack_subelements %bitcast3A_273, 1 {pack_format = #tpu.pack_format<interleaved>} : vector<32xbf16> -> vector<16xf32>
          %mul3A_276 = arith.mulf %get3A_259, %unpack3A_274 : vector<16xf32>
          tpu.vector_store_idx %arg8[%broadcast_in_dim3A_22, %get3A_257], %mul3A_276 {add = true} : memref<8x10112xf32, #tpu.memory_space<vmem>>[vector<16xi32>, vector<16xi32>], vector<16xf32>,
          %mul3A_277 = arith.mulf %get3A_259, %unpack3A_275 : vector<16xf32>
          tpu.vector_store_idx %arg8[%broadcast_in_dim3A_24, %get3A_257], %mul3A_277 {add = true} : memref<8x10112xf32, #tpu.memory_space<vmem>>[vector<16xi32>, vector<16xi32>], vector<16xf32>,
          %gather3A_278 = tpu.vector_load_idx %arg7[%broadcast_in_dim3A_20, %get3A_255] : memref<4x10112xi32, #tpu.memory_space<vmem>>[vector<16xi32>, vector<16xi32>], vector<16xi32>,
          %bitcast3A_279 = vector.bitcast %gather3A_278 : vector<16xi32> to vector<32xbf16>
          %unpack3A_280 = tpu.unpack_subelements %bitcast3A_279, 0 {pack_format = #tpu.pack_format<interleaved>} : vector<32xbf16> -> vector<16xf32>
          %unpack3A_281 = tpu.unpack_subelements %bitcast3A_279, 1 {pack_format = #tpu.pack_format<interleaved>} : vector<32xbf16> -> vector<16xf32>
          %mul3A_282 = arith.mulf %get3A_259, %unpack3A_280 : vector<16xf32>
          tpu.vector_store_idx %arg8[%broadcast_in_dim3A_26, %get3A_257], %mul3A_282 {add = true} : memref<8x10112xf32, #tpu.memory_space<vmem>>[vector<16xi32>, vector<16xi32>], vector<16xf32>,
          %mul3A_283 = arith.mulf %get3A_259, %unpack3A_281 : vector<16xf32>
          tpu.vector_store_idx %arg8[%broadcast_in_dim3A_28, %get3A_257], %mul3A_283 {add = true} : memref<8x10112xf32, #tpu.memory_space<vmem>>[vector<16xi32>, vector<16xi32>], vector<16xf32>,
          %scan3A_284 = arith.constant 0 : i32
          scf.yield %scan3A_284 : i32
        }
        %scan3A_148 = arith.constant 64 : i32
      } else {
      }
      %jit3A_112 = arith.constant 2 : i32
      %eq3A_113 = arith.constant 0 : i32
      %eq3A_114 = arith.cmpi eq, %jit3A_112, %eq3A_113 : i32
      %jit3A_115 = arith.constant 1 : i32
      %select_n3A_116 = arith.select %eq3A_114, %jit3A_115, %jit3A_112 : i32
      %rem3A_117 = arith.remsi %scan3A_46, %select_n3A_116 : i32
      %ne3A_118 = arith.constant 0 : i32
      %ne3A_119 = arith.cmpi ne, %rem3A_117, %ne3A_118 : i32
      %lt3A_120 = arith.constant 0 : i32
      %lt3A_121 = arith.cmpi slt, %rem3A_117, %lt3A_120 : i32
      %lt3A_122 = arith.constant 0 : i32
      %lt3A_123 = arith.cmpi slt, %select_n3A_116, %lt3A_122 : i32
      %ne3A_124 = arith.xori %lt3A_121, %lt3A_123 : i1
      %and3A_125 = arith.andi %ne3A_124, %ne3A_119 : i1
      %add3A_126 = arith.addi %rem3A_117, %select_n3A_116 : i32
      %select_n3A_127 = arith.select %and3A_125, %add3A_126, %rem3A_117 : i32
      %eq3A_128 = arith.constant 1 : i32
      %eq3A_129 = arith.cmpi eq, %select_n3A_127, %eq3A_128 : i32
      %convert_element_type3A_130 = arith.extui %eq3A_129 : i1 to i32
      %cond3A_131 = arith.constant 0 : i32
      %cond3A_132 = arith.cmpi ne, %convert_element_type3A_130, %cond3A_131 : i32
      scf.if %cond3A_132 {
        %mul3A_134 = arith.constant 1024 : i32
        %mul3A_135 = arith.muli %scan3A_46, %mul3A_134 : i32
        %add3A_136 = arith.addi %mul3A_30, %mul3A_135 : i32
        %dma_wait3A = tpu.memref_slice %arg3[%add3A_136] : memref<327680xi32, #tpu.memory_space<hbm>> -> memref<1024xi32, #tpu.memory_space<hbm>>
        %dma_wait3A_137 = tpu.memref_slice %arg3[%add3A_136] : memref<327680xi32, #tpu.memory_space<hbm>> -> memref<1024xi32, #tpu.memory_space<hbm>>
        tpu.wait_dma2 semaphore(%arg16 : memref<!tpu.dma_semaphore, #tpu.memory_space<semaphore_mem>>) src(%dma_wait3A_137 : memref<1024xi32, #tpu.memory_space<hbm>>) dst(%arg12 : memref<1024xi32, #tpu.memory_space<vmem>>)
        %dma_wait3A_138 = tpu.memref_slice %arg4[%add3A_136] : memref<327680xi32, #tpu.memory_space<hbm>> -> memref<1024xi32, #tpu.memory_space<hbm>>
        %dma_wait3A_139 = tpu.memref_slice %arg4[%add3A_136] : memref<327680xi32, #tpu.memory_space<hbm>> -> memref<1024xi32, #tpu.memory_space<hbm>>
        tpu.wait_dma2 semaphore(%arg16 : memref<!tpu.dma_semaphore, #tpu.memory_space<semaphore_mem>>) src(%dma_wait3A_139 : memref<1024xi32, #tpu.memory_space<hbm>>) dst(%arg13 : memref<1024xi32, #tpu.memory_space<vmem>>)
        %dma_wait3A_140 = tpu.memref_slice %arg5[%add3A_136] : memref<327680xf32, #tpu.memory_space<hbm>> -> memref<1024xf32, #tpu.memory_space<hbm>>
        %dma_wait3A_141 = tpu.memref_slice %arg5[%add3A_136] : memref<327680xf32, #tpu.memory_space<hbm>> -> memref<1024xf32, #tpu.memory_space<hbm>>
        tpu.wait_dma2 semaphore(%arg16 : memref<!tpu.dma_semaphore, #tpu.memory_space<semaphore_mem>>) src(%dma_wait3A_141 : memref<1024xf32, #tpu.memory_space<hbm>>) dst(%arg14 : memref<1024xf32, #tpu.memory_space<vmem>>)
        %scan3A_142 = arith.constant 0 : i32
        %scan3A_143 = arith.constant 0 : i32
        %scan3A_144 = arith.constant 64 : i32
        %scan3A_145 = arith.addi %scan3A_143, %scan3A_144 : i32
        %scan3A_146 = arith.constant 4 : i32
        %scan3A_147 = scf.for %scan3A_149 = %scan3A_143 to %scan3A_145 step %scan3A_146 iter_args(%scan3A_150 = %scan3A_142) -> (i32)  : i32 {
          %mul3A_151 = arith.constant 16 : i32
          %mul3A_152 = arith.muli %scan3A_149, %mul3A_151 : i32
          %get3A = arith.index_cast %mul3A_152 : i32 to index
          %get3A_153 = tpu.vector_load %arg12[%get3A] {strides = array<i32>} : memref<1024xi32, #tpu.memory_space<vmem>>, vector<16xi32>,
          %get3A_154 = arith.index_cast %mul3A_152 : i32 to index
          %get3A_155 = tpu.vector_load %arg13[%get3A_154] {strides = array<i32>} : memref<1024xi32, #tpu.memory_space<vmem>>, vector<16xi32>,
          %get3A_156 = arith.index_cast %mul3A_152 : i32 to index
          %get3A_157 = tpu.vector_load %arg14[%get3A_156] {strides = array<i32>} : memref<1024xf32, #tpu.memory_space<vmem>>, vector<16xf32>,
          %gather3A = tpu.vector_load_idx %arg7[%broadcast_in_dim3A_14, %get3A_153] : memref<4x10112xi32, #tpu.memory_space<vmem>>[vector<16xi32>, vector<16xi32>], vector<16xi32>,
          %bitcast3A = vector.bitcast %gather3A : vector<16xi32> to vector<32xbf16>
          %unpack3A = tpu.unpack_subelements %bitcast3A, 0 {pack_format = #tpu.pack_format<interleaved>} : vector<32xbf16> -> vector<16xf32>
          %unpack3A_158 = tpu.unpack_subelements %bitcast3A, 1 {pack_format = #tpu.pack_format<interleaved>} : vector<32xbf16> -> vector<16xf32>
          %mul3A_159 = arith.mulf %get3A_157, %unpack3A : vector<16xf32>
          tpu.vector_store_idx %arg8[%broadcast_in_dim3A_14, %get3A_155], %mul3A_159 {add = true} : memref<8x10112xf32, #tpu.memory_space<vmem>>[vector<16xi32>, vector<16xi32>], vector<16xf32>,
          %mul3A_160 = arith.mulf %get3A_157, %unpack3A_158 : vector<16xf32>
          tpu.vector_store_idx %arg8[%broadcast_in_dim3A_16, %get3A_155], %mul3A_160 {add = true} : memref<8x10112xf32, #tpu.memory_space<vmem>>[vector<16xi32>, vector<16xi32>], vector<16xf32>,
          %gather3A_161 = tpu.vector_load_idx %arg7[%broadcast_in_dim3A_16, %get3A_153] : memref<4x10112xi32, #tpu.memory_space<vmem>>[vector<16xi32>, vector<16xi32>], vector<16xi32>,
          %bitcast3A_162 = vector.bitcast %gather3A_161 : vector<16xi32> to vector<32xbf16>
          %unpack3A_163 = tpu.unpack_subelements %bitcast3A_162, 0 {pack_format = #tpu.pack_format<interleaved>} : vector<32xbf16> -> vector<16xf32>
          %unpack3A_164 = tpu.unpack_subelements %bitcast3A_162, 1 {pack_format = #tpu.pack_format<interleaved>} : vector<32xbf16> -> vector<16xf32>
          %mul3A_165 = arith.mulf %get3A_157, %unpack3A_163 : vector<16xf32>
          tpu.vector_store_idx %arg8[%broadcast_in_dim3A_18, %get3A_155], %mul3A_165 {add = true} : memref<8x10112xf32, #tpu.memory_space<vmem>>[vector<16xi32>, vector<16xi32>], vector<16xf32>,
          %mul3A_166 = arith.mulf %get3A_157, %unpack3A_164 : vector<16xf32>
          tpu.vector_store_idx %arg8[%broadcast_in_dim3A_20, %get3A_155], %mul3A_166 {add = true} : memref<8x10112xf32, #tpu.memory_space<vmem>>[vector<16xi32>, vector<16xi32>], vector<16xf32>,
          %gather3A_167 = tpu.vector_load_idx %arg7[%broadcast_in_dim3A_18, %get3A_153] : memref<4x10112xi32, #tpu.memory_space<vmem>>[vector<16xi32>, vector<16xi32>], vector<16xi32>,
          %bitcast3A_168 = vector.bitcast %gather3A_167 : vector<16xi32> to vector<32xbf16>
          %unpack3A_169 = tpu.unpack_subelements %bitcast3A_168, 0 {pack_format = #tpu.pack_format<interleaved>} : vector<32xbf16> -> vector<16xf32>
          %unpack3A_170 = tpu.unpack_subelements %bitcast3A_168, 1 {pack_format = #tpu.pack_format<interleaved>} : vector<32xbf16> -> vector<16xf32>
          %mul3A_171 = arith.mulf %get3A_157, %unpack3A_169 : vector<16xf32>
          tpu.vector_store_idx %arg8[%broadcast_in_dim3A_22, %get3A_155], %mul3A_171 {add = true} : memref<8x10112xf32, #tpu.memory_space<vmem>>[vector<16xi32>, vector<16xi32>], vector<16xf32>,
          %mul3A_172 = arith.mulf %get3A_157, %unpack3A_170 : vector<16xf32>
          tpu.vector_store_idx %arg8[%broadcast_in_dim3A_24, %get3A_155], %mul3A_172 {add = true} : memref<8x10112xf32, #tpu.memory_space<vmem>>[vector<16xi32>, vector<16xi32>], vector<16xf32>,
          %gather3A_173 = tpu.vector_load_idx %arg7[%broadcast_in_dim3A_20, %get3A_153] : memref<4x10112xi32, #tpu.memory_space<vmem>>[vector<16xi32>, vector<16xi32>], vector<16xi32>,
          %bitcast3A_174 = vector.bitcast %gather3A_173 : vector<16xi32> to vector<32xbf16>
          %unpack3A_175 = tpu.unpack_subelements %bitcast3A_174, 0 {pack_format = #tpu.pack_format<interleaved>} : vector<32xbf16> -> vector<16xf32>
          %unpack3A_176 = tpu.unpack_subelements %bitcast3A_174, 1 {pack_format = #tpu.pack_format<interleaved>} : vector<32xbf16> -> vector<16xf32>
          %mul3A_177 = arith.mulf %get3A_157, %unpack3A_175 : vector<16xf32>
          tpu.vector_store_idx %arg8[%broadcast_in_dim3A_26, %get3A_155], %mul3A_177 {add = true} : memref<8x10112xf32, #tpu.memory_space<vmem>>[vector<16xi32>, vector<16xi32>], vector<16xf32>,
          %mul3A_178 = arith.mulf %get3A_157, %unpack3A_176 : vector<16xf32>
          tpu.vector_store_idx %arg8[%broadcast_in_dim3A_28, %get3A_155], %mul3A_178 {add = true} : memref<8x10112xf32, #tpu.memory_space<vmem>>[vector<16xi32>, vector<16xi32>], vector<16xf32>,
          %scan3A_179 = arith.constant 0 : i32
          %scan3A_180 = arith.constant 1 : i32
          %scan3A_181 = arith.addi %scan3A_149, %scan3A_180 : i32
          %mul3A_182 = arith.constant 16 : i32
          %mul3A_183 = arith.muli %scan3A_181, %mul3A_182 : i32
          %get3A_184 = arith.index_cast %mul3A_183 : i32 to index
          %get3A_185 = tpu.vector_load %arg12[%get3A_184] {strides = array<i32>} : memref<1024xi32, #tpu.memory_space<vmem>>, vector<16xi32>,
          %get3A_186 = arith.index_cast %mul3A_183 : i32 to index
          %get3A_187 = tpu.vector_load %arg13[%get3A_186] {strides = array<i32>} : memref<1024xi32, #tpu.memory_space<vmem>>, vector<16xi32>,
          %get3A_188 = arith.index_cast %mul3A_183 : i32 to index
          %get3A_189 = tpu.vector_load %arg14[%get3A_188] {strides = array<i32>} : memref<1024xf32, #tpu.memory_space<vmem>>, vector<16xf32>,
          %gather3A_190 = tpu.vector_load_idx %arg7[%broadcast_in_dim3A_14, %get3A_185] : memref<4x10112xi32, #tpu.memory_space<vmem>>[vector<16xi32>, vector<16xi32>], vector<16xi32>,
          %bitcast3A_191 = vector.bitcast %gather3A_190 : vector<16xi32> to vector<32xbf16>
          %unpack3A_192 = tpu.unpack_subelements %bitcast3A_191, 0 {pack_format = #tpu.pack_format<interleaved>} : vector<32xbf16> -> vector<16xf32>
          %unpack3A_193 = tpu.unpack_subelements %bitcast3A_191, 1 {pack_format = #tpu.pack_format<interleaved>} : vector<32xbf16> -> vector<16xf32>
          %mul3A_194 = arith.mulf %get3A_189, %unpack3A_192 : vector<16xf32>
          tpu.vector_store_idx %arg8[%broadcast_in_dim3A_14, %get3A_187], %mul3A_194 {add = true} : memref<8x10112xf32, #tpu.memory_space<vmem>>[vector<16xi32>, vector<16xi32>], vector<16xf32>,
          %mul3A_195 = arith.mulf %get3A_189, %unpack3A_193 : vector<16xf32>
          tpu.vector_store_idx %arg8[%broadcast_in_dim3A_16, %get3A_187], %mul3A_195 {add = true} : memref<8x10112xf32, #tpu.memory_space<vmem>>[vector<16xi32>, vector<16xi32>], vector<16xf32>,
          %gather3A_196 = tpu.vector_load_idx %arg7[%broadcast_in_dim3A_16, %get3A_185] : memref<4x10112xi32, #tpu.memory_space<vmem>>[vector<16xi32>, vector<16xi32>], vector<16xi32>,
          %bitcast3A_197 = vector.bitcast %gather3A_196 : vector<16xi32> to vector<32xbf16>
          %unpack3A_198 = tpu.unpack_subelements %bitcast3A_197, 0 {pack_format = #tpu.pack_format<interleaved>} : vector<32xbf16> -> vector<16xf32>
          %unpack3A_199 = tpu.unpack_subelements %bitcast3A_197, 1 {pack_format = #tpu.pack_format<interleaved>} : vector<32xbf16> -> vector<16xf32>
          %mul3A_200 = arith.mulf %get3A_189, %unpack3A_198 : vector<16xf32>
          tpu.vector_store_idx %arg8[%broadcast_in_dim3A_18, %get3A_187], %mul3A_200 {add = true} : memref<8x10112xf32, #tpu.memory_space<vmem>>[vector<16xi32>, vector<16xi32>], vector<16xf32>,
          %mul3A_201 = arith.mulf %get3A_189, %unpack3A_199 : vector<16xf32>
          tpu.vector_store_idx %arg8[%broadcast_in_dim3A_20, %get3A_187], %mul3A_201 {add = true} : memref<8x10112xf32, #tpu.memory_space<vmem>>[vector<16xi32>, vector<16xi32>], vector<16xf32>,
          %gather3A_202 = tpu.vector_load_idx %arg7[%broadcast_in_dim3A_18, %get3A_185] : memref<4x10112xi32, #tpu.memory_space<vmem>>[vector<16xi32>, vector<16xi32>], vector<16xi32>,
          %bitcast3A_203 = vector.bitcast %gather3A_202 : vector<16xi32> to vector<32xbf16>
          %unpack3A_204 = tpu.unpack_subelements %bitcast3A_203, 0 {pack_format = #tpu.pack_format<interleaved>} : vector<32xbf16> -> vector<16xf32>
          %unpack3A_205 = tpu.unpack_subelements %bitcast3A_203, 1 {pack_format = #tpu.pack_format<interleaved>} : vector<32xbf16> -> vector<16xf32>
          %mul3A_206 = arith.mulf %get3A_189, %unpack3A_204 : vector<16xf32>
          tpu.vector_store_idx %arg8[%broadcast_in_dim3A_22, %get3A_187], %mul3A_206 {add = true} : memref<8x10112xf32, #tpu.memory_space<vmem>>[vector<16xi32>, vector<16xi32>], vector<16xf32>,
          %mul3A_207 = arith.mulf %get3A_189, %unpack3A_205 : vector<16xf32>
          tpu.vector_store_idx %arg8[%broadcast_in_dim3A_24, %get3A_187], %mul3A_207 {add = true} : memref<8x10112xf32, #tpu.memory_space<vmem>>[vector<16xi32>, vector<16xi32>], vector<16xf32>,
          %gather3A_208 = tpu.vector_load_idx %arg7[%broadcast_in_dim3A_20, %get3A_185] : memref<4x10112xi32, #tpu.memory_space<vmem>>[vector<16xi32>, vector<16xi32>], vector<16xi32>,
          %bitcast3A_209 = vector.bitcast %gather3A_208 : vector<16xi32> to vector<32xbf16>
          %unpack3A_210 = tpu.unpack_subelements %bitcast3A_209, 0 {pack_format = #tpu.pack_format<interleaved>} : vector<32xbf16> -> vector<16xf32>
          %unpack3A_211 = tpu.unpack_subelements %bitcast3A_209, 1 {pack_format = #tpu.pack_format<interleaved>} : vector<32xbf16> -> vector<16xf32>
          %mul3A_212 = arith.mulf %get3A_189, %unpack3A_210 : vector<16xf32>
          tpu.vector_store_idx %arg8[%broadcast_in_dim3A_26, %get3A_187], %mul3A_212 {add = true} : memref<8x10112xf32, #tpu.memory_space<vmem>>[vector<16xi32>, vector<16xi32>], vector<16xf32>,
          %mul3A_213 = arith.mulf %get3A_189, %unpack3A_211 : vector<16xf32>
          tpu.vector_store_idx %arg8[%broadcast_in_dim3A_28, %get3A_187], %mul3A_213 {add = true} : memref<8x10112xf32, #tpu.memory_space<vmem>>[vector<16xi32>, vector<16xi32>], vector<16xf32>,
          %scan3A_214 = arith.constant 0 : i32
          %scan3A_215 = arith.constant 2 : i32
          %scan3A_216 = arith.addi %scan3A_149, %scan3A_215 : i32
          %mul3A_217 = arith.constant 16 : i32
          %mul3A_218 = arith.muli %scan3A_216, %mul3A_217 : i32
          %get3A_219 = arith.index_cast %mul3A_218 : i32 to index
          %get3A_220 = tpu.vector_load %arg12[%get3A_219] {strides = array<i32>} : memref<1024xi32, #tpu.memory_space<vmem>>, vector<16xi32>,
          %get3A_221 = arith.index_cast %mul3A_218 : i32 to index
          %get3A_222 = tpu.vector_load %arg13[%get3A_221] {strides = array<i32>} : memref<1024xi32, #tpu.memory_space<vmem>>, vector<16xi32>,
          %get3A_223 = arith.index_cast %mul3A_218 : i32 to index
          %get3A_224 = tpu.vector_load %arg14[%get3A_223] {strides = array<i32>} : memref<1024xf32, #tpu.memory_space<vmem>>, vector<16xf32>,
          %gather3A_225 = tpu.vector_load_idx %arg7[%broadcast_in_dim3A_14, %get3A_220] : memref<4x10112xi32, #tpu.memory_space<vmem>>[vector<16xi32>, vector<16xi32>], vector<16xi32>,
          %bitcast3A_226 = vector.bitcast %gather3A_225 : vector<16xi32> to vector<32xbf16>
          %unpack3A_227 = tpu.unpack_subelements %bitcast3A_226, 0 {pack_format = #tpu.pack_format<interleaved>} : vector<32xbf16> -> vector<16xf32>
          %unpack3A_228 = tpu.unpack_subelements %bitcast3A_226, 1 {pack_format = #tpu.pack_format<interleaved>} : vector<32xbf16> -> vector<16xf32>
          %mul3A_229 = arith.mulf %get3A_224, %unpack3A_227 : vector<16xf32>
          tpu.vector_store_idx %arg8[%broadcast_in_dim3A_14, %get3A_222], %mul3A_229 {add = true} : memref<8x10112xf32, #tpu.memory_space<vmem>>[vector<16xi32>, vector<16xi32>], vector<16xf32>,
          %mul3A_230 = arith.mulf %get3A_224, %unpack3A_228 : vector<16xf32>
          tpu.vector_store_idx %arg8[%broadcast_in_dim3A_16, %get3A_222], %mul3A_230 {add = true} : memref<8x10112xf32, #tpu.memory_space<vmem>>[vector<16xi32>, vector<16xi32>], vector<16xf32>,
          %gather3A_231 = tpu.vector_load_idx %arg7[%broadcast_in_dim3A_16, %get3A_220] : memref<4x10112xi32, #tpu.memory_space<vmem>>[vector<16xi32>, vector<16xi32>], vector<16xi32>,
          %bitcast3A_232 = vector.bitcast %gather3A_231 : vector<16xi32> to vector<32xbf16>
          %unpack3A_233 = tpu.unpack_subelements %bitcast3A_232, 0 {pack_format = #tpu.pack_format<interleaved>} : vector<32xbf16> -> vector<16xf32>
          %unpack3A_234 = tpu.unpack_subelements %bitcast3A_232, 1 {pack_format = #tpu.pack_format<interleaved>} : vector<32xbf16> -> vector<16xf32>
          %mul3A_235 = arith.mulf %get3A_224, %unpack3A_233 : vector<16xf32>
          tpu.vector_store_idx %arg8[%broadcast_in_dim3A_18, %get3A_222], %mul3A_235 {add = true} : memref<8x10112xf32, #tpu.memory_space<vmem>>[vector<16xi32>, vector<16xi32>], vector<16xf32>,
          %mul3A_236 = arith.mulf %get3A_224, %unpack3A_234 : vector<16xf32>
          tpu.vector_store_idx %arg8[%broadcast_in_dim3A_20, %get3A_222], %mul3A_236 {add = true} : memref<8x10112xf32, #tpu.memory_space<vmem>>[vector<16xi32>, vector<16xi32>], vector<16xf32>,
          %gather3A_237 = tpu.vector_load_idx %arg7[%broadcast_in_dim3A_18, %get3A_220] : memref<4x10112xi32, #tpu.memory_space<vmem>>[vector<16xi32>, vector<16xi32>], vector<16xi32>,
          %bitcast3A_238 = vector.bitcast %gather3A_237 : vector<16xi32> to vector<32xbf16>
          %unpack3A_239 = tpu.unpack_subelements %bitcast3A_238, 0 {pack_format = #tpu.pack_format<interleaved>} : vector<32xbf16> -> vector<16xf32>
          %unpack3A_240 = tpu.unpack_subelements %bitcast3A_238, 1 {pack_format = #tpu.pack_format<interleaved>} : vector<32xbf16> -> vector<16xf32>
          %mul3A_241 = arith.mulf %get3A_224, %unpack3A_239 : vector<16xf32>
          tpu.vector_store_idx %arg8[%broadcast_in_dim3A_22, %get3A_222], %mul3A_241 {add = true} : memref<8x10112xf32, #tpu.memory_space<vmem>>[vector<16xi32>, vector<16xi32>], vector<16xf32>,
          %mul3A_242 = arith.mulf %get3A_224, %unpack3A_240 : vector<16xf32>
          tpu.vector_store_idx %arg8[%broadcast_in_dim3A_24, %get3A_222], %mul3A_242 {add = true} : memref<8x10112xf32, #tpu.memory_space<vmem>>[vector<16xi32>, vector<16xi32>], vector<16xf32>,
          %gather3A_243 = tpu.vector_load_idx %arg7[%broadcast_in_dim3A_20, %get3A_220] : memref<4x10112xi32, #tpu.memory_space<vmem>>[vector<16xi32>, vector<16xi32>], vector<16xi32>,
          %bitcast3A_244 = vector.bitcast %gather3A_243 : vector<16xi32> to vector<32xbf16>
          %unpack3A_245 = tpu.unpack_subelements %bitcast3A_244, 0 {pack_format = #tpu.pack_format<interleaved>} : vector<32xbf16> -> vector<16xf32>
          %unpack3A_246 = tpu.unpack_subelements %bitcast3A_244, 1 {pack_format = #tpu.pack_format<interleaved>} : vector<32xbf16> -> vector<16xf32>
          %mul3A_247 = arith.mulf %get3A_224, %unpack3A_245 : vector<16xf32>
          tpu.vector_store_idx %arg8[%broadcast_in_dim3A_26, %get3A_222], %mul3A_247 {add = true} : memref<8x10112xf32, #tpu.memory_space<vmem>>[vector<16xi32>, vector<16xi32>], vector<16xf32>,
          %mul3A_248 = arith.mulf %get3A_224, %unpack3A_246 : vector<16xf32>
          tpu.vector_store_idx %arg8[%broadcast_in_dim3A_28, %get3A_222], %mul3A_248 {add = true} : memref<8x10112xf32, #tpu.memory_space<vmem>>[vector<16xi32>, vector<16xi32>], vector<16xf32>,
          %scan3A_249 = arith.constant 0 : i32
          %scan3A_250 = arith.constant 3 : i32
          %scan3A_251 = arith.addi %scan3A_149, %scan3A_250 : i32
          %mul3A_252 = arith.constant 16 : i32
          %mul3A_253 = arith.muli %scan3A_251, %mul3A_252 : i32
          %get3A_254 = arith.index_cast %mul3A_253 : i32 to index
          %get3A_255 = tpu.vector_load %arg12[%get3A_254] {strides = array<i32>} : memref<1024xi32, #tpu.memory_space<vmem>>, vector<16xi32>,
          %get3A_256 = arith.index_cast %mul3A_253 : i32 to index
          %get3A_257 = tpu.vector_load %arg13[%get3A_256] {strides = array<i32>} : memref<1024xi32, #tpu.memory_space<vmem>>, vector<16xi32>,
          %get3A_258 = arith.index_cast %mul3A_253 : i32 to index
          %get3A_259 = tpu.vector_load %arg14[%get3A_258] {strides = array<i32>} : memref<1024xf32, #tpu.memory_space<vmem>>, vector<16xf32>,
          %gather3A_260 = tpu.vector_load_idx %arg7[%broadcast_in_dim3A_14, %get3A_255] : memref<4x10112xi32, #tpu.memory_space<vmem>>[vector<16xi32>, vector<16xi32>], vector<16xi32>,
          %bitcast3A_261 = vector.bitcast %gather3A_260 : vector<16xi32> to vector<32xbf16>
          %unpack3A_262 = tpu.unpack_subelements %bitcast3A_261, 0 {pack_format = #tpu.pack_format<interleaved>} : vector<32xbf16> -> vector<16xf32>
          %unpack3A_263 = tpu.unpack_subelements %bitcast3A_261, 1 {pack_format = #tpu.pack_format<interleaved>} : vector<32xbf16> -> vector<16xf32>
          %mul3A_264 = arith.mulf %get3A_259, %unpack3A_262 : vector<16xf32>
          tpu.vector_store_idx %arg8[%broadcast_in_dim3A_14, %get3A_257], %mul3A_264 {add = true} : memref<8x10112xf32, #tpu.memory_space<vmem>>[vector<16xi32>, vector<16xi32>], vector<16xf32>,
          %mul3A_265 = arith.mulf %get3A_259, %unpack3A_263 : vector<16xf32>
          tpu.vector_store_idx %arg8[%broadcast_in_dim3A_16, %get3A_257], %mul3A_265 {add = true} : memref<8x10112xf32, #tpu.memory_space<vmem>>[vector<16xi32>, vector<16xi32>], vector<16xf32>,
          %gather3A_266 = tpu.vector_load_idx %arg7[%broadcast_in_dim3A_16, %get3A_255] : memref<4x10112xi32, #tpu.memory_space<vmem>>[vector<16xi32>, vector<16xi32>], vector<16xi32>,
          %bitcast3A_267 = vector.bitcast %gather3A_266 : vector<16xi32> to vector<32xbf16>
          %unpack3A_268 = tpu.unpack_subelements %bitcast3A_267, 0 {pack_format = #tpu.pack_format<interleaved>} : vector<32xbf16> -> vector<16xf32>
          %unpack3A_269 = tpu.unpack_subelements %bitcast3A_267, 1 {pack_format = #tpu.pack_format<interleaved>} : vector<32xbf16> -> vector<16xf32>
          %mul3A_270 = arith.mulf %get3A_259, %unpack3A_268 : vector<16xf32>
          tpu.vector_store_idx %arg8[%broadcast_in_dim3A_18, %get3A_257], %mul3A_270 {add = true} : memref<8x10112xf32, #tpu.memory_space<vmem>>[vector<16xi32>, vector<16xi32>], vector<16xf32>,
          %mul3A_271 = arith.mulf %get3A_259, %unpack3A_269 : vector<16xf32>
          tpu.vector_store_idx %arg8[%broadcast_in_dim3A_20, %get3A_257], %mul3A_271 {add = true} : memref<8x10112xf32, #tpu.memory_space<vmem>>[vector<16xi32>, vector<16xi32>], vector<16xf32>,
          %gather3A_272 = tpu.vector_load_idx %arg7[%broadcast_in_dim3A_18, %get3A_255] : memref<4x10112xi32, #tpu.memory_space<vmem>>[vector<16xi32>, vector<16xi32>], vector<16xi32>,
          %bitcast3A_273 = vector.bitcast %gather3A_272 : vector<16xi32> to vector<32xbf16>
          %unpack3A_274 = tpu.unpack_subelements %bitcast3A_273, 0 {pack_format = #tpu.pack_format<interleaved>} : vector<32xbf16> -> vector<16xf32>
          %unpack3A_275 = tpu.unpack_subelements %bitcast3A_273, 1 {pack_format = #tpu.pack_format<interleaved>} : vector<32xbf16> -> vector<16xf32>
          %mul3A_276 = arith.mulf %get3A_259, %unpack3A_274 : vector<16xf32>
          tpu.vector_store_idx %arg8[%broadcast_in_dim3A_22, %get3A_257], %mul3A_276 {add = true} : memref<8x10112xf32, #tpu.memory_space<vmem>>[vector<16xi32>, vector<16xi32>], vector<16xf32>,
          %mul3A_277 = arith.mulf %get3A_259, %unpack3A_275 : vector<16xf32>
          tpu.vector_store_idx %arg8[%broadcast_in_dim3A_24, %get3A_257], %mul3A_277 {add = true} : memref<8x10112xf32, #tpu.memory_space<vmem>>[vector<16xi32>, vector<16xi32>], vector<16xf32>,
          %gather3A_278 = tpu.vector_load_idx %arg7[%broadcast_in_dim3A_20, %get3A_255] : memref<4x10112xi32, #tpu.memory_space<vmem>>[vector<16xi32>, vector<16xi32>], vector<16xi32>,
          %bitcast3A_279 = vector.bitcast %gather3A_278 : vector<16xi32> to vector<32xbf16>
          %unpack3A_280 = tpu.unpack_subelements %bitcast3A_279, 0 {pack_format = #tpu.pack_format<interleaved>} : vector<32xbf16> -> vector<16xf32>
          %unpack3A_281 = tpu.unpack_subelements %bitcast3A_279, 1 {pack_format = #tpu.pack_format<interleaved>} : vector<32xbf16> -> vector<16xf32>
          %mul3A_282 = arith.mulf %get3A_259, %unpack3A_280 : vector<16xf32>
          tpu.vector_store_idx %arg8[%broadcast_in_dim3A_26, %get3A_257], %mul3A_282 {add = true} : memref<8x10112xf32, #tpu.memory_space<vmem>>[vector<16xi32>, vector<16xi32>], vector<16xf32>,
          %mul3A_283 = arith.mulf %get3A_259, %unpack3A_281 : vector<16xf32>
          tpu.vector_store_idx %arg8[%broadcast_in_dim3A_28, %get3A_257], %mul3A_283 {add = true} : memref<8x10112xf32, #tpu.memory_space<vmem>>[vector<16xi32>, vector<16xi32>], vector<16xf32>,
          %scan3A_284 = arith.constant 0 : i32
          scf.yield %scan3A_284 : i32
        }
        %scan3A_148 = arith.constant 64 : i32
      } else {
      }
      %scan3A_133 = arith.constant 0 : i32
      scf.yield %scan3A_133 : i32
    }
    %scan3A_43 = arith.constant 160 : i32
    %mul3A_44 = arith.constant 8 : i32
    %mul3A_45 = arith.muli %arg1, %mul3A_44 : i32
    "tpu.region"() ({
      %run_scoped3A = tpu.sem_alloc : memref<!tpu.dma_semaphore, #tpu.memory_space<semaphore_mem>>
      %dma_start3A_46 = arith.constant 0 : i32
      %dma_start3A_47 = tpu.memref_slice %arg6[%arg0, %mul3A_45, %dma_start3A_46] : memref<2x128x10112xf32, #tpu.memory_space<hbm>> -> memref<1x8x10112xf32, #tpu.memory_space<hbm>>
      %dma_start3A_48 = tpu.memref_squeeze %dma_start3A_47 : memref<1x8x10112xf32, #tpu.memory_space<hbm>> -> memref<8x10112xf32, #tpu.memory_space<hbm>>
      %dma_start3A_49 = arith.constant 0 : i32
      %dma_start3A_50 = tpu.memref_slice %arg6[%arg0, %mul3A_45, %dma_start3A_49] : memref<2x128x10112xf32, #tpu.memory_space<hbm>> -> memref<1x8x10112xf32, #tpu.memory_space<hbm>>
      %dma_start3A_51 = tpu.memref_squeeze %dma_start3A_50 : memref<1x8x10112xf32, #tpu.memory_space<hbm>> -> memref<8x10112xf32, #tpu.memory_space<hbm>>
      tpu.enqueue_dma source(%arg8 : memref<8x10112xf32, #tpu.memory_space<vmem>>) target(%dma_start3A_51 : memref<8x10112xf32, #tpu.memory_space<hbm>>) target_semaphore(%run_scoped3A : memref<!tpu.dma_semaphore, #tpu.memory_space<semaphore_mem>>)
      %dma_wait3A = arith.constant 0 : i32
      %dma_wait3A_52 = tpu.memref_slice %arg6[%arg0, %mul3A_45, %dma_wait3A] : memref<2x128x10112xf32, #tpu.memory_space<hbm>> -> memref<1x8x10112xf32, #tpu.memory_space<hbm>>
      %dma_wait3A_53 = tpu.memref_squeeze %dma_wait3A_52 : memref<1x8x10112xf32, #tpu.memory_space<hbm>> -> memref<8x10112xf32, #tpu.memory_space<hbm>>
      %dma_wait3A_54 = arith.constant 0 : i32
      %dma_wait3A_55 = tpu.memref_slice %arg6[%arg0, %mul3A_45, %dma_wait3A_54] : memref<2x128x10112xf32, #tpu.memory_space<hbm>> -> memref<1x8x10112xf32, #tpu.memory_space<hbm>>
      %dma_wait3A_56 = tpu.memref_squeeze %dma_wait3A_55 : memref<1x8x10112xf32, #tpu.memory_space<hbm>> -> memref<8x10112xf32, #tpu.memory_space<hbm>>
      tpu.wait_dma2 semaphore(%run_scoped3A : memref<!tpu.dma_semaphore, #tpu.memory_space<semaphore_mem>>) src(%arg8 : memref<8x10112xf32, #tpu.memory_space<vmem>>) dst(%dma_wait3A_56 : memref<8x10112xf32, #tpu.memory_space<hbm>>)
      tpu.yield
    }) : () -> ()
    return
  }
}

#map = affine_map<(d0, d1) -> (0, 0)>
#map1 = affine_map<(d0, d1) -> (0)>
module attributes {stable_mosaic.version = 14 : i64} {
  func.func @_p1_body(%arg0: i32, %arg1: i32, %arg2: memref<5120x64xi32, #tpu.memory_space<hbm>>, %arg3: memref<5120x64xi32, #tpu.memory_space<hbm>>, %arg4: memref<10240xf32, #tpu.memory_space<hbm>>, %arg5: memref<10240xf32, #tpu.memory_space<hbm>>, %arg6: memref<16xf32, #tpu.memory_space<hbm>>, %arg7: memref<327680xf32, #tpu.memory_space<hbm>>, %arg8: memref<2x10240xf32, #tpu.memory_space<hbm>>, %arg9: memref<10240xf32, #tpu.memory_space<vmem>>, %arg10: memref<10240xf32, #tpu.memory_space<vmem>>, %arg11: memref<16x64xi32, #tpu.memory_space<vmem>>, %arg12: memref<16x64xi32, #tpu.memory_space<vmem>>, %arg13: memref<64xf32, #tpu.memory_space<vmem>>, %arg14: memref<16xf32, #tpu.memory_space<vmem>>, %arg15: memref<640xf32, #tpu.memory_space<vmem>>, %arg16: memref<10240xf32, #tpu.memory_space<vmem_shared>>) attributes {dimension_semantics = [#tpu.dimension_semantics<core_parallel>, #tpu.dimension_semantics<subcore_parallel>], iteration_bounds = array<i64: 2, 16>, scalar_prefetch = 0 : i64, scratch_operands = 8 : i64, tpu.core_type = #tpu.core_type<sc_vector_subcore>, window_params = [{transform_indices = #map}, {transform_indices = #map}, {transform_indices = #map1}, {transform_indices = #map1}, {transform_indices = #map1}, {transform_indices = #map1}, {transform_indices = #map}]} {
    %mul3A = arith.constant 2 : i32
    %mul3A_0 = arith.muli %arg1, %mul3A : i32
    %add3A = arith.addi %mul3A_0, %arg0 : i32
    "tpu.region"() ({
      %run_scoped3A = tpu.sem_alloc : memref<!tpu.dma_semaphore, #tpu.memory_space<semaphore_mem>>
      tpu.enqueue_dma source(%arg4 : memref<10240xf32, #tpu.memory_space<hbm>>) target(%arg9 : memref<10240xf32, #tpu.memory_space<vmem>>) target_semaphore(%run_scoped3A : memref<!tpu.dma_semaphore, #tpu.memory_space<semaphore_mem>>)
      tpu.wait_dma2 semaphore(%run_scoped3A : memref<!tpu.dma_semaphore, #tpu.memory_space<semaphore_mem>>) src(%arg4 : memref<10240xf32, #tpu.memory_space<hbm>>) dst(%arg9 : memref<10240xf32, #tpu.memory_space<vmem>>)
      tpu.yield
    }) : () -> ()
    "tpu.region"() ({
      %run_scoped3A = tpu.sem_alloc : memref<!tpu.dma_semaphore, #tpu.memory_space<semaphore_mem>>
      tpu.enqueue_dma source(%arg5 : memref<10240xf32, #tpu.memory_space<hbm>>) target(%arg10 : memref<10240xf32, #tpu.memory_space<vmem>>) target_semaphore(%run_scoped3A : memref<!tpu.dma_semaphore, #tpu.memory_space<semaphore_mem>>)
      tpu.wait_dma2 semaphore(%run_scoped3A : memref<!tpu.dma_semaphore, #tpu.memory_space<semaphore_mem>>) src(%arg5 : memref<10240xf32, #tpu.memory_space<hbm>>) dst(%arg10 : memref<10240xf32, #tpu.memory_space<vmem>>)
      tpu.yield
    }) : () -> ()
    "tpu.region"() ({
      %run_scoped3A = tpu.sem_alloc : memref<!tpu.dma_semaphore, #tpu.memory_space<semaphore_mem>>
      tpu.enqueue_dma source(%arg6 : memref<16xf32, #tpu.memory_space<hbm>>) target(%arg14 : memref<16xf32, #tpu.memory_space<vmem>>) target_semaphore(%run_scoped3A : memref<!tpu.dma_semaphore, #tpu.memory_space<semaphore_mem>>)
      tpu.wait_dma2 semaphore(%run_scoped3A : memref<!tpu.dma_semaphore, #tpu.memory_space<semaphore_mem>>) src(%arg6 : memref<16xf32, #tpu.memory_space<hbm>>) dst(%arg14 : memref<16xf32, #tpu.memory_space<vmem>>)
      tpu.yield
    }) : () -> ()
    %scan3A = arith.constant 0 : i32
    %scan3A_1 = arith.constant 0 : i32
    %scan3A_2 = arith.constant 40 : i32
    %scan3A_3 = arith.addi %scan3A_1, %scan3A_2 : i32
    %scan3A_4 = arith.constant 1 : i32
    %scan3A_5 = scf.for %scan3A_22 = %scan3A_1 to %scan3A_3 step %scan3A_4 iter_args(%scan3A_23 = %scan3A) -> (i32)  : i32 {
      %broadcast_in_dim3A = arith.constant 0.000000e+00 : f32
      %broadcast_in_dim3A_24 = vector.broadcast %broadcast_in_dim3A : f32 to vector<16xf32>
      %mul3A_25 = arith.constant 16 : i32
      %mul3A_26 = arith.muli %scan3A_22, %mul3A_25 : i32
      %swap3A = arith.index_cast %mul3A_26 : i32 to index
      %swap3A_27 = tpu.vector_load %arg15[%swap3A] {strides = array<i32>} : memref<640xf32, #tpu.memory_space<vmem>>, vector<16xf32>,
      tpu.vector_store %arg15[%swap3A], %broadcast_in_dim3A_24 {strides = array<i32>} : memref<640xf32, #tpu.memory_space<vmem>>, vector<16xf32>,
      %scan3A_28 = arith.constant 0 : i32
      scf.yield %scan3A_28 : i32
    }
    %scan3A_6 = arith.constant 40 : i32
    %mul3A_7 = arith.constant 640 : i32
    %mul3A_8 = arith.muli %arg1, %mul3A_7 : i32
    "tpu.region"() ({
      %run_scoped3A = tpu.sem_alloc : memref<!tpu.dma_semaphore, #tpu.memory_space<semaphore_mem>>
      %dma_start3A = tpu.memref_slice %arg16[%mul3A_8] : memref<10240xf32, #tpu.memory_space<vmem_shared>> -> memref<640xf32, #tpu.memory_space<vmem_shared>>
      %dma_start3A_22 = tpu.memref_slice %arg16[%mul3A_8] : memref<10240xf32, #tpu.memory_space<vmem_shared>> -> memref<640xf32, #tpu.memory_space<vmem_shared>>
      tpu.enqueue_dma source(%arg15 : memref<640xf32, #tpu.memory_space<vmem>>) target(%dma_start3A_22 : memref<640xf32, #tpu.memory_space<vmem_shared>>) target_semaphore(%run_scoped3A : memref<!tpu.dma_semaphore, #tpu.memory_space<semaphore_mem>>)
      %dma_wait3A = tpu.memref_slice %arg16[%mul3A_8] : memref<10240xf32, #tpu.memory_space<vmem_shared>> -> memref<640xf32, #tpu.memory_space<vmem_shared>>
      %dma_wait3A_23 = tpu.memref_slice %arg16[%mul3A_8] : memref<10240xf32, #tpu.memory_space<vmem_shared>> -> memref<640xf32, #tpu.memory_space<vmem_shared>>
      tpu.wait_dma2 semaphore(%run_scoped3A : memref<!tpu.dma_semaphore, #tpu.memory_space<semaphore_mem>>) src(%arg15 : memref<640xf32, #tpu.memory_space<vmem>>) dst(%dma_wait3A_23 : memref<640xf32, #tpu.memory_space<vmem_shared>>)
      tpu.yield
    }) : () -> ()
    %barrier3A = arith.constant 0 : index
    tpu.barrier barrier_id(%barrier3A)
    %get3A = arith.constant 0 : index
    %get3A_9 = tpu.vector_load %arg14[%get3A] {strides = array<i32>} : memref<16xf32, #tpu.memory_space<vmem>>, vector<16xf32>,
    %scan3A_10 = arith.constant 0 : i32
    %scan3A_11 = arith.constant 0 : i32
    %scan3A_12 = arith.constant 10 : i32
    %scan3A_13 = arith.addi %scan3A_11, %scan3A_12 : i32
    %scan3A_14 = arith.constant 1 : i32
    %scan3A_15 = scf.for %scan3A_22 = %scan3A_11 to %scan3A_13 step %scan3A_14 iter_args(%scan3A_23 = %scan3A_10) -> (i32)  : i32 {
      %mul3A_24 = arith.constant 160 : i32
      %mul3A_25 = arith.muli %add3A, %mul3A_24 : i32
      %mul3A_26 = arith.constant 16 : i32
      %mul3A_27 = arith.muli %scan3A_22, %mul3A_26 : i32
      %add3A_28 = arith.addi %mul3A_25, %mul3A_27 : i32
      "tpu.region"() ({
        %run_scoped3A = tpu.sem_alloc : memref<!tpu.dma_semaphore, #tpu.memory_space<semaphore_mem>>
        %dma_start3A = arith.constant 0 : i32
        %dma_start3A_37 = tpu.memref_slice %arg2[%add3A_28, %dma_start3A] : memref<5120x64xi32, #tpu.memory_space<hbm>> -> memref<16x64xi32, #tpu.memory_space<hbm>>
        %dma_start3A_38 = arith.constant 0 : i32
        %dma_start3A_39 = tpu.memref_slice %arg2[%add3A_28, %dma_start3A_38] : memref<5120x64xi32, #tpu.memory_space<hbm>> -> memref<16x64xi32, #tpu.memory_space<hbm>>
        tpu.enqueue_dma source(%dma_start3A_39 : memref<16x64xi32, #tpu.memory_space<hbm>>) target(%arg11 : memref<16x64xi32, #tpu.memory_space<vmem>>) target_semaphore(%run_scoped3A : memref<!tpu.dma_semaphore, #tpu.memory_space<semaphore_mem>>)
        %dma_wait3A = arith.constant 0 : i32
        %dma_wait3A_40 = tpu.memref_slice %arg2[%add3A_28, %dma_wait3A] : memref<5120x64xi32, #tpu.memory_space<hbm>> -> memref<16x64xi32, #tpu.memory_space<hbm>>
        %dma_wait3A_41 = arith.constant 0 : i32
        %dma_wait3A_42 = tpu.memref_slice %arg2[%add3A_28, %dma_wait3A_41] : memref<5120x64xi32, #tpu.memory_space<hbm>> -> memref<16x64xi32, #tpu.memory_space<hbm>>
        tpu.wait_dma2 semaphore(%run_scoped3A : memref<!tpu.dma_semaphore, #tpu.memory_space<semaphore_mem>>) src(%dma_wait3A_42 : memref<16x64xi32, #tpu.memory_space<hbm>>) dst(%arg11 : memref<16x64xi32, #tpu.memory_space<vmem>>)
        tpu.yield
      }) : () -> ()
      "tpu.region"() ({
        %run_scoped3A = tpu.sem_alloc : memref<!tpu.dma_semaphore, #tpu.memory_space<semaphore_mem>>
        %dma_start3A = arith.constant 0 : i32
        %dma_start3A_37 = tpu.memref_slice %arg3[%add3A_28, %dma_start3A] : memref<5120x64xi32, #tpu.memory_space<hbm>> -> memref<16x64xi32, #tpu.memory_space<hbm>>
        %dma_start3A_38 = arith.constant 0 : i32
        %dma_start3A_39 = tpu.memref_slice %arg3[%add3A_28, %dma_start3A_38] : memref<5120x64xi32, #tpu.memory_space<hbm>> -> memref<16x64xi32, #tpu.memory_space<hbm>>
        tpu.enqueue_dma source(%dma_start3A_39 : memref<16x64xi32, #tpu.memory_space<hbm>>) target(%arg12 : memref<16x64xi32, #tpu.memory_space<vmem>>) target_semaphore(%run_scoped3A : memref<!tpu.dma_semaphore, #tpu.memory_space<semaphore_mem>>)
        %dma_wait3A = arith.constant 0 : i32
        %dma_wait3A_40 = tpu.memref_slice %arg3[%add3A_28, %dma_wait3A] : memref<5120x64xi32, #tpu.memory_space<hbm>> -> memref<16x64xi32, #tpu.memory_space<hbm>>
        %dma_wait3A_41 = arith.constant 0 : i32
        %dma_wait3A_42 = tpu.memref_slice %arg3[%add3A_28, %dma_wait3A_41] : memref<5120x64xi32, #tpu.memory_space<hbm>> -> memref<16x64xi32, #tpu.memory_space<hbm>>
        tpu.wait_dma2 semaphore(%run_scoped3A : memref<!tpu.dma_semaphore, #tpu.memory_space<semaphore_mem>>) src(%dma_wait3A_42 : memref<16x64xi32, #tpu.memory_space<hbm>>) dst(%arg12 : memref<16x64xi32, #tpu.memory_space<vmem>>)
        tpu.yield
      }) : () -> ()
      %scan3A_29 = arith.constant 0 : i32
      %scan3A_30 = arith.constant 0 : i32
      %scan3A_31 = arith.constant 16 : i32
      %scan3A_32 = arith.addi %scan3A_30, %scan3A_31 : i32
      %scan3A_33 = arith.constant 1 : i32
      %scan3A_34 = scf.for %scan3A_37 = %scan3A_30 to %scan3A_32 step %scan3A_33 iter_args(%scan3A_38 = %scan3A_29) -> (i32)  : i32 {
        %get3A_39 = arith.index_cast %scan3A_37 : i32 to index
        %get3A_40 = arith.constant 0 : index
        %get3A_41 = tpu.vector_load %arg11[%get3A_39, %get3A_40] {strides = array<i32>} : memref<16x64xi32, #tpu.memory_space<vmem>>, vector<16xi32>,
        %get3A_42 = arith.index_cast %scan3A_37 : i32 to index
        %get3A_43 = arith.constant 0 : index
        %get3A_44 = tpu.vector_load %arg12[%get3A_42, %get3A_43] {strides = array<i32>} : memref<16x64xi32, #tpu.memory_space<vmem>>, vector<16xi32>,
        %gather3A = tpu.vector_load_idx %arg9[%get3A_41] : memref<10240xf32, #tpu.memory_space<vmem>>[vector<16xi32>], vector<16xf32>,
        %gather3A_45 = tpu.vector_load_idx %arg10[%get3A_44] : memref<10240xf32, #tpu.memory_space<vmem>>[vector<16xi32>], vector<16xf32>,
        %add3A_46 = arith.addf %gather3A, %gather3A_45 : vector<16xf32>
        %ge3A = arith.constant 0.000000e+00 : f32
        %ge3A_47 = vector.broadcast %ge3A : f32 to vector<16xf32>
        %ge3A_48 = arith.cmpf oge, %add3A_46, %ge3A_47 : vector<16xf32>
        %mul3A_49 = arith.constant 2.000000e-01 : f32
        %mul3A_50 = vector.broadcast %mul3A_49 : f32 to vector<16xf32>
        %mul3A_51 = arith.mulf %mul3A_50, %add3A_46 : vector<16xf32>
        %select_n3A = arith.select %ge3A_48, %add3A_46, %mul3A_51 : vector<16xi1>, vector<16xf32>
        %sub3A = arith.subf %select_n3A, %get3A_9 : vector<16xf32>
        %exp3A = math.exp %sub3A : vector<16xf32>
        %swap3A = arith.constant 0 : index
        %swap3A_52 = tpu.vector_load %arg13[%swap3A] {strides = array<i32>} : memref<64xf32, #tpu.memory_space<vmem>>, vector<16xf32>,
        tpu.vector_store %arg13[%swap3A], %exp3A {strides = array<i32>} : memref<64xf32, #tpu.memory_space<vmem>>, vector<16xf32>,
        %get3A_53 = arith.index_cast %scan3A_37 : i32 to index
        %get3A_54 = arith.constant 16 : index
        %get3A_55 = tpu.vector_load %arg11[%get3A_53, %get3A_54] {strides = array<i32>} : memref<16x64xi32, #tpu.memory_space<vmem>>, vector<16xi32>,
        %get3A_56 = arith.index_cast %scan3A_37 : i32 to index
        %get3A_57 = arith.constant 16 : index
        %get3A_58 = tpu.vector_load %arg12[%get3A_56, %get3A_57] {strides = array<i32>} : memref<16x64xi32, #tpu.memory_space<vmem>>, vector<16xi32>,
        %gather3A_59 = tpu.vector_load_idx %arg9[%get3A_55] : memref<10240xf32, #tpu.memory_space<vmem>>[vector<16xi32>], vector<16xf32>,
        %gather3A_60 = tpu.vector_load_idx %arg10[%get3A_58] : memref<10240xf32, #tpu.memory_space<vmem>>[vector<16xi32>], vector<16xf32>,
        %add3A_61 = arith.addf %gather3A_59, %gather3A_60 : vector<16xf32>
        %ge3A_62 = arith.constant 0.000000e+00 : f32
        %ge3A_63 = vector.broadcast %ge3A_62 : f32 to vector<16xf32>
        %ge3A_64 = arith.cmpf oge, %add3A_61, %ge3A_63 : vector<16xf32>
        %mul3A_65 = arith.constant 2.000000e-01 : f32
        %mul3A_66 = vector.broadcast %mul3A_65 : f32 to vector<16xf32>
        %mul3A_67 = arith.mulf %mul3A_66, %add3A_61 : vector<16xf32>
        %select_n3A_68 = arith.select %ge3A_64, %add3A_61, %mul3A_67 : vector<16xi1>, vector<16xf32>
        %sub3A_69 = arith.subf %select_n3A_68, %get3A_9 : vector<16xf32>
        %exp3A_70 = math.exp %sub3A_69 : vector<16xf32>
        %swap3A_71 = arith.constant 16 : index
        %swap3A_72 = tpu.vector_load %arg13[%swap3A_71] {strides = array<i32>} : memref<64xf32, #tpu.memory_space<vmem>>, vector<16xf32>,
        tpu.vector_store %arg13[%swap3A_71], %exp3A_70 {strides = array<i32>} : memref<64xf32, #tpu.memory_space<vmem>>, vector<16xf32>,
        %get3A_73 = arith.index_cast %scan3A_37 : i32 to index
        %get3A_74 = arith.constant 32 : index
        %get3A_75 = tpu.vector_load %arg11[%get3A_73, %get3A_74] {strides = array<i32>} : memref<16x64xi32, #tpu.memory_space<vmem>>, vector<16xi32>,
        %get3A_76 = arith.index_cast %scan3A_37 : i32 to index
        %get3A_77 = arith.constant 32 : index
        %get3A_78 = tpu.vector_load %arg12[%get3A_76, %get3A_77] {strides = array<i32>} : memref<16x64xi32, #tpu.memory_space<vmem>>, vector<16xi32>,
        %gather3A_79 = tpu.vector_load_idx %arg9[%get3A_75] : memref<10240xf32, #tpu.memory_space<vmem>>[vector<16xi32>], vector<16xf32>,
        %gather3A_80 = tpu.vector_load_idx %arg10[%get3A_78] : memref<10240xf32, #tpu.memory_space<vmem>>[vector<16xi32>], vector<16xf32>,
        %add3A_81 = arith.addf %gather3A_79, %gather3A_80 : vector<16xf32>
        %ge3A_82 = arith.constant 0.000000e+00 : f32
        %ge3A_83 = vector.broadcast %ge3A_82 : f32 to vector<16xf32>
        %ge3A_84 = arith.cmpf oge, %add3A_81, %ge3A_83 : vector<16xf32>
        %mul3A_85 = arith.constant 2.000000e-01 : f32
        %mul3A_86 = vector.broadcast %mul3A_85 : f32 to vector<16xf32>
        %mul3A_87 = arith.mulf %mul3A_86, %add3A_81 : vector<16xf32>
        %select_n3A_88 = arith.select %ge3A_84, %add3A_81, %mul3A_87 : vector<16xi1>, vector<16xf32>
        %sub3A_89 = arith.subf %select_n3A_88, %get3A_9 : vector<16xf32>
        %exp3A_90 = math.exp %sub3A_89 : vector<16xf32>
        %swap3A_91 = arith.constant 32 : index
        %swap3A_92 = tpu.vector_load %arg13[%swap3A_91] {strides = array<i32>} : memref<64xf32, #tpu.memory_space<vmem>>, vector<16xf32>,
        tpu.vector_store %arg13[%swap3A_91], %exp3A_90 {strides = array<i32>} : memref<64xf32, #tpu.memory_space<vmem>>, vector<16xf32>,
        %get3A_93 = arith.index_cast %scan3A_37 : i32 to index
        %get3A_94 = arith.constant 48 : index
        %get3A_95 = tpu.vector_load %arg11[%get3A_93, %get3A_94] {strides = array<i32>} : memref<16x64xi32, #tpu.memory_space<vmem>>, vector<16xi32>,
        %get3A_96 = arith.index_cast %scan3A_37 : i32 to index
        %get3A_97 = arith.constant 48 : index
        %get3A_98 = tpu.vector_load %arg12[%get3A_96, %get3A_97] {strides = array<i32>} : memref<16x64xi32, #tpu.memory_space<vmem>>, vector<16xi32>,
        %gather3A_99 = tpu.vector_load_idx %arg9[%get3A_95] : memref<10240xf32, #tpu.memory_space<vmem>>[vector<16xi32>], vector<16xf32>,
        %gather3A_100 = tpu.vector_load_idx %arg10[%get3A_98] : memref<10240xf32, #tpu.memory_space<vmem>>[vector<16xi32>], vector<16xf32>,
        %add3A_101 = arith.addf %gather3A_99, %gather3A_100 : vector<16xf32>
        %ge3A_102 = arith.constant 0.000000e+00 : f32
        %ge3A_103 = vector.broadcast %ge3A_102 : f32 to vector<16xf32>
        %ge3A_104 = arith.cmpf oge, %add3A_101, %ge3A_103 : vector<16xf32>
        %mul3A_105 = arith.constant 2.000000e-01 : f32
        %mul3A_106 = vector.broadcast %mul3A_105 : f32 to vector<16xf32>
        %mul3A_107 = arith.mulf %mul3A_106, %add3A_101 : vector<16xf32>
        %select_n3A_108 = arith.select %ge3A_104, %add3A_101, %mul3A_107 : vector<16xi1>, vector<16xf32>
        %sub3A_109 = arith.subf %select_n3A_108, %get3A_9 : vector<16xf32>
        %exp3A_110 = math.exp %sub3A_109 : vector<16xf32>
        %swap3A_111 = arith.constant 48 : index
        %swap3A_112 = tpu.vector_load %arg13[%swap3A_111] {strides = array<i32>} : memref<64xf32, #tpu.memory_space<vmem>>, vector<16xf32>,
        tpu.vector_store %arg13[%swap3A_111], %exp3A_110 {strides = array<i32>} : memref<64xf32, #tpu.memory_space<vmem>>, vector<16xf32>,
        %add3A_113 = arith.addi %add3A_28, %scan3A_37 : i32
        %mul3A_114 = arith.constant 64 : i32
        %mul3A_115 = arith.muli %add3A_113, %mul3A_114 : i32
        "tpu.region"() ({
          %run_scoped3A = tpu.sem_alloc : memref<!tpu.dma_semaphore, #tpu.memory_space<semaphore_mem>>
          %dma_start3A = tpu.memref_slice %arg7[%mul3A_115] : memref<327680xf32, #tpu.memory_space<hbm>> -> memref<64xf32, #tpu.memory_space<hbm>>
          %dma_start3A_117 = tpu.memref_slice %arg7[%mul3A_115] : memref<327680xf32, #tpu.memory_space<hbm>> -> memref<64xf32, #tpu.memory_space<hbm>>
          tpu.enqueue_dma source(%arg13 : memref<64xf32, #tpu.memory_space<vmem>>) target(%dma_start3A_117 : memref<64xf32, #tpu.memory_space<hbm>>) target_semaphore(%run_scoped3A : memref<!tpu.dma_semaphore, #tpu.memory_space<semaphore_mem>>)
          %dma_wait3A = tpu.memref_slice %arg7[%mul3A_115] : memref<327680xf32, #tpu.memory_space<hbm>> -> memref<64xf32, #tpu.memory_space<hbm>>
          %dma_wait3A_118 = tpu.memref_slice %arg7[%mul3A_115] : memref<327680xf32, #tpu.memory_space<hbm>> -> memref<64xf32, #tpu.memory_space<hbm>>
          tpu.wait_dma2 semaphore(%run_scoped3A : memref<!tpu.dma_semaphore, #tpu.memory_space<semaphore_mem>>) src(%arg13 : memref<64xf32, #tpu.memory_space<vmem>>) dst(%dma_wait3A_118 : memref<64xf32, #tpu.memory_space<hbm>>)
          tpu.yield
        }) : () -> ()
        "tpu.region"() ({
          %run_scoped3A = tpu.sem_alloc : memref<!tpu.dma_semaphore, #tpu.memory_space<semaphore_mem>>
          %dma_start3A = arith.constant 0 : i32
          %dma_start3A_117 = tpu.memref_slice %arg12[%scan3A_37, %dma_start3A] : memref<16x64xi32, #tpu.memory_space<vmem>> -> memref<1x64xi32, #tpu.memory_space<vmem>>
          %dma_start3A_118 = tpu.memref_squeeze %dma_start3A_117 : memref<1x64xi32, #tpu.memory_space<vmem>> -> memref<64xi32, #tpu.memory_space<vmem>>
          %dma_start3A_119 = arith.constant 0 : i32
          %dma_start3A_120 = tpu.memref_slice %arg16[%dma_start3A_119] : memref<10240xf32, #tpu.memory_space<vmem_shared>> -> memref<10240xf32, #tpu.memory_space<vmem_shared>>
          tpu.enqueue_indirect_dma source(%arg13 : memref<64xf32, #tpu.memory_space<vmem>>) target(%dma_start3A_120 : memref<10240xf32, #tpu.memory_space<vmem_shared>>) offsets(%dma_start3A_118 : memref<64xi32, #tpu.memory_space<vmem>>) semaphore(%run_scoped3A : memref<!tpu.dma_semaphore, #tpu.memory_space<semaphore_mem>>) {add = true}
          %dma_wait3A = arith.constant 0 : i32
          %dma_wait3A_121 = tpu.memref_slice %arg12[%scan3A_37, %dma_wait3A] : memref<16x64xi32, #tpu.memory_space<vmem>> -> memref<1x64xi32, #tpu.memory_space<vmem>>
          %dma_wait3A_122 = tpu.memref_squeeze %dma_wait3A_121 : memref<1x64xi32, #tpu.memory_space<vmem>> -> memref<64xi32, #tpu.memory_space<vmem>>
          %dma_wait3A_123 = arith.constant 0 : i32
          %dma_wait3A_124 = tpu.memref_slice %arg16[%dma_wait3A_123] : memref<10240xf32, #tpu.memory_space<vmem_shared>> -> memref<10240xf32, #tpu.memory_space<vmem_shared>>
          tpu.wait_indirect_dma semaphore(%run_scoped3A : memref<!tpu.dma_semaphore, #tpu.memory_space<semaphore_mem>>) src(%arg13 : memref<64xf32, #tpu.memory_space<vmem>>) dst(%dma_wait3A_124 : memref<10240xf32, #tpu.memory_space<vmem_shared>>)
          tpu.yield
        }) : () -> ()
        %scan3A_116 = arith.constant 0 : i32
        scf.yield %scan3A_116 : i32
      }
      %scan3A_35 = arith.constant 16 : i32
      %scan3A_36 = arith.constant 0 : i32
      scf.yield %scan3A_36 : i32
    }
    %scan3A_16 = arith.constant 10 : i32
    %barrier3A_17 = arith.constant 0 : index
    tpu.barrier barrier_id(%barrier3A_17)
    %mul3A_18 = arith.constant 640 : i32
    %mul3A_19 = arith.muli %arg1, %mul3A_18 : i32
    %mul3A_20 = arith.constant 640 : i32
    %mul3A_21 = arith.muli %arg1, %mul3A_20 : i32
    "tpu.region"() ({
      %run_scoped3A = tpu.sem_alloc : memref<!tpu.dma_semaphore, #tpu.memory_space<semaphore_mem>>
      %dma_start3A = tpu.memref_slice %arg8[%arg0, %mul3A_21] : memref<2x10240xf32, #tpu.memory_space<hbm>> -> memref<1x640xf32, #tpu.memory_space<hbm>>
      %dma_start3A_22 = tpu.memref_squeeze %dma_start3A : memref<1x640xf32, #tpu.memory_space<hbm>> -> memref<640xf32, #tpu.memory_space<hbm>>
      %dma_start3A_23 = tpu.memref_slice %arg16[%mul3A_19] : memref<10240xf32, #tpu.memory_space<vmem_shared>> -> memref<640xf32, #tpu.memory_space<vmem_shared>>
      tpu.enqueue_dma source(%dma_start3A_23 : memref<640xf32, #tpu.memory_space<vmem_shared>>) target(%dma_start3A_22 : memref<640xf32, #tpu.memory_space<hbm>>) target_semaphore(%run_scoped3A : memref<!tpu.dma_semaphore, #tpu.memory_space<semaphore_mem>>)
      %dma_wait3A = tpu.memref_slice %arg8[%arg0, %mul3A_21] : memref<2x10240xf32, #tpu.memory_space<hbm>> -> memref<1x640xf32, #tpu.memory_space<hbm>>
      %dma_wait3A_24 = tpu.memref_squeeze %dma_wait3A : memref<1x640xf32, #tpu.memory_space<hbm>> -> memref<640xf32, #tpu.memory_space<hbm>>
      %dma_wait3A_25 = tpu.memref_slice %arg16[%mul3A_19] : memref<10240xf32, #tpu.memory_space<vmem_shared>> -> memref<640xf32, #tpu.memory_space<vmem_shared>>
      tpu.wait_dma2 semaphore(%run_scoped3A : memref<!tpu.dma_semaphore, #tpu.memory_space<semaphore_mem>>) src(%dma_wait3A_25 : memref<640xf32, #tpu.memory_space<vmem_shared>>) dst(%dma_wait3A_24 : memref<640xf32, #tpu.memory_space<hbm>>)
      tpu.yield
    }) : () -> ()
    return
  }
}

module attributes {stable_mosaic.version = 14 : i64} {
  func.func @_proj_body(%arg0: i32, %arg1: memref<256x128xf32, #tpu.memory_space<vmem>>, %arg2: memref<128x128xf32, #tpu.memory_space<vmem>>, %arg3: memref<1x128xf32, #tpu.memory_space<vmem>>, %arg4: memref<128x128xf32, #tpu.memory_space<vmem>>, %arg5: memref<128x1xf32, #tpu.memory_space<vmem>>, %arg6: memref<128x1xf32, #tpu.memory_space<vmem>>, %arg7: memref<128x256xf32, #tpu.memory_space<vmem>>, %arg8: memref<256x1xf32, #tpu.memory_space<vmem>>, %arg9: memref<256x1xf32, #tpu.memory_space<vmem>>, %arg10: memref<1x1xf32, #tpu.memory_space<vmem>>, %arg11: memref<2xf32, #tpu.memory_space<smem>>) attributes {dimension_semantics = [#tpu.dimension_semantics<arbitrary>], iteration_bounds = array<i64: 40>, scalar_prefetch = 0 : i64, scratch_operands = 1 : i64, tpu.core_type = #tpu.core_type<tc>, window_params = [{transform_indices = @transform_0, window_bounds = array<i64: 256, 128>}, {pipeline_mode = #tpu.pipeline_mode<synchronous>, transform_indices = @transform_1, window_bounds = array<i64: 128, 128>}, {pipeline_mode = #tpu.pipeline_mode<synchronous>, transform_indices = @transform_2, window_bounds = array<i64: 1, 128>}, {pipeline_mode = #tpu.pipeline_mode<synchronous>, transform_indices = @transform_3, window_bounds = array<i64: 128, 128>}, {pipeline_mode = #tpu.pipeline_mode<synchronous>, transform_indices = @transform_4, window_bounds = array<i64: 128, 1>}, {pipeline_mode = #tpu.pipeline_mode<synchronous>, transform_indices = @transform_5, window_bounds = array<i64: 128, 1>}, {transform_indices = @transform_6, window_bounds = array<i64: 128, 256>}, {transform_indices = @transform_7, window_bounds = array<i64: 256, 1>}, {transform_indices = @transform_8, window_bounds = array<i64: 256, 1>}, {pipeline_mode = #tpu.pipeline_mode<synchronous>, transform_indices = @transform_9, window_bounds = array<i64: 1, 1>}]} {
    %get3A = arith.constant 0 : index
    %get3A_0 = arith.constant 0 : index
    %get3A_1 = vector.load %arg3[%get3A, %get3A_0] : memref<1x128xf32, #tpu.memory_space<vmem>>, vector<1x128xf32>
    %get3A_2 = arith.constant 0 : index
    %get3A_3 = arith.constant 0 : index
    %get3A_4 = vector.load %arg4[%get3A_2, %get3A_3] : memref<128x128xf32, #tpu.memory_space<vmem>>, vector<128x128xf32>
    %dot_general3A = arith.constant dense<0.000000e+00> : vector<1x128xf32>
    %dot_general3A_5 = tpu.matmul %get3A_1, %get3A_4, %dot_general3A {dimension_numbers = #tpu.dot_dimension_numbers<[1], [0], [0], [1], [0, 0, 1, 1], [], []>, transpose_lhs_hint = false} : vector<1x128xf32>, vector<128x128xf32>, vector<1x128xf32> -> vector<1x128xf32>
    %get3A_6 = arith.constant 0 : index
    %get3A_7 = arith.constant 0 : index
    %get3A_8 = vector.load %arg1[%get3A_6, %get3A_7] : memref<256x128xf32, #tpu.memory_space<vmem>>, vector<256x128xf32>
    %get3A_9 = arith.constant 0 : index
    %get3A_10 = arith.constant 0 : index
    %get3A_11 = vector.load %arg2[%get3A_9, %get3A_10] : memref<128x128xf32, #tpu.memory_space<vmem>>, vector<128x128xf32>
    %dot_general3A_12 = arith.constant dense<0.000000e+00> : vector<256x128xf32>
    %dot_general3A_13 = tpu.matmul %get3A_8, %get3A_11, %dot_general3A_12 {dimension_numbers = #tpu.dot_dimension_numbers<[1], [0], [0], [1], [0, 0, 1, 1], [], []>, transpose_lhs_hint = false} : vector<256x128xf32>, vector<128x128xf32>, vector<256x128xf32> -> vector<256x128xf32>
    %add3A = vector.broadcast %dot_general3A_5 : vector<1x128xf32> to vector<256x128xf32>
    %add3A_14 = arith.addf %dot_general3A_13, %add3A : vector<256x128xf32>
    %transpose3A = tpu.transpose %add3A_14, [1, 0] : vector<256x128xf32> -> vector<128x256xf32>
    %swap3A = arith.constant 0 : index
    %swap3A_15 = arith.constant 0 : index
    %swap3A_16 = vector.load %arg7[%swap3A, %swap3A_15] : memref<128x256xf32, #tpu.memory_space<vmem>>, vector<128x256xf32>
    tpu.vector_store %arg7[%swap3A, %swap3A_15], %transpose3A {strides = array<i32>} : memref<128x256xf32, #tpu.memory_space<vmem>>, vector<128x256xf32>,
    %get3A_17 = arith.constant 0 : index
    %get3A_18 = arith.constant 0 : index
    %get3A_19 = vector.load %arg5[%get3A_17, %get3A_18] : memref<128x1xf32, #tpu.memory_space<vmem>>, vector<128x1xf32>
    %dot_general3A_20 = arith.constant dense<0.000000e+00> : vector<256x1xf32>
    %dot_general3A_21 = tpu.matmul %add3A_14, %get3A_19, %dot_general3A_20 {dimension_numbers = #tpu.dot_dimension_numbers<[1], [0], [0], [1], [0, 0, 1, 1], [], []>, transpose_lhs_hint = false} : vector<256x128xf32>, vector<128x1xf32>, vector<256x1xf32> -> vector<256x1xf32>
    %get3A_22 = arith.constant 0 : index
    %get3A_23 = arith.constant 0 : index
    %get3A_24 = vector.load %arg6[%get3A_22, %get3A_23] : memref<128x1xf32, #tpu.memory_space<vmem>>, vector<128x1xf32>
    %dot_general3A_25 = arith.constant dense<0.000000e+00> : vector<256x1xf32>
    %dot_general3A_26 = tpu.matmul %add3A_14, %get3A_24, %dot_general3A_25 {dimension_numbers = #tpu.dot_dimension_numbers<[1], [0], [0], [1], [0, 0, 1, 1], [], []>, transpose_lhs_hint = false} : vector<256x128xf32>, vector<128x1xf32>, vector<256x1xf32> -> vector<256x1xf32>
    %swap3A_27 = arith.constant 0 : index
    %swap3A_28 = arith.constant 0 : index
    %swap3A_29 = vector.load %arg8[%swap3A_27, %swap3A_28] : memref<256x1xf32, #tpu.memory_space<vmem>>, vector<256x1xf32>
    tpu.vector_store %arg8[%swap3A_27, %swap3A_28], %dot_general3A_21 {strides = array<i32>} : memref<256x1xf32, #tpu.memory_space<vmem>>, vector<256x1xf32>,
    %swap3A_30 = arith.constant 0 : index
    %swap3A_31 = arith.constant 0 : index
    %swap3A_32 = vector.load %arg9[%swap3A_30, %swap3A_31] : memref<256x1xf32, #tpu.memory_space<vmem>>, vector<256x1xf32>
    tpu.vector_store %arg9[%swap3A_30, %swap3A_31], %dot_general3A_26 {strides = array<i32>} : memref<256x1xf32, #tpu.memory_space<vmem>>, vector<256x1xf32>,
    %eq3A = arith.constant 0 : i32
    %eq3A_33 = arith.cmpi eq, %arg0, %eq3A : i32
    %convert_element_type3A = arith.extui %eq3A_33 : i1 to i32
    %cond3A = arith.constant 0 : i32
    %cond3A_34 = arith.cmpi ne, %convert_element_type3A, %cond3A : i32
    scf.if %cond3A_34 {
      %swap3A_58 = arith.constant -3.400000e+38 : f32
      %swap3A_59 = arith.constant 0 : index
      %swap3A_60 = memref.load %arg11[%swap3A_59] : memref<2xf32, #tpu.memory_space<smem>>
      memref.store %swap3A_58, %arg11[%swap3A_59] : memref<2xf32, #tpu.memory_space<smem>>
      %swap3A_61 = arith.constant -3.400000e+38 : f32
      %swap3A_62 = arith.constant 1 : index
      %swap3A_63 = memref.load %arg11[%swap3A_62] : memref<2xf32, #tpu.memory_space<smem>>
      memref.store %swap3A_61, %arg11[%swap3A_62] : memref<2xf32, #tpu.memory_space<smem>>
    } else {
    }
    %get3A_35 = arith.constant 0 : index
    %get3A_36 = memref.load %arg11[%get3A_35] : memref<2xf32, #tpu.memory_space<smem>>
    %reduce_max3A = vector.shape_cast %dot_general3A_21 : vector<256x1xf32> to vector<1x256x1xf32>
    %reduce_max3A_37 = arith.constant dense<0xFF800000> : vector<1xf32>
    %reduce_max3A_38 = vector.multi_reduction <maximumf>, %reduce_max3A, %reduce_max3A_37 [1, 2] : vector<1x256x1xf32> to vector<1xf32>
    %reduce_max3A_39 = vector.shape_cast %reduce_max3A_38 : vector<1xf32> to vector<1x1x1xf32>
    %reduce_max3A_40 = vector.extract %reduce_max3A_39[0, 0, 0] : f32 from vector<1x1x1xf32>
    %max3A = arith.maximumf %get3A_36, %reduce_max3A_40 : f32
    %swap3A_41 = arith.constant 0 : index
    %swap3A_42 = memref.load %arg11[%swap3A_41] : memref<2xf32, #tpu.memory_space<smem>>
    memref.store %max3A, %arg11[%swap3A_41] : memref<2xf32, #tpu.memory_space<smem>>
    %get3A_43 = arith.constant 1 : index
    %get3A_44 = memref.load %arg11[%get3A_43] : memref<2xf32, #tpu.memory_space<smem>>
    %reduce_max3A_45 = vector.shape_cast %dot_general3A_26 : vector<256x1xf32> to vector<1x256x1xf32>
    %reduce_max3A_46 = arith.constant dense<0xFF800000> : vector<1xf32>
    %reduce_max3A_47 = vector.multi_reduction <maximumf>, %reduce_max3A_45, %reduce_max3A_46 [1, 2] : vector<1x256x1xf32> to vector<1xf32>
    %reduce_max3A_48 = vector.shape_cast %reduce_max3A_47 : vector<1xf32> to vector<1x1x1xf32>
    %reduce_max3A_49 = vector.extract %reduce_max3A_48[0, 0, 0] : f32 from vector<1x1x1xf32>
    %max3A_50 = arith.maximumf %get3A_44, %reduce_max3A_49 : f32
    %swap3A_51 = arith.constant 1 : index
    %swap3A_52 = memref.load %arg11[%swap3A_51] : memref<2xf32, #tpu.memory_space<smem>>
    memref.store %max3A_50, %arg11[%swap3A_51] : memref<2xf32, #tpu.memory_space<smem>>
    %eq3A_53 = arith.constant 39 : i32
    %eq3A_54 = arith.cmpi eq, %arg0, %eq3A_53 : i32
    %convert_element_type3A_55 = arith.extui %eq3A_54 : i1 to i32
    %cond3A_56 = arith.constant 0 : i32
    %cond3A_57 = arith.cmpi ne, %convert_element_type3A_55, %cond3A_56 : i32
    scf.if %cond3A_57 {
      %get3A_58 = arith.constant 0 : index
      %get3A_59 = memref.load %arg11[%get3A_58] : memref<2xf32, #tpu.memory_space<smem>>
      %get3A_60 = arith.constant 1 : index
      %get3A_61 = memref.load %arg11[%get3A_60] : memref<2xf32, #tpu.memory_space<smem>>
      %add3A_62 = arith.addf %get3A_59, %get3A_61 : f32
      %max3A_63 = arith.constant 0.000000e+00 : f32
      %max3A_64 = arith.maximumf %add3A_62, %max3A_63 : f32
      %broadcast_in_dim3A = vector.broadcast %max3A_64 : f32 to vector<1x1xf32>
      %swap3A_65 = arith.constant 0 : index
      %swap3A_66 = arith.constant 0 : index
      %swap3A_67 = vector.load %arg10[%swap3A_65, %swap3A_66] : memref<1x1xf32, #tpu.memory_space<vmem>>, vector<1x1xf32>
      tpu.vector_store %arg10[%swap3A_65, %swap3A_66], %broadcast_in_dim3A {strides = array<i32>} : memref<1x1xf32, #tpu.memory_space<vmem>>, vector<1x1xf32>,
    } else {
    }
    return
  }
  func.func @transform_0(%arg0: i32) -> (i32, i32) {
    %c0_i32 = arith.constant 0 : i32
    %c0_i32_0 = arith.constant 0 : i32
    return %arg0, %c0_i32 : i32, i32
  }
  func.func @transform_1(%arg0: i32) -> (i32, i32) {
    %c0_i32 = arith.constant 0 : i32
    %c0_i32_0 = arith.constant 0 : i32
    %c0_i32_1 = arith.constant 0 : i32
    return %c0_i32, %c0_i32_0 : i32, i32
  }
  func.func @transform_2(%arg0: i32) -> (i32, i32) {
    %c0_i32 = arith.constant 0 : i32
    %c0_i32_0 = arith.constant 0 : i32
    %c0_i32_1 = arith.constant 0 : i32
    return %c0_i32, %c0_i32_0 : i32, i32
  }
  func.func @transform_3(%arg0: i32) -> (i32, i32) {
    %c0_i32 = arith.constant 0 : i32
    %c0_i32_0 = arith.constant 0 : i32
    %c0_i32_1 = arith.constant 0 : i32
    return %c0_i32, %c0_i32_0 : i32, i32
  }
  func.func @transform_4(%arg0: i32) -> (i32, i32) {
    %c0_i32 = arith.constant 0 : i32
    %c0_i32_0 = arith.constant 0 : i32
    %c0_i32_1 = arith.constant 0 : i32
    return %c0_i32, %c0_i32_0 : i32, i32
  }
  func.func @transform_5(%arg0: i32) -> (i32, i32) {
    %c0_i32 = arith.constant 0 : i32
    %c0_i32_0 = arith.constant 0 : i32
    %c0_i32_1 = arith.constant 0 : i32
    return %c0_i32, %c0_i32_0 : i32, i32
  }
  func.func @transform_6(%arg0: i32) -> (i32, i32) {
    %c0_i32 = arith.constant 0 : i32
    %c0_i32_0 = arith.constant 0 : i32
    return %c0_i32, %arg0 : i32, i32
  }
  func.func @transform_7(%arg0: i32) -> (i32, i32) {
    %c0_i32 = arith.constant 0 : i32
    %c0_i32_0 = arith.constant 0 : i32
    return %arg0, %c0_i32 : i32, i32
  }
  func.func @transform_8(%arg0: i32) -> (i32, i32) {
    %c0_i32 = arith.constant 0 : i32
    %c0_i32_0 = arith.constant 0 : i32
    return %arg0, %c0_i32 : i32, i32
  }
  func.func @transform_9(%arg0: i32) -> (i32, i32) {
    %c0_i32 = arith.constant 0 : i32
    %c0_i32_0 = arith.constant 0 : i32
    %c0_i32_1 = arith.constant 0 : i32
    return %c0_i32, %c0_i32_0 : i32, i32
  }
}

module attributes {stable_mosaic.version = 14 : i64} {
  func.func @_head_body(%arg0: memref<2x128x10112xf32, #tpu.memory_space<vmem>>, %arg1: memref<2x1x10112xf32, #tpu.memory_space<vmem>>, %arg2: memref<128x1xf32, #tpu.memory_space<vmem>>, %arg3: memref<256x512xf32, #tpu.memory_space<vmem>>, %arg4: memref<128x512xf32, #tpu.memory_space<vmem>>, %arg5: memref<1x512xf32, #tpu.memory_space<vmem>>, %arg6: memref<256x128xf32, #tpu.memory_space<vmem>>, %arg7: memref<1x128xf32, #tpu.memory_space<vmem>>, %arg8: memref<128x1xf32, #tpu.memory_space<vmem>>, %arg9: memref<1x1xf32, #tpu.memory_space<vmem>>, %arg10: memref<1x1xf32, #tpu.memory_space<vmem>>) attributes {dimension_semantics = [], scalar_prefetch = 0 : i64, scratch_operands = 0 : i64, tpu.core_type = #tpu.core_type<tc>} {
    %get3A = arith.constant 0 : index
    %get3A_0 = arith.constant 0 : index
    %get3A_1 = arith.constant 0 : index
    %get3A_2 = vector.load %arg0[%get3A, %get3A_0, %get3A_1] : memref<2x128x10112xf32, #tpu.memory_space<vmem>>, vector<1x128x10112xf32>
    %get3A_3 = vector.shape_cast %get3A_2 : vector<1x128x10112xf32> to vector<128x10112xf32>
    %get3A_4 = arith.constant 1 : index
    %get3A_5 = arith.constant 0 : index
    %get3A_6 = arith.constant 0 : index
    %get3A_7 = vector.load %arg0[%get3A_4, %get3A_5, %get3A_6] : memref<2x128x10112xf32, #tpu.memory_space<vmem>>, vector<1x128x10112xf32>
    %get3A_8 = vector.shape_cast %get3A_7 : vector<1x128x10112xf32> to vector<128x10112xf32>
    %add3A = arith.addf %get3A_3, %get3A_8 : vector<128x10112xf32>
    %get3A_9 = arith.constant 0 : index
    %get3A_10 = arith.constant 0 : index
    %get3A_11 = arith.constant 0 : index
    %get3A_12 = vector.load %arg1[%get3A_9, %get3A_10, %get3A_11] : memref<2x1x10112xf32, #tpu.memory_space<vmem>>, vector<1x1x10112xf32>
    %get3A_13 = vector.shape_cast %get3A_12 : vector<1x1x10112xf32> to vector<1x10112xf32>
    %get3A_14 = arith.constant 1 : index
    %get3A_15 = arith.constant 0 : index
    %get3A_16 = arith.constant 0 : index
    %get3A_17 = vector.load %arg1[%get3A_14, %get3A_15, %get3A_16] : memref<2x1x10112xf32, #tpu.memory_space<vmem>>, vector<1x1x10112xf32>
    %get3A_18 = vector.shape_cast %get3A_17 : vector<1x1x10112xf32> to vector<1x10112xf32>
    %add3A_19 = arith.addf %get3A_13, %get3A_18 : vector<1x10112xf32>
    %add3A_20 = arith.constant 9.99999971E-10 : f32
    %add3A_21 = vector.broadcast %add3A_20 : f32 to vector<1x10112xf32>
    %add3A_22 = arith.addf %add3A_19, %add3A_21 : vector<1x10112xf32>
    %div3A = vector.broadcast %add3A_22 : vector<1x10112xf32> to vector<128x10112xf32>
    %div3A_23 = arith.divf %add3A, %div3A : vector<128x10112xf32>
    %get3A_24 = arith.constant 0 : index
    %get3A_25 = arith.constant 0 : index
    %get3A_26 = vector.load %arg2[%get3A_24, %get3A_25] : memref<128x1xf32, #tpu.memory_space<vmem>>, vector<128x1xf32>
    %add3A_27 = vector.broadcast %get3A_26 : vector<128x1xf32> to vector<128x10112xf32>
    %add3A_28 = arith.addf %div3A_23, %add3A_27 : vector<128x10112xf32>
    %gt3A = arith.constant 0.000000e+00 : f32
    %gt3A_29 = vector.broadcast %gt3A : f32 to vector<128x10112xf32>
    %gt3A_30 = arith.cmpf ogt, %add3A_28, %gt3A_29 : vector<128x10112xf32>
    %exp3A = math.exp %add3A_28 : vector<128x10112xf32>
    %sub3A = arith.constant 1.000000e+00 : f32
    %sub3A_31 = vector.broadcast %sub3A : f32 to vector<128x10112xf32>
    %sub3A_32 = arith.subf %exp3A, %sub3A_31 : vector<128x10112xf32>
    %select_n3A = arith.select %gt3A_30, %add3A_28, %sub3A_32 : vector<128x10112xi1>, vector<128x10112xf32>
    %iota3A = tpu.iota {dimensions = array<i32: 1>} : vector<1x10112xi32>
    %lt3A = arith.constant 10000 : i32
    %lt3A_33 = vector.broadcast %lt3A : i32 to vector<1x10112xi32>
    %lt3A_34 = arith.cmpi slt, %iota3A, %lt3A_33 : vector<1x10112xi32>
    %jit3A = arith.constant 0.000000e+00 : f32
    %broadcast_in_dim3A = vector.shape_cast %lt3A_34 : vector<1x10112xi1> to vector<1x10112xi1>
    %broadcast_in_dim3A_35 = vector.broadcast %broadcast_in_dim3A : vector<1x10112xi1> to vector<128x10112xi1>
    %broadcast_in_dim3A_36 = vector.broadcast %jit3A : f32 to vector<128x10112xf32>
    %select_n3A_37 = arith.select %broadcast_in_dim3A_35, %select_n3A, %broadcast_in_dim3A_36 : vector<128x10112xi1>, vector<128x10112xf32>
    %broadcast_in_dim3A_38 = arith.constant 0.000000e+00 : f32
    %broadcast_in_dim3A_39 = vector.broadcast %broadcast_in_dim3A_38 : f32 to vector<1x256xf32>
    %broadcast_in_dim3A_40 = arith.constant 0.000000e+00 : f32
    %broadcast_in_dim3A_41 = vector.broadcast %broadcast_in_dim3A_40 : f32 to vector<1x128xf32>
    %broadcast_in_dim3A_42 = arith.constant 0.000000e+00 : f32
    %broadcast_in_dim3A_43 = vector.broadcast %broadcast_in_dim3A_42 : f32 to vector<1x128xf32>
    %get3A_44 = arith.constant 0 : index
    %get3A_45 = arith.constant 0 : index
    %get3A_46 = vector.load %arg3[%get3A_44, %get3A_45] : memref<256x512xf32, #tpu.memory_space<vmem>>, vector<256x512xf32>
    %dot_general3A = arith.constant dense<0.000000e+00> : vector<1x512xf32>
    %dot_general3A_47 = tpu.matmul %broadcast_in_dim3A_39, %get3A_46, %dot_general3A {dimension_numbers = #tpu.dot_dimension_numbers<[1], [0], [0], [1], [0, 0, 1, 1], [], []>, transpose_lhs_hint = false} : vector<1x256xf32>, vector<256x512xf32>, vector<1x512xf32> -> vector<1x512xf32>
    %get3A_48 = arith.constant 0 : index
    %get3A_49 = arith.constant 0 : index
    %get3A_50 = vector.load %arg4[%get3A_48, %get3A_49] : memref<128x512xf32, #tpu.memory_space<vmem>>, vector<128x512xf32>
    %dot_general3A_51 = arith.constant dense<0.000000e+00> : vector<1x512xf32>
    %dot_general3A_52 = tpu.matmul %broadcast_in_dim3A_41, %get3A_50, %dot_general3A_51 {dimension_numbers = #tpu.dot_dimension_numbers<[1], [0], [0], [1], [0, 0, 1, 1], [], []>, transpose_lhs_hint = false} : vector<1x128xf32>, vector<128x512xf32>, vector<1x512xf32> -> vector<1x512xf32>
    %add3A_53 = arith.addf %dot_general3A_47, %dot_general3A_52 : vector<1x512xf32>
    %get3A_54 = arith.constant 0 : index
    %get3A_55 = arith.constant 0 : index
    %get3A_56 = vector.load %arg5[%get3A_54, %get3A_55] : memref<1x512xf32, #tpu.memory_space<vmem>>, vector<1x512xf32>
    %add3A_57 = arith.addf %add3A_53, %get3A_56 : vector<1x512xf32>
    %slice3A = vector.extract_strided_slice %add3A_57 {offsets = [0, 0], sizes = [1, 128], strides = [1, 1]} : vector<1x512xf32> to vector<1x128xf32>
    %slice3A_58 = vector.extract_strided_slice %add3A_57 {offsets = [0, 128], sizes = [1, 128], strides = [1, 1]} : vector<1x512xf32> to vector<1x128xf32>
    %slice3A_59 = vector.extract_strided_slice %add3A_57 {offsets = [0, 256], sizes = [1, 128], strides = [1, 1]} : vector<1x512xf32> to vector<1x128xf32>
    %slice3A_60 = vector.extract_strided_slice %add3A_57 {offsets = [0, 384], sizes = [1, 128], strides = [1, 1]} : vector<1x512xf32> to vector<1x128xf32>
    %logistic3A = arith.negf %slice3A_58 : vector<1x128xf32>
    %logistic3A_61 = math.exp %logistic3A : vector<1x128xf32>
    %logistic3A_62 = arith.constant 1.000000e+00 : f32
    %logistic3A_63 = vector.broadcast %logistic3A_62 : f32 to vector<1x128xf32>
    %logistic3A_64 = arith.addf %logistic3A_63, %logistic3A_61 : vector<1x128xf32>
    %logistic3A_65 = arith.divf %logistic3A_63, %logistic3A_64 : vector<1x128xf32>
    %mul3A = arith.mulf %logistic3A_65, %broadcast_in_dim3A_43 : vector<1x128xf32>
    %logistic3A_66 = arith.negf %slice3A : vector<1x128xf32>
    %logistic3A_67 = math.exp %logistic3A_66 : vector<1x128xf32>
    %logistic3A_68 = arith.constant 1.000000e+00 : f32
    %logistic3A_69 = vector.broadcast %logistic3A_68 : f32 to vector<1x128xf32>
    %logistic3A_70 = arith.addf %logistic3A_69, %logistic3A_67 : vector<1x128xf32>
    %logistic3A_71 = arith.divf %logistic3A_69, %logistic3A_70 : vector<1x128xf32>
    %tanh3A = math.tanh %slice3A_59 : vector<1x128xf32>
    %mul3A_72 = arith.mulf %logistic3A_71, %tanh3A : vector<1x128xf32>
    %add3A_73 = arith.addf %mul3A, %mul3A_72 : vector<1x128xf32>
    %logistic3A_74 = arith.negf %slice3A_60 : vector<1x128xf32>
    %logistic3A_75 = math.exp %logistic3A_74 : vector<1x128xf32>
    %logistic3A_76 = arith.constant 1.000000e+00 : f32
    %logistic3A_77 = vector.broadcast %logistic3A_76 : f32 to vector<1x128xf32>
    %logistic3A_78 = arith.addf %logistic3A_77, %logistic3A_75 : vector<1x128xf32>
    %logistic3A_79 = arith.divf %logistic3A_77, %logistic3A_78 : vector<1x128xf32>
    %tanh3A_80 = math.tanh %add3A_73 : vector<1x128xf32>
    %mul3A_81 = arith.mulf %logistic3A_79, %tanh3A_80 : vector<1x128xf32>
    %dot_general3A_82 = arith.constant dense<0.000000e+00> : vector<1x10112xf32>
    %dot_general3A_83 = tpu.matmul %mul3A_81, %select_n3A_37, %dot_general3A_82 {dimension_numbers = #tpu.dot_dimension_numbers<[1], [0], [0], [1], [0, 0, 1, 1], [], []>, transpose_lhs_hint = false} : vector<1x128xf32>, vector<128x10112xf32>, vector<1x10112xf32> -> vector<1x10112xf32>
    %jit3A_84 = arith.constant -3.400000e+38 : f32
    %broadcast_in_dim3A_85 = vector.broadcast %jit3A_84 : f32 to vector<1x10112xf32>
    %select_n3A_86 = arith.select %lt3A_34, %dot_general3A_83, %broadcast_in_dim3A_85 : vector<1x10112xi1>, vector<1x10112xf32>
    %reduce_max3A = vector.shape_cast %select_n3A_86 : vector<1x10112xf32> to vector<1x1x10112xf32>
    %reduce_max3A_87 = arith.constant dense<0xFF800000> : vector<1xf32>
    %reduce_max3A_88 = vector.multi_reduction <maximumf>, %reduce_max3A, %reduce_max3A_87 [1, 2] : vector<1x1x10112xf32> to vector<1xf32>
    %reduce_max3A_89 = vector.shape_cast %reduce_max3A_88 : vector<1xf32> to vector<1x1x1xf32>
    %reduce_max3A_90 = vector.extract %reduce_max3A_89[0, 0, 0] : f32 from vector<1x1x1xf32>
    %sub3A_91 = vector.broadcast %reduce_max3A_90 : f32 to vector<1x10112xf32>
    %sub3A_92 = arith.subf %select_n3A_86, %sub3A_91 : vector<1x10112xf32>
    %exp3A_93 = math.exp %sub3A_92 : vector<1x10112xf32>
    %reduce_sum3A = vector.shape_cast %exp3A_93 : vector<1x10112xf32> to vector<1x1x10112xf32>
    %reduce_sum3A_94 = arith.constant dense<0.000000e+00> : vector<1xf32>
    %reduce_sum3A_95 = vector.multi_reduction <add>, %reduce_sum3A, %reduce_sum3A_94 [1, 2] : vector<1x1x10112xf32> to vector<1xf32>
    %reduce_sum3A_96 = vector.shape_cast %reduce_sum3A_95 : vector<1xf32> to vector<1x1x1xf32>
    %reduce_sum3A_97 = vector.extract %reduce_sum3A_96[0, 0, 0] : f32 from vector<1x1x1xf32>
    %div3A_98 = vector.broadcast %reduce_sum3A_97 : f32 to vector<1x10112xf32>
    %div3A_99 = arith.divf %exp3A_93, %div3A_98 : vector<1x10112xf32>
    %dot_general3A_100 = arith.constant dense<0.000000e+00> : vector<1x128xf32>
    %dot_general3A_101 = tpu.matmul %div3A_99, %select_n3A_37, %dot_general3A_100 {dimension_numbers = #tpu.dot_dimension_numbers<[1], [1], [0], [0], [0, 0, 1, 0], [], []>, transpose_lhs_hint = false} : vector<1x10112xf32>, vector<128x10112xf32>, vector<1x128xf32> -> vector<1x128xf32>
    %concatenate3A = tpu.concatenate %mul3A_81, %dot_general3A_101 in 1 : vector<1x128xf32>, vector<1x128xf32> -> vector<1x256xf32>
    %get3A_102 = arith.constant 0 : index
    %get3A_103 = arith.constant 0 : index
    %get3A_104 = vector.load %arg3[%get3A_102, %get3A_103] : memref<256x512xf32, #tpu.memory_space<vmem>>, vector<256x512xf32>
    %dot_general3A_105 = arith.constant dense<0.000000e+00> : vector<1x512xf32>
    %dot_general3A_106 = tpu.matmul %concatenate3A, %get3A_104, %dot_general3A_105 {dimension_numbers = #tpu.dot_dimension_numbers<[1], [0], [0], [1], [0, 0, 1, 1], [], []>, transpose_lhs_hint = false} : vector<1x256xf32>, vector<256x512xf32>, vector<1x512xf32> -> vector<1x512xf32>
    %get3A_107 = arith.constant 0 : index
    %get3A_108 = arith.constant 0 : index
    %get3A_109 = vector.load %arg4[%get3A_107, %get3A_108] : memref<128x512xf32, #tpu.memory_space<vmem>>, vector<128x512xf32>
    %dot_general3A_110 = arith.constant dense<0.000000e+00> : vector<1x512xf32>
    %dot_general3A_111 = tpu.matmul %mul3A_81, %get3A_109, %dot_general3A_110 {dimension_numbers = #tpu.dot_dimension_numbers<[1], [0], [0], [1], [0, 0, 1, 1], [], []>, transpose_lhs_hint = false} : vector<1x128xf32>, vector<128x512xf32>, vector<1x512xf32> -> vector<1x512xf32>
    %add3A_112 = arith.addf %dot_general3A_106, %dot_general3A_111 : vector<1x512xf32>
    %get3A_113 = arith.constant 0 : index
    %get3A_114 = arith.constant 0 : index
    %get3A_115 = vector.load %arg5[%get3A_113, %get3A_114] : memref<1x512xf32, #tpu.memory_space<vmem>>, vector<1x512xf32>
    %add3A_116 = arith.addf %add3A_112, %get3A_115 : vector<1x512xf32>
    %slice3A_117 = vector.extract_strided_slice %add3A_116 {offsets = [0, 0], sizes = [1, 128], strides = [1, 1]} : vector<1x512xf32> to vector<1x128xf32>
    %slice3A_118 = vector.extract_strided_slice %add3A_116 {offsets = [0, 128], sizes = [1, 128], strides = [1, 1]} : vector<1x512xf32> to vector<1x128xf32>
    %slice3A_119 = vector.extract_strided_slice %add3A_116 {offsets = [0, 256], sizes = [1, 128], strides = [1, 1]} : vector<1x512xf32> to vector<1x128xf32>
    %slice3A_120 = vector.extract_strided_slice %add3A_116 {offsets = [0, 384], sizes = [1, 128], strides = [1, 1]} : vector<1x512xf32> to vector<1x128xf32>
    %logistic3A_121 = arith.negf %slice3A_118 : vector<1x128xf32>
    %logistic3A_122 = math.exp %logistic3A_121 : vector<1x128xf32>
    %logistic3A_123 = arith.constant 1.000000e+00 : f32
    %logistic3A_124 = vector.broadcast %logistic3A_123 : f32 to vector<1x128xf32>
    %logistic3A_125 = arith.addf %logistic3A_124, %logistic3A_122 : vector<1x128xf32>
    %logistic3A_126 = arith.divf %logistic3A_124, %logistic3A_125 : vector<1x128xf32>
    %mul3A_127 = arith.mulf %logistic3A_126, %add3A_73 : vector<1x128xf32>
    %logistic3A_128 = arith.negf %slice3A_117 : vector<1x128xf32>
    %logistic3A_129 = math.exp %logistic3A_128 : vector<1x128xf32>
    %logistic3A_130 = arith.constant 1.000000e+00 : f32
    %logistic3A_131 = vector.broadcast %logistic3A_130 : f32 to vector<1x128xf32>
    %logistic3A_132 = arith.addf %logistic3A_131, %logistic3A_129 : vector<1x128xf32>
    %logistic3A_133 = arith.divf %logistic3A_131, %logistic3A_132 : vector<1x128xf32>
    %tanh3A_134 = math.tanh %slice3A_119 : vector<1x128xf32>
    %mul3A_135 = arith.mulf %logistic3A_133, %tanh3A_134 : vector<1x128xf32>
    %add3A_136 = arith.addf %mul3A_127, %mul3A_135 : vector<1x128xf32>
    %logistic3A_137 = arith.negf %slice3A_120 : vector<1x128xf32>
    %logistic3A_138 = math.exp %logistic3A_137 : vector<1x128xf32>
    %logistic3A_139 = arith.constant 1.000000e+00 : f32
    %logistic3A_140 = vector.broadcast %logistic3A_139 : f32 to vector<1x128xf32>
    %logistic3A_141 = arith.addf %logistic3A_140, %logistic3A_138 : vector<1x128xf32>
    %logistic3A_142 = arith.divf %logistic3A_140, %logistic3A_141 : vector<1x128xf32>
    %tanh3A_143 = math.tanh %add3A_136 : vector<1x128xf32>
    %mul3A_144 = arith.mulf %logistic3A_142, %tanh3A_143 : vector<1x128xf32>
    %dot_general3A_145 = arith.constant dense<0.000000e+00> : vector<1x10112xf32>
    %dot_general3A_146 = tpu.matmul %mul3A_144, %select_n3A_37, %dot_general3A_145 {dimension_numbers = #tpu.dot_dimension_numbers<[1], [0], [0], [1], [0, 0, 1, 1], [], []>, transpose_lhs_hint = false} : vector<1x128xf32>, vector<128x10112xf32>, vector<1x10112xf32> -> vector<1x10112xf32>
    %jit3A_147 = arith.constant -3.400000e+38 : f32
    %broadcast_in_dim3A_148 = vector.broadcast %jit3A_147 : f32 to vector<1x10112xf32>
    %select_n3A_149 = arith.select %lt3A_34, %dot_general3A_146, %broadcast_in_dim3A_148 : vector<1x10112xi1>, vector<1x10112xf32>
    %reduce_max3A_150 = vector.shape_cast %select_n3A_149 : vector<1x10112xf32> to vector<1x1x10112xf32>
    %reduce_max3A_151 = arith.constant dense<0xFF800000> : vector<1xf32>
    %reduce_max3A_152 = vector.multi_reduction <maximumf>, %reduce_max3A_150, %reduce_max3A_151 [1, 2] : vector<1x1x10112xf32> to vector<1xf32>
    %reduce_max3A_153 = vector.shape_cast %reduce_max3A_152 : vector<1xf32> to vector<1x1x1xf32>
    %reduce_max3A_154 = vector.extract %reduce_max3A_153[0, 0, 0] : f32 from vector<1x1x1xf32>
    %sub3A_155 = vector.broadcast %reduce_max3A_154 : f32 to vector<1x10112xf32>
    %sub3A_156 = arith.subf %select_n3A_149, %sub3A_155 : vector<1x10112xf32>
    %exp3A_157 = math.exp %sub3A_156 : vector<1x10112xf32>
    %reduce_sum3A_158 = vector.shape_cast %exp3A_157 : vector<1x10112xf32> to vector<1x1x10112xf32>
    %reduce_sum3A_159 = arith.constant dense<0.000000e+00> : vector<1xf32>
    %reduce_sum3A_160 = vector.multi_reduction <add>, %reduce_sum3A_158, %reduce_sum3A_159 [1, 2] : vector<1x1x10112xf32> to vector<1xf32>
    %reduce_sum3A_161 = vector.shape_cast %reduce_sum3A_160 : vector<1xf32> to vector<1x1x1xf32>
    %reduce_sum3A_162 = vector.extract %reduce_sum3A_161[0, 0, 0] : f32 from vector<1x1x1xf32>
    %div3A_163 = vector.broadcast %reduce_sum3A_162 : f32 to vector<1x10112xf32>
    %div3A_164 = arith.divf %exp3A_157, %div3A_163 : vector<1x10112xf32>
    %dot_general3A_165 = arith.constant dense<0.000000e+00> : vector<1x128xf32>
    %dot_general3A_166 = tpu.matmul %div3A_164, %select_n3A_37, %dot_general3A_165 {dimension_numbers = #tpu.dot_dimension_numbers<[1], [1], [0], [0], [0, 0, 1, 0], [], []>, transpose_lhs_hint = false} : vector<1x10112xf32>, vector<128x10112xf32>, vector<1x128xf32> -> vector<1x128xf32>
    %concatenate3A_167 = tpu.concatenate %mul3A_144, %dot_general3A_166 in 1 : vector<1x128xf32>, vector<1x128xf32> -> vector<1x256xf32>
    %get3A_168 = arith.constant 0 : index
    %get3A_169 = arith.constant 0 : index
    %get3A_170 = vector.load %arg3[%get3A_168, %get3A_169] : memref<256x512xf32, #tpu.memory_space<vmem>>, vector<256x512xf32>
    %dot_general3A_171 = arith.constant dense<0.000000e+00> : vector<1x512xf32>
    %dot_general3A_172 = tpu.matmul %concatenate3A_167, %get3A_170, %dot_general3A_171 {dimension_numbers = #tpu.dot_dimension_numbers<[1], [0], [0], [1], [0, 0, 1, 1], [], []>, transpose_lhs_hint = false} : vector<1x256xf32>, vector<256x512xf32>, vector<1x512xf32> -> vector<1x512xf32>
    %get3A_173 = arith.constant 0 : index
    %get3A_174 = arith.constant 0 : index
    %get3A_175 = vector.load %arg4[%get3A_173, %get3A_174] : memref<128x512xf32, #tpu.memory_space<vmem>>, vector<128x512xf32>
    %dot_general3A_176 = arith.constant dense<0.000000e+00> : vector<1x512xf32>
    %dot_general3A_177 = tpu.matmul %mul3A_144, %get3A_175, %dot_general3A_176 {dimension_numbers = #tpu.dot_dimension_numbers<[1], [0], [0], [1], [0, 0, 1, 1], [], []>, transpose_lhs_hint = false} : vector<1x128xf32>, vector<128x512xf32>, vector<1x512xf32> -> vector<1x512xf32>
    %add3A_178 = arith.addf %dot_general3A_172, %dot_general3A_177 : vector<1x512xf32>
    %get3A_179 = arith.constant 0 : index
    %get3A_180 = arith.constant 0 : index
    %get3A_181 = vector.load %arg5[%get3A_179, %get3A_180] : memref<1x512xf32, #tpu.memory_space<vmem>>, vector<1x512xf32>
    %add3A_182 = arith.addf %add3A_178, %get3A_181 : vector<1x512xf32>
    %slice3A_183 = vector.extract_strided_slice %add3A_182 {offsets = [0, 0], sizes = [1, 128], strides = [1, 1]} : vector<1x512xf32> to vector<1x128xf32>
    %slice3A_184 = vector.extract_strided_slice %add3A_182 {offsets = [0, 128], sizes = [1, 128], strides = [1, 1]} : vector<1x512xf32> to vector<1x128xf32>
    %slice3A_185 = vector.extract_strided_slice %add3A_182 {offsets = [0, 256], sizes = [1, 128], strides = [1, 1]} : vector<1x512xf32> to vector<1x128xf32>
    %slice3A_186 = vector.extract_strided_slice %add3A_182 {offsets = [0, 384], sizes = [1, 128], strides = [1, 1]} : vector<1x512xf32> to vector<1x128xf32>
    %logistic3A_187 = arith.negf %slice3A_184 : vector<1x128xf32>
    %logistic3A_188 = math.exp %logistic3A_187 : vector<1x128xf32>
    %logistic3A_189 = arith.constant 1.000000e+00 : f32
    %logistic3A_190 = vector.broadcast %logistic3A_189 : f32 to vector<1x128xf32>
    %logistic3A_191 = arith.addf %logistic3A_190, %logistic3A_188 : vector<1x128xf32>
    %logistic3A_192 = arith.divf %logistic3A_190, %logistic3A_191 : vector<1x128xf32>
    %mul3A_193 = arith.mulf %logistic3A_192, %add3A_136 : vector<1x128xf32>
    %logistic3A_194 = arith.negf %slice3A_183 : vector<1x128xf32>
    %logistic3A_195 = math.exp %logistic3A_194 : vector<1x128xf32>
    %logistic3A_196 = arith.constant 1.000000e+00 : f32
    %logistic3A_197 = vector.broadcast %logistic3A_196 : f32 to vector<1x128xf32>
    %logistic3A_198 = arith.addf %logistic3A_197, %logistic3A_195 : vector<1x128xf32>
    %logistic3A_199 = arith.divf %logistic3A_197, %logistic3A_198 : vector<1x128xf32>
    %tanh3A_200 = math.tanh %slice3A_185 : vector<1x128xf32>
    %mul3A_201 = arith.mulf %logistic3A_199, %tanh3A_200 : vector<1x128xf32>
    %add3A_202 = arith.addf %mul3A_193, %mul3A_201 : vector<1x128xf32>
    %logistic3A_203 = arith.negf %slice3A_186 : vector<1x128xf32>
    %logistic3A_204 = math.exp %logistic3A_203 : vector<1x128xf32>
    %logistic3A_205 = arith.constant 1.000000e+00 : f32
    %logistic3A_206 = vector.broadcast %logistic3A_205 : f32 to vector<1x128xf32>
    %logistic3A_207 = arith.addf %logistic3A_206, %logistic3A_204 : vector<1x128xf32>
    %logistic3A_208 = arith.divf %logistic3A_206, %logistic3A_207 : vector<1x128xf32>
    %tanh3A_209 = math.tanh %add3A_202 : vector<1x128xf32>
    %mul3A_210 = arith.mulf %logistic3A_208, %tanh3A_209 : vector<1x128xf32>
    %dot_general3A_211 = arith.constant dense<0.000000e+00> : vector<1x10112xf32>
    %dot_general3A_212 = tpu.matmul %mul3A_210, %select_n3A_37, %dot_general3A_211 {dimension_numbers = #tpu.dot_dimension_numbers<[1], [0], [0], [1], [0, 0, 1, 1], [], []>, transpose_lhs_hint = false} : vector<1x128xf32>, vector<128x10112xf32>, vector<1x10112xf32> -> vector<1x10112xf32>
    %jit3A_213 = arith.constant -3.400000e+38 : f32
    %broadcast_in_dim3A_214 = vector.broadcast %jit3A_213 : f32 to vector<1x10112xf32>
    %select_n3A_215 = arith.select %lt3A_34, %dot_general3A_212, %broadcast_in_dim3A_214 : vector<1x10112xi1>, vector<1x10112xf32>
    %reduce_max3A_216 = vector.shape_cast %select_n3A_215 : vector<1x10112xf32> to vector<1x1x10112xf32>
    %reduce_max3A_217 = arith.constant dense<0xFF800000> : vector<1xf32>
    %reduce_max3A_218 = vector.multi_reduction <maximumf>, %reduce_max3A_216, %reduce_max3A_217 [1, 2] : vector<1x1x10112xf32> to vector<1xf32>
    %reduce_max3A_219 = vector.shape_cast %reduce_max3A_218 : vector<1xf32> to vector<1x1x1xf32>
    %reduce_max3A_220 = vector.extract %reduce_max3A_219[0, 0, 0] : f32 from vector<1x1x1xf32>
    %sub3A_221 = vector.broadcast %reduce_max3A_220 : f32 to vector<1x10112xf32>
    %sub3A_222 = arith.subf %select_n3A_215, %sub3A_221 : vector<1x10112xf32>
    %exp3A_223 = math.exp %sub3A_222 : vector<1x10112xf32>
    %reduce_sum3A_224 = vector.shape_cast %exp3A_223 : vector<1x10112xf32> to vector<1x1x10112xf32>
    %reduce_sum3A_225 = arith.constant dense<0.000000e+00> : vector<1xf32>
    %reduce_sum3A_226 = vector.multi_reduction <add>, %reduce_sum3A_224, %reduce_sum3A_225 [1, 2] : vector<1x1x10112xf32> to vector<1xf32>
    %reduce_sum3A_227 = vector.shape_cast %reduce_sum3A_226 : vector<1xf32> to vector<1x1x1xf32>
    %reduce_sum3A_228 = vector.extract %reduce_sum3A_227[0, 0, 0] : f32 from vector<1x1x1xf32>
    %div3A_229 = vector.broadcast %reduce_sum3A_228 : f32 to vector<1x10112xf32>
    %div3A_230 = arith.divf %exp3A_223, %div3A_229 : vector<1x10112xf32>
    %dot_general3A_231 = arith.constant dense<0.000000e+00> : vector<1x128xf32>
    %dot_general3A_232 = tpu.matmul %div3A_230, %select_n3A_37, %dot_general3A_231 {dimension_numbers = #tpu.dot_dimension_numbers<[1], [1], [0], [0], [0, 0, 1, 0], [], []>, transpose_lhs_hint = false} : vector<1x10112xf32>, vector<128x10112xf32>, vector<1x128xf32> -> vector<1x128xf32>
    %concatenate3A_233 = tpu.concatenate %mul3A_210, %dot_general3A_232 in 1 : vector<1x128xf32>, vector<1x128xf32> -> vector<1x256xf32>
    %get3A_234 = arith.constant 0 : index
    %get3A_235 = arith.constant 0 : index
    %get3A_236 = vector.load %arg6[%get3A_234, %get3A_235] : memref<256x128xf32, #tpu.memory_space<vmem>>, vector<256x128xf32>
    %dot_general3A_237 = arith.constant dense<0.000000e+00> : vector<1x128xf32>
    %dot_general3A_238 = tpu.matmul %concatenate3A_233, %get3A_236, %dot_general3A_237 {dimension_numbers = #tpu.dot_dimension_numbers<[1], [0], [0], [1], [0, 0, 1, 1], [], []>, transpose_lhs_hint = false} : vector<1x256xf32>, vector<256x128xf32>, vector<1x128xf32> -> vector<1x128xf32>
    %get3A_239 = arith.constant 0 : index
    %get3A_240 = arith.constant 0 : index
    %get3A_241 = vector.load %arg7[%get3A_239, %get3A_240] : memref<1x128xf32, #tpu.memory_space<vmem>>, vector<1x128xf32>
    %add3A_242 = arith.addf %dot_general3A_238, %get3A_241 : vector<1x128xf32>
    %max3A = arith.constant 0.000000e+00 : f32
    %max3A_243 = vector.broadcast %max3A : f32 to vector<1x128xf32>
    %max3A_244 = arith.maximumf %add3A_242, %max3A_243 : vector<1x128xf32>
    %get3A_245 = arith.constant 0 : index
    %get3A_246 = arith.constant 0 : index
    %get3A_247 = vector.load %arg8[%get3A_245, %get3A_246] : memref<128x1xf32, #tpu.memory_space<vmem>>, vector<128x1xf32>
    %dot_general3A_248 = arith.constant dense<0.000000e+00> : vector<1x1xf32>
    %dot_general3A_249 = tpu.matmul %max3A_244, %get3A_247, %dot_general3A_248 {dimension_numbers = #tpu.dot_dimension_numbers<[1], [0], [0], [1], [0, 0, 1, 1], [], []>, transpose_lhs_hint = false} : vector<1x128xf32>, vector<128x1xf32>, vector<1x1xf32> -> vector<1x1xf32>
    %get3A_250 = arith.constant 0 : index
    %get3A_251 = arith.constant 0 : index
    %get3A_252 = vector.load %arg9[%get3A_250, %get3A_251] : memref<1x1xf32, #tpu.memory_space<vmem>>, vector<1x1xf32>
    %add3A_253 = arith.addf %dot_general3A_249, %get3A_252 : vector<1x1xf32>
    %swap3A = arith.constant 0 : index
    %swap3A_254 = arith.constant 0 : index
    %swap3A_255 = vector.load %arg10[%swap3A, %swap3A_254] : memref<1x1xf32, #tpu.memory_space<vmem>>, vector<1x1xf32>
    tpu.vector_store %arg10[%swap3A, %swap3A_254], %add3A_253 {strides = array<i32>} : memref<1x1xf32, #tpu.memory_space<vmem>>, vector<1x1xf32>,
    return
  }
}

</mosaic_0001>

<sc_bundles>
// kernel: kernel.6.cloned.1.call-start
scs
__scs_entry_jumppad:
0x0: {  	(pc) =	sbr.rel $0x88, $3  }
0x1: {  	(tag) =	ssettag $0x0;
	lr =	simm.s32 $0x1  }
0x2: {  	[smem:$0x3F92] =	sst lr;
	_ =	strace $0xD0000000  }
0x3: {  	_ = 	snop  }
0x4: {  	_ = 	snop  }
0x5: {  	_ = 	snop  }
0x6: {  	_ = 	snop  }
0x7: {  	_ = 	snop  }
__scs_overlays_trampoline_lowered:
0x8: {  	[smem:$0x3FA1] =	sst s0  }
0x9: {  	[smem:$0x3FA2] =	sst s1  }
0xa: {  	[smem:$0x3FA3] =	sst s2  }
0xb: {  	[smem:$0x3FA4] =	sst s3  }
0xc: {  	[smem:$0x3FA5] =	sst s4  }
0xd: {  	[smem:$0x3FA6] =	sst s5  }
0xe: {  	[smem:$0x3FA7] =	sst s6  }
0xf: {  	[smem:$0x3FA8] =	sst s7  }
0x10: {  	[smem:$0x3FA9] =	sst s8  }
0x11: {  	[smem:$0x3FAA] =	sst s9;
	s0 =	simm.s32 @!p0 $0x0  }
0x12: {  	s1 =	sld [smem:$0x3F90];
	s0 =	simm.s32 @p0 $0x1  }
0x13: {  	[smem:$0x3FAB] =	sst s0;
	s0 =	simm.s32 @!p1 $0x0  }
0x14: {  	s2 =	sld [smem:$0x3F8F];
	s0 =	simm.s32 @p1 $0x1  }
0x15: {  	[smem:$0x3FAC] =	sst s0;
	s0 =	simm.s32 @!p2 $0x0  }
0x16: {  	s3 =	sld [smem:$0x3FDB];
	s0 =	simm.s32 @p2 $0x1  }
0x17: {  	s4 =	simm.s32 $0x1BF5;
	[smem:$0x3FAE] =	sst s0  }
0x18: {  	s0 =	sld [smem:$0x3F91];
	_ =	swait.ge [sflag:s4], $0x0  }
0x19: {  	s7 =	sld [smem:$0x3F92]  }
0x1a: {  	s8 =	sadd.s32 $0xFFFFE003, lr  }
0x1b: {  	s9 =	sadd.s32 $0xFFFFFEF7, lr;
	s5 =	simm.s32 $0xFFFFFFFF;
	p2 =	slt.u32 s8, $0xFFFFF086  }
0x1c: {  	p1 =	slt.u32 s9, $0xF7A;
	s5 =	simm.s32 @!p2 $0x0  }
0x1d: {  	s5 =	simm.s32 @p1 $0x1;
	p0 =	seq.s32 s7, s2  }
0x1e: {  	s7 =	smul.u32 @!p0 $0xF7A, s2;
	p2 =	seq.s32 @!p0 s5, $0x0  }
0x1f: {  	s9 =	smul.u32 $0xF7A, s1;
	s8 =	simm.s32 @!p0 $0x1BF5;
	p2 =	por !p2, p0  }
0x20: {  	[sflag:s8] =	ssyncset.s32 @!p0 $0xFFFFF086;
	s6 =	sadd.s32 @!p0 s3, s7;
	s7 =	simm.s32 @!p0 $0x108  }
0x21: {  	s3 =	sadd.s32 s3, s9;
	s6 =	sadd.s32 @!p0 $0x88, s6;
	s7 =	simm.s32 @p2 $0x1082  }
0x22: {  	[simem:s7], [sflag:s8] =	dma.local @!p0 [hbm:s6], $0xF7A  }
0x23: {  	s9 =	sor.u32 $0xD0000000, s2;
	s6 =	simm.s32 $0x108;
	_ =	swait.ge @!p0 [sflag:s8], $0x0  }
0x24: {  	s3 =	sadd.s32 $0x88, s3;
	s6 =	simm.s32 @!p1 $0x1082;
	[sflag:s4] =	ssyncset.s32 $0xFFFFF086  }
0x25: {  	[simem:s6], [sflag:s4] =	dma.local [hbm:s3], $0xF7A  }
0x26: {  	[smem:$0x3F92] =	sst s1;
	(tag) =	ssettag s2;
	_ =	strace s9  }
0x27: {  	s1 =	sld [smem:$0x3FA2]  }
0x28: {  	s2 =	sld [smem:$0x3FA3]  }
0x29: {  	s4 =	sld [smem:$0x3FA5]  }
0x2a: {  	p0 =	seq.s32 s5, $0x0;
	s5 =	sld [smem:$0x3FA6]  }
0x2b: {  	s6 =	sld [smem:$0x3FA7]  }
0x2c: {  	s7 =	sld [smem:$0x3FA8]  }
0x2d: {  	s3 =	simm.s32 $0x108;
	s8 =	sld [smem:$0x3FA9]  }
0x2e: {  	s3 =	simm.s32 @!p0 $0x1082;
	s9 =	sld [smem:$0x3FAA]  }
0x2f: {  	lr =	sadd.s32 s0, s3;
	s0 =	sld [smem:$0x3FA1]  }
0x30: {  	s3 =	sld [smem:$0x3FA4]  }
0x31: {  	[smem:$0x3FAD] =	sst s10  }
0x32: {  	s10 =	sld [smem:$0x3FAB];
	_ =	sdelay $0x3  }
0x33: {  	p0 =	seq.s32 s10, $0x1;
	s10 =	sld [smem:$0x3FAD];
	_ =	sdelay $0x3  }
0x34: {  	[smem:$0x3FAD] =	sst s10  }
0x35: {  	s10 =	sld [smem:$0x3FAC];
	_ =	sdelay $0x3  }
0x36: {  	p1 =	seq.s32 s10, $0x1;
	s10 =	sld [smem:$0x3FAD];
	_ =	sdelay $0x3  }
0x37: {  	[smem:$0x3FAD] =	sst s10  }
0x38: {  	s10 =	sld [smem:$0x3FAE]  }
0x39: {  	_ = 	snop;
	(pc) =	sbr.ind lr, $3  }
0x3a: {  	_ = 	snop  }
0x3b: {  	_ = 	snop  }
0x3c: {  	p2 =	seq.s32 s10, $0x1;
	s10 =	sld [smem:$0x3FAD]  }
0x3d: {  	_ =	shalt  }
0x3e: {  	_ =	shalt  }
0x3f: {  	_ =	shalt  }
0x40: {  	_ =	shalt  }
0x41: {  	_ =	shalt  }
0x42: {  	_ =	shalt  }
0x43: {  	_ =	shalt  }
0x44: {  	_ =	shalt  }
0x45: {  	_ =	shalt  }
0x46: {  	_ =	shalt  }
0x47: {  	_ =	shalt  }
0x48: {  	_ =	shalt  }
0x49: {  	_ =	shalt  }
0x4a: {  	_ =	shalt  }
0x4b: {  	_ =	shalt  }
0x4c: {  	_ =	shalt  }
0x4d: {  	_ =	shalt  }
0x4e: {  	_ =	shalt  }
0x4f: {  	_ =	shalt  }
0x50: {  	_ =	shalt  }
0x51: {  	_ =	shalt  }
0x52: {  	_ =	shalt  }
0x53: {  	_ =	shalt  }
0x54: {  	_ =	shalt  }
0x55: {  	_ =	shalt  }
0x56: {  	_ =	shalt  }
0x57: {  	_ =	shalt  }
0x58: {  	_ =	shalt  }
0x59: {  	_ =	shalt  }
0x5a: {  	_ =	shalt  }
0x5b: {  	_ =	shalt  }
0x5c: {  	_ =	shalt  }
0x5d: {  	_ =	shalt  }
0x5e: {  	_ =	shalt  }
0x5f: {  	_ =	shalt  }
0x60: {  	_ =	shalt  }
0x61: {  	_ =	shalt  }
0x62: {  	_ =	shalt  }
0x63: {  	_ =	shalt  }
0x64: {  	_ =	shalt  }
0x65: {  	_ =	shalt  }
0x66: {  	_ =	shalt  }
0x67: {  	_ =	shalt  }
0x68: {  	_ =	shalt  }
0x69: {  	_ =	shalt  }
0x6a: {  	_ =	shalt  }
0x6b: {  	_ =	shalt  }
0x6c: {  	_ =	shalt  }
0x6d: {  	_ =	shalt  }
0x6e: {  	_ =	shalt  }
0x6f: {  	_ =	shalt  }
0x70: {  	_ =	shalt  }
0x71: {  	_ =	shalt  }
0x72: {  	_ =	shalt  }
0x73: {  	_ =	shalt  }
0x74: {  	_ =	shalt  }
0x75: {  	_ =	shalt  }
0x76: {  	_ =	shalt  }
0x77: {  	_ =	shalt  }
0x78: {  	_ =	shalt  }
0x79: {  	_ =	shalt  }
0x7a: {  	_ =	shalt  }
0x7b: {  	_ =	shalt  }
0x7c: {  	_ =	shalt  }
0x7d: {  	_ =	shalt  }
0x7e: {  	_ =	shalt  }
0x7f: {  	_ =	shalt  }
0x80: {  	_ =	shalt  }
0x81: {  	_ =	shalt  }
0x82: {  	_ =	shalt  }
0x83: {  	_ =	shalt  }
0x84: {  	_ =	shalt  }
0x85: {  	_ =	shalt  }
0x86: {  	_ =	shalt  }
0x87: {  	_ =	shalt  }
.Lfunc_end0:
.L_simem_size_0:
called_computation_lowered:
.L_overlay_start_0:
0x88: {  	s2 =	sld [smem:$0x3FD9]  }
0x89: {  	s3 =	sld [smem:$0x3FFE];
	_ =	sdelay $0x1  }
0x8a: {  	s1 =	srdreg.scid  }
0x8b: {  	s0 =	sand.u32 $0x1, s1  }
0x8c: {  	s16 =	sshll.u32 s0, $0xA;
	s2 =	sadd.s32 s3, s2  }
0x8d: {  	s2 =	sadd.s32 s2, s16  }
0x8e: {  	[smem:$0x3FB9] =	sst s2  }
0x8f: {  	_ = 	snop  }
0x90: {  	(tm) =	ssettm $0x1  }
0x91: {  	s17 =	sld [smem:$0x3FFB];
	_ =	sdelay $0x3  }
0x92: {  	_ =	strace s17  }
0x93: {  	s2 =	sld [smem:$0x3FFC];
	_ =	sdelay $0x3  }
0x94: {  	_ =	strace s2  }
0x95: {  	s2 =	sld [smem:$0x3FFD];
	_ =	sdelay $0x3  }
0x96: {  	_ =	strace s2  }
0x97: {  	_ =	strace $0x8FFFFFFF  }
0x98: {  	s18 =	sld [smem:$0x3FDB];
	_ =	sdelay $0x1  }
0x99: {  	s19 =	simm.s32 $_scs_section_size  }
0x9a: {  	s4 =	simm.s32 $_size__tile_overlayer_lowered;
	s5 =	simm.s32 $_tile_overlayer_lowered  }
0x9b: {  	s22 =	simm.s32 $0x1BFF;
	s21 =	sshll.u32 s5, $0x1;
	s2 =	sadd.s32 s19, s18  }
0x9c: {  	s6 =	simm.s32 $0x0;
	s20 =	sshll.u32 s4, $0x1;
	s4 =	sadd.s32 s21, s2  }
0x9d: {  	[timem:s6], [sflag:s22] =	dma.local [hbm:s4], s20  }
0x9e: {  	_ =	swait.ge [sflag:s22], s20  }
0x9f: {  	s3 =	ssub.s32 $0x0, s20;
	[sflag:s22] =	ssyncset.done $0x0  }
0xa0: {  	[sflag:s22] =	ssyncadd.s32 s3;
	_ =	sdelay $0x1  }
0xa1: {  	s23 =	simm.s32 $0x1B8B  }
0xa2: {  	_ =	swait.ge [sflag:s23], $0x1  }
0xa3: {  	[sflag:s23] =	ssyncset.done $0x0  }
0xa4: {  	s25 =	simm.s32 $0x1B8E;
	s24 =	sld [smem:$0x3FFE];
	[sflag:s23] =	ssyncadd.s32 $0xFFFFFFFF  }
0xa5: {  	s26 =	simm.s32 $execute0_lowered;
	[smem:$0x3FD2] =	sst s25  }
0xa6: {  	s4 =	sshll.u32 s26, $0x1;
	_ =	strace $0x80000046;
	[dreg:$0x1] =	wrdreg $0xFFFFFFFF  }
0xa7: {  	s28 =	simm.s32 $_size_execute0_lowered;
	s2 =	sadd.s32 s2, s4;
	[dreg:$0x0] =	wrdreg $0x0  }
0xa8: {  	s4 =	sshll.u32 s28, $0x1;
	[dreg:$0x2] =	wrdreg s2  }
0xa9: {  	[dreg:$0x3] =	wrdreg s4  }
0xaa: {  	[dreg:$0x4] =	wrdreg $0xC0  }
0xab: {  	_ =	task [dreg:s6], $0x5FFFF  }
0xac: {  	[dreg:$0x1] =	wrdreg $0xFFFFFFFF  }
0xad: {  	[dreg:$0x0] =	wrdreg $0x60  }
0xae: {  	[dreg:$0x2] =	wrdreg s24  }
0xaf: {  	[dreg:$0x3] =	wrdreg $0x63800  }
0xb0: {  	[dreg:$0x4] =	wrdreg $0x9  }
0xb1: {  	_ =	task.clear_ibuf [dreg:s6], $0x5FFFF;
	_ =	strace $0x90000046  }
0xb2: {  	s29 =	simm.s32 $0x9;
	_ =	strace $0x80000048  }
0xb3: {  	_ =	swait.ge [sflag:s29], $0x1  }
0xb4: {  	[sflag:s29] =	ssyncadd.s32 $0xFFFFFFFF  }
0xb5: {  	_ =	strace $0x90000048  }
0xb6: {  	_ =	sfence  }
0xb7: {  	s30 =	sld [smem:$0x0];
	_ =	sdelay $0x2  }
0xb8: {  	s31 =	sshll.u32 s1, $0xD;
	s1 =	sshrl.u32 s1, $0x2  }
0xb9: {  	s3 =	sand.u32 $0x4000, s31;
	s1 =	sadd.s32 s1, s30  }
0xba: {  	s0 =	sor.u32 s3, s0;
	s1 =	sshll.u32 s1, $0x11  }
0xbb: {  	s0 =	sor.u32 s1, s0  }
0xbc: {  	s0 =	sadd.s32 $0x8F2B, s0  }
0xbd: {  	[sflag:s0] =	ssyncadd.remote.s32 $0x1  }
0xbe: {  	_ =	sfence.sel $0xFFFF  }
0xbf: {  	[dreg:$0x0] =	wrdreg $0xFFFFFFFF;
	(pc) =	sbr.abs _section_cstart, $3  }
0xc0: {  	[dreg:$0x1] =	wrdreg $0xFFFFFFFF  }
0xc1: {  	_ =	task.clear_ibuf [dreg:s6], $0x2FFFF;
	_ =	strace $0x9FFFFFFF  }
0xc2: {  	(tm) =	ssettm $0x7FFFFFFF  }
0xc3: {  	_ =	shalt  }
tec
execute0_lowered:
.L_overlay_start_1:
0x0: {  	(tag) =	ssettag $0x1  }
0x1: {  	s9 =	rddreg [dreg:$0x0]  }
0x2: {  	s1 =	rddreg [dreg:$0x1]  }
0x3: {  	s3 =	simm.s32 $0x0;
	s2 =	stileid.u32;
	s6 =	srdreg.scid  }
0x4: {  	s17 =	simm.s32 $0x6100;
	s18 =	simm.s32 $0x5000;
	s19 =	simm.s32 $0x5800  }
0x5: {  	s20 =	simm.s32 $0x6000;
	s21 =	simm.s32 $0x40;
	s24 =	simm.s32 $0x20  }
0x6: {  	s25 =	simm.s32 $0x10;
	s26 =	simm.s32 $0x0;
	[smem:$0x7FF] =	sst s3  }
0x7: {  	s4 =	sadd.s32 $0x34600, s9;
	s5 =	sadd.s32 $0x52600, s9;
	s11 =	smul.u32 $0x500, s2  }
0x8: {  	s10 =	sand.u32 $0x1, s6;
	s6 =	sadd.s32 $0x29A00, s9;
	s12 =	smul.u32 $0xA00, s2  }
0x9: {  	s7 =	sadd.s32 $0x2A000, s9;
	s8 =	sadd.s32 $0x66600, s9;
	s15 =	sshll.u32 s2, $0x1  }
0xa: {  	s22 =	sshll.u32 s2, $0x6;
	_ =	strace $0x80000047;
	s13 =	sshll.u32 s10, $0x7  }
0xb: {  	s14 =	ssub.s32 $0x2, s10;
	s15 =	sor.u32 s10, s15;
	s16 =	smul.u32 $0x500, s10  }
0xc: {  	s22 =	sor.u32 $0x1C01, s22;
	s11 =	sor.u32 s13, s11;
	s30 =	sadd.s32 s12, s9  }
0xd: {  	s31 =	sshrl.u32 s14, $0x1;
	s12 =	sshrl.u32 s12, $0x2;
	s10 =	smul.u32 $0xA0, s15  }
0xe: {  	s15 =	simm.s32 $0x2800;
	s11 =	sshrl.u32 s11, $0x3;
	s14 =	ssub.s32 s14, s31  }
0xf: {  	s13 =	sadd.s32 s16, s30;
	s16 =	simm.s32 $0x6080;
	s11 =	sadd.s32 s11, s9  }
0x10: {  	s9 =	sadd.s32 s12, s1;
	s12 =	smax.u32 s14, $0x1;
	s13 =	sadd.s32 $0x67200, s13  }
0x11: {  	v0 =	vimm.f32 $0.0e+00;
	s14 =	simm.s32 $0x1;
	s11 =	sadd.s32 $0x66800, s11;
	s23 =	sshrl.u32 s9, $0x3  }
.LBB2_1:
0x12: {  	[tilespmem:s3], [sflag:$0x1] =	stream.linear.gather [hbm4b:s6+s3], $0x2800, $0x38;
	[tilespmem:$0x6600] =	vst v63  }
0x13: {  	_ =	swait.ge [sflag:s14], $0x2800  }
0x14: {  	[sflag:s14] =	ssyncset.done $0x0  }
0x15: {  	[sflag:s14] =	ssyncadd.s32 $0xFFFFD800  }
0x16: {  	[tilespmem:s15], [sflag:$0x1] =	stream.linear.gather [hbm4b:s7+s3], $0x2800, $0x38;
	[tilespmem:$0x6600] =	vst v63  }
0x17: {  	_ =	swait.ge [sflag:s14], $0x2800  }
0x18: {  	[sflag:s14] =	ssyncset.done $0x0  }
0x19: {  	[sflag:s14] =	ssyncadd.s32 $0xFFFFD800  }
0x1a: {  	[tilespmem:s16], [sflag:$0x1] =	stream.linear.gather [hbm4b:s8+s3], $0x80, $0x38;
	[tilespmem:$0x6600] =	vst v63  }
0x1b: {  	_ =	swait.ge [sflag:s14], $0x80  }
0x1c: {  	[sflag:s14] =	ssyncset.done $0x0  }
0x1d: {  	[sflag:s14] =	ssyncadd.s32 $0xFFFFFF80  }
0x1e: {  	[tilespmem:$0x6100] =	vst v0  }
0x1f: {  	[tilespmem:$0x6110] =	vst v0  }
0x20: {  	[tilespmem:$0x6120] =	vst v0  }
0x21: {  	[tilespmem:$0x6130] =	vst v0  }
0x22: {  	[tilespmem:$0x6140] =	vst v0  }
0x23: {  	[tilespmem:$0x6150] =	vst v0  }
0x24: {  	[tilespmem:$0x6160] =	vst v0  }
0x25: {  	[tilespmem:$0x6170] =	vst v0  }
0x26: {  	[tilespmem:$0x6180] =	vst v0  }
0x27: {  	[tilespmem:$0x6190] =	vst v0  }
0x28: {  	[tilespmem:$0x61A0] =	vst v0  }
0x29: {  	[tilespmem:$0x61B0] =	vst v0  }
0x2a: {  	[tilespmem:$0x61C0] =	vst v0  }
0x2b: {  	[tilespmem:$0x61D0] =	vst v0  }
0x2c: {  	[tilespmem:$0x61E0] =	vst v0  }
0x2d: {  	[tilespmem:$0x61F0] =	vst v0  }
0x2e: {  	[tilespmem:$0x6200] =	vst v0  }
0x2f: {  	[tilespmem:$0x6210] =	vst v0  }
0x30: {  	[tilespmem:$0x6220] =	vst v0  }
0x31: {  	[tilespmem:$0x6230] =	vst v0  }
0x32: {  	[tilespmem:$0x6240] =	vst v0  }
0x33: {  	[tilespmem:$0x6250] =	vst v0  }
0x34: {  	[tilespmem:$0x6260] =	vst v0  }
0x35: {  	[tilespmem:$0x6270] =	vst v0  }
0x36: {  	[tilespmem:$0x6280] =	vst v0  }
0x37: {  	[tilespmem:$0x6290] =	vst v0  }
0x38: {  	[tilespmem:$0x62A0] =	vst v0  }
0x39: {  	[tilespmem:$0x62B0] =	vst v0  }
0x3a: {  	[tilespmem:$0x62C0] =	vst v0  }
0x3b: {  	[tilespmem:$0x62D0] =	vst v0  }
0x3c: {  	[tilespmem:$0x62E0] =	vst v0  }
0x3d: {  	[tilespmem:$0x62F0] =	vst v0  }
0x3e: {  	[tilespmem:$0x6300] =	vst v0  }
0x3f: {  	[tilespmem:$0x6310] =	vst v0  }
0x40: {  	[tilespmem:$0x6320] =	vst v0  }
0x41: {  	[tilespmem:$0x6330] =	vst v0  }
0x42: {  	[tilespmem:$0x6340] =	vst v0  }
0x43: {  	[tilespmem:$0x6350] =	vst v0  }
0x44: {  	[tilespmem:$0x6360] =	vst v0  }
0x45: {  	[tilespmem:$0x6370] =	vst v0  }
0x46: {  	[spmem:s9] =	stream.linear.scatter [tilespmem:s17], [sflag:$0x1], $0x280, $0x38;
	[tilespmem:$0x6600] =	vst v63  }
0x47: {  	_ =	swait.ge [sflag:s14], $0x280  }
0x48: {  	[sflag:s14] =	ssyncset.done $0x0  }
0x49: {  	[sflag:s14] =	ssyncadd.s32 $0xFFFFFD80  }
0x4a: {  	[bflag:$0x0] =	sbarrier.arrive $0xFFFF  }
0x4b: {  	s28 =	smov.u32 s13;
	s29 =	simm.s32 $0x0;
	v1 =	vld [tilespmem:$0x6080]  }
.LBB2_2:
0x4c: {  	s30 =	sshll.u32 s29, $0x4  }
0x4d: {  	s30 =	sadd.s32 s10, s30  }
0x4e: {  	s31 =	sshll.u32 s30, $0x4  }
0x4f: {  	s30 =	simm.s32 $0x0;
	s0 =	sadd.s32 s4, s31  }
0x50: {  	[tilespmem:s18], [sflag:$0x1] =	stream.linear.gather [hbm4b:s0+s30], $0x800, $0x38;
	[tilespmem:$0x6600] =	vst v63  }
0x51: {  	_ =	swait.ge [sflag:s14], $0x800  }
0x52: {  	[sflag:s14] =	ssyncset.done $0x0  }
0x53: {  	s0 =	sadd.s32 s5, s31;
	[sflag:s14] =	ssyncadd.s32 $0xFFFFF800  }
0x54: {  	[tilespmem:s19], [sflag:$0x1] =	stream.linear.gather [hbm4b:s0+s30], $0x800, $0x38;
	[tilespmem:$0x6600] =	vst v63  }
0x55: {  	_ =	swait.ge [sflag:s14], $0x800  }
0x56: {  	[sflag:s14] =	ssyncset.done $0x0  }
0x57: {  	s31 =	smov.u32 s28;
	[sflag:s14] =	ssyncadd.s32 $0xFFFFF800  }
.LBB2_3:
0x58: {  	s0 =	sshra.s32 s30, $0x2  }
0x59: {  	v2 =	vld [tilespmem:s0+$0x5000]  }
0x5a: {  	v3 =	vld [tilespmem:s0+$0x5800];
	_ =	sdelay $0x6  }
0x5b: {  	v2 =	vld.idx.msk [tilespmem:v2+s3+$0x0], $0xffff  }
0x5c: {  	v3 =	vld.idx.msk [tilespmem:v3+s15+$0x0], $0xffff;
	_ =	sdelay $0x4  }
0x5d: {  	v2 =	vadd.f32 v3, v2;
	_ =	sdelay $0x1  }
0x5e: {  	v3 =	vmul.f32 $2.000000030e-01, v2  }
0x5f: {  	vm0 =	vge.f32 v2, $0.0e+00  }
0x60: {  	v2 =	vsel vm0, v2, v3  }
0x61: {  	v2 =	vsub.f32 v2, v1;
	_ =	sdelay $0x1  }
0x62: {  	v2 =	vmul.f32 $1.442695020e+00, v2;
	_ =	sdelay $0x1  }
0x63: {  	(erf) = vpow2.f32 v2;
	_ =	sdelay $0x8  }
0x64: {  	v2 =	vpop (erf)  }
0x65: {  	[tilespmem:$0x6000] =	vst v2  }
0x66: {  	v2 =	vld [tilespmem:s0+$0x5010]  }
0x67: {  	v3 =	vld [tilespmem:s0+$0x5810];
	_ =	sdelay $0x6  }
0x68: {  	v2 =	vld.idx.msk [tilespmem:v2+s3+$0x0], $0xffff  }
0x69: {  	v3 =	vld.idx.msk [tilespmem:v3+s15+$0x0], $0xffff;
	_ =	sdelay $0x4  }
0x6a: {  	v2 =	vadd.f32 v3, v2;
	_ =	sdelay $0x1  }
0x6b: {  	v3 =	vmul.f32 $2.000000030e-01, v2  }
0x6c: {  	vm13 =	vge.f32 v2, $0.0e+00  }
0x6d: {  	v2 =	vsel vm13, v2, v3  }
0x6e: {  	v2 =	vsub.f32 v2, v1;
	_ =	sdelay $0x1  }
0x6f: {  	v2 =	vmul.f32 $1.442695020e+00, v2;
	_ =	sdelay $0x1  }
0x70: {  	(erf) = vpow2.f32 v2;
	_ =	sdelay $0x8  }
0x71: {  	v2 =	vpop (erf)  }
0x72: {  	[tilespmem:$0x6010] =	vst v2  }
0x73: {  	v2 =	vld [tilespmem:s0+$0x5020]  }
0x74: {  	v3 =	vld [tilespmem:s0+$0x5820];
	_ =	sdelay $0x6  }
0x75: {  	v2 =	vld.idx.msk [tilespmem:v2+s3+$0x0], $0xffff  }
0x76: {  	v3 =	vld.idx.msk [tilespmem:v3+s15+$0x0], $0xffff;
	_ =	sdelay $0x4  }
0x77: {  	v2 =	vadd.f32 v3, v2;
	_ =	sdelay $0x1  }
0x78: {  	v3 =	vmul.f32 $2.000000030e-01, v2  }
0x79: {  	vm14 =	vge.f32 v2, $0.0e+00  }
0x7a: {  	v2 =	vsel vm14, v2, v3  }
0x7b: {  	v2 =	vsub.f32 v2, v1;
	_ =	sdelay $0x1  }
0x7c: {  	v2 =	vmul.f32 $1.442695020e+00, v2;
	_ =	sdelay $0x1  }
0x7d: {  	(erf) = vpow2.f32 v2;
	_ =	sdelay $0x8  }
0x7e: {  	v2 =	vpop (erf)  }
0x7f: {  	[tilespmem:$0x6020] =	vst v2  }
0x80: {  	v2 =	vld [tilespmem:s0+$0x5030]  }
0x81: {  	v3 =	vld [tilespmem:s0+$0x5830];
	_ =	sdelay $0x6  }
0x82: {  	v2 =	vld.idx.msk [tilespmem:v2+s3+$0x0], $0xffff  }
0x83: {  	v3 =	vld.idx.msk [tilespmem:v3+s15+$0x0], $0xffff;
	_ =	sdelay $0x4  }
0x84: {  	v2 =	vadd.f32 v3, v2;
	_ =	sdelay $0x1  }
0x85: {  	v3 =	vmul.f32 $2.000000030e-01, v2  }
0x86: {  	vm15 =	vge.f32 v2, $0.0e+00  }
0x87: {  	v2 =	vsel vm15, v2, v3  }
0x88: {  	v2 =	vsub.f32 v2, v1;
	_ =	sdelay $0x1  }
0x89: {  	v2 =	vmul.f32 $1.442695020e+00, v2;
	_ =	sdelay $0x1  }
0x8a: {  	(erf) = vpow2.f32 v2;
	_ =	sdelay $0x8  }
0x8b: {  	v2 =	vpop (erf)  }
0x8c: {  	[tilespmem:$0x6030] =	vst v2  }
0x8d: {  	[hbm4b:s31+s3] =	stream.linear.scatter [tilespmem:s20], [sflag:$0x1], $0x40, $0x38;
	[tilespmem:$0x6600] =	vst v63  }
0x8e: {  	_ =	swait.ge [sflag:s14], $0x40  }
0x8f: {  	p0 =	sne.s32 s30, $0x1E00;
	[sflag:s14] =	ssyncset.done $0x0  }
.Ltmp0:
0x90: {  	s0 =	sadd.s32 $0x5800, s0;
	[sflag:s14] =	ssyncadd.s32 $0xFFFFFFC0;
	(pc) =	sbr.rel @p0 .LBB2_3-.Ltmp0, $4  }
0x91: {  	[spmem:s1] =	stream.indirect.scatter.add.f32 [tilespmem:s20], [sflag:$0x1], $0x1, s0, s21, $0xb8;
	[tilespmem:$0x6600] =	vst v63  }
0x92: {  	_ =	swait.ge [sflag:s14], $0x40  }
0x93: {  	[sflag:s14] =	ssyncset.done $0x0  }
0x94: {  	s30 =	sadd.s32 $0x200, s30;
	s31 =	sadd.s32 $0x8, s31;
	[sflag:s14] =	ssyncadd.s32 $0xFFFFFFC0  }
0x95: {  	s29 =	sadd.s32 $0x1, s29  }
0x96: {  	p0 =	sne.s32 s29, $0xA  }
.Ltmp1:
0x97: {  	_ = 	snop;
	(pc) =	sbr.rel @p0 .LBB2_2-.Ltmp1, $2  }
0x98: {  	_ =	sdelay $0x2  }
0x99: {  	s28 =	sadd.s32 $0x80, s28  }
0x9a: {  	s26 =	sadd.s32 $0x1, s26  }
0x9b: {  	p0 =	sne.s32 s26, s12  }
.Ltmp2:
0x9c: {  	[bflag:$0x0] =	sbarrier.arrive $0xFFFF;
	(pc) =	sbr.rel @p0 .LBB2_1-.Ltmp2, $4  }
0x9d: {  	[hbm:s11@s24], [sflag:s22] =	dma.strided [spmem:s23@s25], $0x50, s14, $0x10   }
0x9e: {  	_ =	swait.ge [sflag:s14], $0x50  }
0x9f: {  	[sflag:s14] =	ssyncset.done $0x0  }
0xa0: {  	[sflag:s14] =	ssyncadd.s32 $0xFFFFFFB0  }
0xa1: {  	_ =	sfence.sel $0x180000  }
0xa2: {  	[bflag:$0x0] =	sbarrier.arrive $0xFFFF  }
0xa3: {  	_ =	strace $0x90000047  }
0xa4: {  	[bflag:$0x2] =	sbarrier.arrive $0xFFFF  }
0xa5: {  	p0 =	sne.s32 s2, $0x0;
	s0 =	rddreg [dreg:$0x2]  }
0xa6: {  	s0 =	sadd.s32 @!p0 $0x100000, s0  }
0xa7: {  	[sflag:s0] =	ssyncadd.tile.s32 @!p0 $0x1;
	_ =	shalt  }
.Lfunc_end2:
_tile_overlayer_lowered:
.L_overlay_start_2:
0xa8: {  	(tag) =	ssettag $0x2  }
0xa9: {  	s0 =	rddreg [dreg:$0x0];
	s2 =	stileid.u32  }
0xaa: {  	s1 =	rddreg [dreg:$0x1];
	p0 =	sne.s32 s2, $0x0  }
0xab: {  	s3 =	rddreg [dreg:$0x2];
	[bflag:$0x3] =	sbarrier.arrive $0xFFFF;
	s2 =	simm.s32 @!p0 $0x1C01  }
0xac: {  	[timem:s3], [sflag:s2] =	dma.local @!p0 [hbm:s0], s1  }
0xad: {  	s0 =	simm.s32 @!p0 $0x1  }
0xae: {  	_ =	swait.ge @!p0 [sflag:s0], s1  }
0xaf: {  	s1 =	ssub.s32 @!p0 $0x0, s1;
	[sflag:s0] =	ssyncset.done @!p0 $0x0  }
0xb0: {  	[sflag:s0] =	ssyncadd.s32 @!p0 s1  }
0xb1: {  	[bflag:$0x3] =	sbarrier.arrive $0xFFFF  }
0xb2: {  	_ =	shalt  }

// kernel: kernel.9.cloned.1.call-start
scs
__scs_entry_jumppad:
0x0: {  	(pc) =	sbr.rel $0x88, $3  }
0x1: {  	(tag) =	ssettag $0x0;
	lr =	simm.s32 $0x1  }
0x2: {  	[smem:$0x3F92] =	sst lr;
	_ =	strace $0xD0000000  }
0x3: {  	_ = 	snop  }
0x4: {  	_ = 	snop  }
0x5: {  	_ = 	snop  }
0x6: {  	_ = 	snop  }
0x7: {  	_ = 	snop  }
__scs_overlays_trampoline_lowered:
0x8: {  	[smem:$0x3FA1] =	sst s0  }
0x9: {  	[smem:$0x3FA2] =	sst s1  }
0xa: {  	[smem:$0x3FA3] =	sst s2  }
0xb: {  	[smem:$0x3FA4] =	sst s3  }
0xc: {  	[smem:$0x3FA5] =	sst s4  }
0xd: {  	[smem:$0x3FA6] =	sst s5  }
0xe: {  	[smem:$0x3FA7] =	sst s6  }
0xf: {  	[smem:$0x3FA8] =	sst s7  }
0x10: {  	[smem:$0x3FA9] =	sst s8  }
0x11: {  	[smem:$0x3FAA] =	sst s9;
	s0 =	simm.s32 @!p0 $0x0  }
0x12: {  	s1 =	sld [smem:$0x3F90];
	s0 =	simm.s32 @p0 $0x1  }
0x13: {  	[smem:$0x3FAB] =	sst s0;
	s0 =	simm.s32 @!p1 $0x0  }
0x14: {  	s2 =	sld [smem:$0x3F8F];
	s0 =	simm.s32 @p1 $0x1  }
0x15: {  	[smem:$0x3FAC] =	sst s0;
	s0 =	simm.s32 @!p2 $0x0  }
0x16: {  	s3 =	sld [smem:$0x3FDB];
	s0 =	simm.s32 @p2 $0x1  }
0x17: {  	s4 =	simm.s32 $0x1BF5;
	[smem:$0x3FAE] =	sst s0  }
0x18: {  	s0 =	sld [smem:$0x3F91];
	_ =	swait.ge [sflag:s4], $0x0  }
0x19: {  	s7 =	sld [smem:$0x3F92]  }
0x1a: {  	s8 =	sadd.s32 $0xFFFFE003, lr  }
0x1b: {  	s9 =	sadd.s32 $0xFFFFFEF7, lr;
	s5 =	simm.s32 $0xFFFFFFFF;
	p2 =	slt.u32 s8, $0xFFFFF086  }
0x1c: {  	p1 =	slt.u32 s9, $0xF7A;
	s5 =	simm.s32 @!p2 $0x0  }
0x1d: {  	s5 =	simm.s32 @p1 $0x1;
	p0 =	seq.s32 s7, s2  }
0x1e: {  	s7 =	smul.u32 @!p0 $0xF7A, s2;
	p2 =	seq.s32 @!p0 s5, $0x0  }
0x1f: {  	s9 =	smul.u32 $0xF7A, s1;
	s8 =	simm.s32 @!p0 $0x1BF5;
	p2 =	por !p2, p0  }
0x20: {  	[sflag:s8] =	ssyncset.s32 @!p0 $0xFFFFF086;
	s6 =	sadd.s32 @!p0 s3, s7;
	s7 =	simm.s32 @!p0 $0x108  }
0x21: {  	s3 =	sadd.s32 s3, s9;
	s6 =	sadd.s32 @!p0 $0x88, s6;
	s7 =	simm.s32 @p2 $0x1082  }
0x22: {  	[simem:s7], [sflag:s8] =	dma.local @!p0 [hbm:s6], $0xF7A  }
0x23: {  	s9 =	sor.u32 $0xD0000000, s2;
	s6 =	simm.s32 $0x108;
	_ =	swait.ge @!p0 [sflag:s8], $0x0  }
0x24: {  	s3 =	sadd.s32 $0x88, s3;
	s6 =	simm.s32 @!p1 $0x1082;
	[sflag:s4] =	ssyncset.s32 $0xFFFFF086  }
0x25: {  	[simem:s6], [sflag:s4] =	dma.local [hbm:s3], $0xF7A  }
0x26: {  	[smem:$0x3F92] =	sst s1;
	(tag) =	ssettag s2;
	_ =	strace s9  }
0x27: {  	s1 =	sld [smem:$0x3FA2]  }
0x28: {  	s2 =	sld [smem:$0x3FA3]  }
0x29: {  	s4 =	sld [smem:$0x3FA5]  }
0x2a: {  	p0 =	seq.s32 s5, $0x0;
	s5 =	sld [smem:$0x3FA6]  }
0x2b: {  	s6 =	sld [smem:$0x3FA7]  }
0x2c: {  	s7 =	sld [smem:$0x3FA8]  }
0x2d: {  	s3 =	simm.s32 $0x108;
	s8 =	sld [smem:$0x3FA9]  }
0x2e: {  	s3 =	simm.s32 @!p0 $0x1082;
	s9 =	sld [smem:$0x3FAA]  }
0x2f: {  	lr =	sadd.s32 s0, s3;
	s0 =	sld [smem:$0x3FA1]  }
0x30: {  	s3 =	sld [smem:$0x3FA4]  }
0x31: {  	[smem:$0x3FAD] =	sst s10  }
0x32: {  	s10 =	sld [smem:$0x3FAB];
	_ =	sdelay $0x3  }
0x33: {  	p0 =	seq.s32 s10, $0x1;
	s10 =	sld [smem:$0x3FAD];
	_ =	sdelay $0x3  }
0x34: {  	[smem:$0x3FAD] =	sst s10  }
0x35: {  	s10 =	sld [smem:$0x3FAC];
	_ =	sdelay $0x3  }
0x36: {  	p1 =	seq.s32 s10, $0x1;
	s10 =	sld [smem:$0x3FAD];
	_ =	sdelay $0x3  }
0x37: {  	[smem:$0x3FAD] =	sst s10  }
0x38: {  	s10 =	sld [smem:$0x3FAE]  }
0x39: {  	_ = 	snop;
	(pc) =	sbr.ind lr, $3  }
0x3a: {  	_ = 	snop  }
0x3b: {  	_ = 	snop  }
0x3c: {  	p2 =	seq.s32 s10, $0x1;
	s10 =	sld [smem:$0x3FAD]  }
0x3d: {  	_ =	shalt  }
0x3e: {  	_ =	shalt  }
0x3f: {  	_ =	shalt  }
0x40: {  	_ =	shalt  }
0x41: {  	_ =	shalt  }
0x42: {  	_ =	shalt  }
0x43: {  	_ =	shalt  }
0x44: {  	_ =	shalt  }
0x45: {  	_ =	shalt  }
0x46: {  	_ =	shalt  }
0x47: {  	_ =	shalt  }
0x48: {  	_ =	shalt  }
0x49: {  	_ =	shalt  }
0x4a: {  	_ =	shalt  }
0x4b: {  	_ =	shalt  }
0x4c: {  	_ =	shalt  }
0x4d: {  	_ =	shalt  }
0x4e: {  	_ =	shalt  }
0x4f: {  	_ =	shalt  }
0x50: {  	_ =	shalt  }
0x51: {  	_ =	shalt  }
0x52: {  	_ =	shalt  }
0x53: {  	_ =	shalt  }
0x54: {  	_ =	shalt  }
0x55: {  	_ =	shalt  }
0x56: {  	_ =	shalt  }
0x57: {  	_ =	shalt  }
0x58: {  	_ =	shalt  }
0x59: {  	_ =	shalt  }
0x5a: {  	_ =	shalt  }
0x5b: {  	_ =	shalt  }
0x5c: {  	_ =	shalt  }
0x5d: {  	_ =	shalt  }
0x5e: {  	_ =	shalt  }
0x5f: {  	_ =	shalt  }
0x60: {  	_ =	shalt  }
0x61: {  	_ =	shalt  }
0x62: {  	_ =	shalt  }
0x63: {  	_ =	shalt  }
0x64: {  	_ =	shalt  }
0x65: {  	_ =	shalt  }
0x66: {  	_ =	shalt  }
0x67: {  	_ =	shalt  }
0x68: {  	_ =	shalt  }
0x69: {  	_ =	shalt  }
0x6a: {  	_ =	shalt  }
0x6b: {  	_ =	shalt  }
0x6c: {  	_ =	shalt  }
0x6d: {  	_ =	shalt  }
0x6e: {  	_ =	shalt  }
0x6f: {  	_ =	shalt  }
0x70: {  	_ =	shalt  }
0x71: {  	_ =	shalt  }
0x72: {  	_ =	shalt  }
0x73: {  	_ =	shalt  }
0x74: {  	_ =	shalt  }
0x75: {  	_ =	shalt  }
0x76: {  	_ =	shalt  }
0x77: {  	_ =	shalt  }
0x78: {  	_ =	shalt  }
0x79: {  	_ =	shalt  }
0x7a: {  	_ =	shalt  }
0x7b: {  	_ =	shalt  }
0x7c: {  	_ =	shalt  }
0x7d: {  	_ =	shalt  }
0x7e: {  	_ =	shalt  }
0x7f: {  	_ =	shalt  }
0x80: {  	_ =	shalt  }
0x81: {  	_ =	shalt  }
0x82: {  	_ =	shalt  }
0x83: {  	_ =	shalt  }
0x84: {  	_ =	shalt  }
0x85: {  	_ =	shalt  }
0x86: {  	_ =	shalt  }
0x87: {  	_ =	shalt  }
.Lfunc_end0:
.L_simem_size_0:
called_computation.1_lowered:
.L_overlay_start_0:
0x88: {  	s2 =	sld [smem:$0x3FD9]  }
0x89: {  	s3 =	sld [smem:$0x3FFE];
	_ =	sdelay $0x1  }
0x8a: {  	s1 =	srdreg.scid  }
0x8b: {  	s0 =	sand.u32 $0x1, s1  }
0x8c: {  	s16 =	sshll.u32 s0, $0xA;
	s2 =	sadd.s32 s3, s2  }
0x8d: {  	s2 =	sadd.s32 s2, s16  }
0x8e: {  	[smem:$0x3FB9] =	sst s2  }
0x8f: {  	_ = 	snop  }
0x90: {  	(tm) =	ssettm $0x1  }
0x91: {  	s17 =	sld [smem:$0x3FFB];
	_ =	sdelay $0x3  }
0x92: {  	_ =	strace s17  }
0x93: {  	s2 =	sld [smem:$0x3FFC];
	_ =	sdelay $0x3  }
0x94: {  	_ =	strace s2  }
0x95: {  	s2 =	sld [smem:$0x3FFD];
	_ =	sdelay $0x3  }
0x96: {  	_ =	strace s2  }
0x97: {  	_ =	strace $0x8FFFFFFF  }
0x98: {  	s18 =	sld [smem:$0x3FDB];
	_ =	sdelay $0x1  }
0x99: {  	s19 =	simm.s32 $_scs_section_size  }
0x9a: {  	s4 =	simm.s32 $_size__tile_overlayer_lowered;
	s5 =	simm.s32 $_tile_overlayer_lowered  }
0x9b: {  	s22 =	simm.s32 $0x1BFF;
	s21 =	sshll.u32 s5, $0x1;
	s2 =	sadd.s32 s19, s18  }
0x9c: {  	s6 =	simm.s32 $0x0;
	s20 =	sshll.u32 s4, $0x1;
	s4 =	sadd.s32 s21, s2  }
0x9d: {  	[timem:s6], [sflag:s22] =	dma.local [hbm:s4], s20  }
0x9e: {  	_ =	swait.ge [sflag:s22], s20  }
0x9f: {  	s3 =	ssub.s32 $0x0, s20;
	[sflag:s22] =	ssyncset.done $0x0  }
0xa0: {  	[sflag:s22] =	ssyncadd.s32 s3;
	_ =	sdelay $0x1  }
0xa1: {  	s23 =	simm.s32 $0x1B8B  }
0xa2: {  	_ =	swait.ge [sflag:s23], $0x1  }
0xa3: {  	[sflag:s23] =	ssyncset.done $0x0  }
0xa4: {  	s25 =	simm.s32 $0x1B8E;
	s24 =	sld [smem:$0x3FFE];
	[sflag:s23] =	ssyncadd.s32 $0xFFFFFFFF  }
0xa5: {  	s26 =	simm.s32 $execute0_lowered;
	[smem:$0x3FD2] =	sst s25  }
0xa6: {  	s4 =	sshll.u32 s26, $0x1;
	_ =	strace $0x80000049;
	[dreg:$0x1] =	wrdreg $0xFFFFFFFF  }
0xa7: {  	s28 =	simm.s32 $_size_execute0_lowered;
	s2 =	sadd.s32 s2, s4;
	[dreg:$0x0] =	wrdreg $0x0  }
0xa8: {  	s4 =	sshll.u32 s28, $0x1;
	[dreg:$0x2] =	wrdreg s2  }
0xa9: {  	[dreg:$0x3] =	wrdreg s4  }
0xaa: {  	[dreg:$0x4] =	wrdreg $0xC0  }
0xab: {  	_ =	task [dreg:s6], $0x5FFFF  }
0xac: {  	[dreg:$0x1] =	wrdreg $0xFFFFFFFF  }
0xad: {  	[dreg:$0x0] =	wrdreg $0x60  }
0xae: {  	[dreg:$0x2] =	wrdreg s24  }
0xaf: {  	[dreg:$0x3] =	wrdreg $0x9  }
0xb0: {  	_ =	task.clear_ibuf [dreg:s6], $0x4FFFF;
	_ =	strace $0x90000049  }
0xb1: {  	s29 =	simm.s32 $0x9;
	_ =	strace $0x8000004B  }
0xb2: {  	_ =	swait.ge [sflag:s29], $0x1  }
0xb3: {  	[sflag:s29] =	ssyncadd.s32 $0xFFFFFFFF  }
0xb4: {  	_ =	strace $0x9000004B  }
0xb5: {  	_ =	sfence  }
0xb6: {  	s30 =	sld [smem:$0x0];
	_ =	sdelay $0x2  }
0xb7: {  	s31 =	sshll.u32 s1, $0xD;
	s1 =	sshrl.u32 s1, $0x2  }
0xb8: {  	s3 =	sand.u32 $0x4000, s31;
	s1 =	sadd.s32 s1, s30  }
0xb9: {  	s0 =	sor.u32 s3, s0;
	s1 =	sshll.u32 s1, $0x11  }
0xba: {  	s0 =	sor.u32 s1, s0  }
0xbb: {  	s0 =	sadd.s32 $0x8F2B, s0  }
0xbc: {  	[sflag:s0] =	ssyncadd.remote.s32 $0x1  }
0xbd: {  	_ =	sfence.sel $0xFFFF  }
0xbe: {  	[dreg:$0x0] =	wrdreg $0xFFFFFFFF;
	(pc) =	sbr.abs _section_cstart, $3  }
0xbf: {  	[dreg:$0x1] =	wrdreg $0xFFFFFFFF  }
0xc0: {  	_ =	task.clear_ibuf [dreg:s6], $0x2FFFF;
	_ =	strace $0x9FFFFFFF  }
0xc1: {  	(tm) =	ssettm $0x7FFFFFFF  }
tec
execute0_lowered:
.L_overlay_start_1:
0x0: {  	(tag) =	ssettag $0x1  }
0x1: {  	s0 =	stileid.u32;
	s1 =	srdreg.scid  }
0x2: {  	s7 =	rddreg [dreg:$0x0];
	s2 =	simm.s32 $0x0;
	s13 =	simm.s32 $0x9E00  }
0x3: {  	s14 =	simm.s32 $0x3;
	s15 =	simm.s32 $0x1DA00;
	s16 =	simm.s32 $0x1DE00  }
0x4: {  	s17 =	simm.s32 $0x1E200;
	s18 =	simm.s32 $0x1;
	s3 =	smul.u32 $0x2800, s0  }
0x5: {  	s19 =	simm.s32 $0x2;
	s8 =	sand.u32 $0x1, s1;
	s6 =	smul.u32 $0x13C00, s0  }
0x6: {  	s20 =	simm.s32 $0x0;
	[smem:$0x7FF] =	sst s2;
	s5 =	smul.u32 $0x13C000, s8  }
0x7: {  	s1 =	rddreg [dreg:$0x1];
	s4 =	sadd.s32 $0x48600, s7;
	_ =	strace $0x8000004A  }
0x8: {  	s9 =	sadd.s32 s3, s7;
	s10 =	sadd.s32 s6, s5;
	s5 =	smul.u32 $0x28000, s8  }
.Ltmp0:
0x9: {  	s3 =	sadd.s32 $0x2A600, s7;
	s8 =	ssub.s32 $0x2, s8;
	(pc) =	sbr.rel .LBB2_1-.Ltmp0, $4  }
0xa: {  	s6 =	sadd.s32 $0x67200, s7;
	s10 =	sshrl.u32 s10, $0x3;
	s30 =	sshrl.u32 s8, $0x1  }
0xb: {  	s11 =	sadd.s32 s10, s7;
	s31 =	sshrl.u32 s5, $0x3;
	s12 =	ssub.s32 s8, s30  }
0xc: {  	s7 =	sadd.s32 $0x1A00, s9;
	s8 =	sadd.s32 s3, s31;
	s9 =	sadd.s32 s4, s31  }
0xd: {  	v0 =	vimm.f32 $0.0e+00;
	s10 =	sadd.s32 s6, s31;
	s11 =	sadd.s32 $0x71200, s11;
	s12 =	smax.u32 s12, $0x1  }
.LBB2_13:
0xe: {  	s20 =	sadd.s32 $0x1, s20  }
0xf: {  	p0 =	sne.s32 s20, s12  }
.Ltmp1:
0x10: {  	_ = 	snop;
	(pc) =	sbr.rel @!p0 .LBB2_14-.Ltmp1, $4  }
0x11: {  	[hbm4b:s11+s2] =	stream.linear.scatter [tilespmem:s13], [sflag:$0x3], $0x13C00, $0x38;
	[tilespmem:$0x1F200] =	vst v63  }
0x12: {  	_ =	swait.ge [sflag:s14], $0x13C00  }
0x13: {  	[sflag:s14] =	ssyncset.done $0x0  }
0x14: {  	[sflag:s14] =	ssyncadd.s32 $0xFFFEC400  }
.LBB2_1:
0x15: {  	[tilespmem:s13], [sflag:$0x3] =	stream.linear.gather [hbm4b:s7+s2], $0x13C00, $0x38;
	[tilespmem:$0x1F200] =	vst v63  }
0x16: {  	s21 =	simm.s32 $0x0;
	_ =	swait.ge [sflag:s14], $0x13C00  }
0x17: {  	s22 =	sand.u32 $0x70, s2;
	s21 =	sand.u32 $0x3FFFFC00, s21;
	[sflag:s14] =	ssyncset.done $0x0  }
0x18: {  	s23 =	sor.u32 s22, s21;
	[sflag:s14] =	ssyncadd.s32 $0xFFFEC400  }
0x19: {  	v1 =	vld [tilespmem:s23+$0x9E00]  }
0x1a: {  	v2 =	vld [tilespmem:s23+$0x9E80];
	_ =	sdelay $0x2  }
0x1b: {  	s31 =	simm.s32 $0x0  }
0x1c: {  	s21 =	sand.u32 $0x3FFFFE00, s31  }
0x1d: {  	s21 =	sor.u32 s22, s21;
	v1 =	vpack.i.f32.bf16 v2, v1  }
0x1e: {  	[tilespmem:s21+$0x0] =	vst v1  }
0x1f: {  	v1 =	vld [tilespmem:s23+$0x9F00]  }
0x20: {  	v2 =	vld [tilespmem:s23+$0x9F80];
	_ =	sdelay $0x4  }
0x21: {  	v1 =	vpack.i.f32.bf16 v2, v1  }
0x22: {  	[tilespmem:s21+$0x80] =	vst v1  }
0x23: {  	v1 =	vld [tilespmem:s23+$0xA000]  }
0x24: {  	v2 =	vld [tilespmem:s23+$0xA080];
	_ =	sdelay $0x4  }
0x25: {  	v1 =	vpack.i.f32.bf16 v2, v1  }
0x26: {  	[tilespmem:s21+$0x100] =	vst v1  }
0x27: {  	v1 =	vld [tilespmem:s23+$0xA100]  }
0x28: {  	s22 =	simm.s32 $0x1;
	v2 =	vld [tilespmem:s23+$0xA180];
	s23 =	simm.s32 $0x0  }
.LBB2_2:
0x29: {  	p0 =	sne.s32 s22, $0x277  }
0x2a: {  	s23 =	sadd.s32 $0x10, s23;
	s24 =	smov.u32 s22;
	s22 =	sadd.s32 $0x1, s22  }
0x2b: {  	_ = 	snop  }
0x2c: {  	s25 =	sshll.u32 s24, $0x7  }
0x2d: {  	s26 =	sand.u32 $0x70, s23;
	s25 =	sand.u32 $0x3FFFFC00, s25;
	v1 =	vpack.i.f32.bf16 v2, v1  }
0x2e: {  	s25 =	sor.u32 s26, s25;
	[tilespmem:s21+$0x180] =	vst v1  }
0x2f: {  	v1 =	vld [tilespmem:s25+$0x9E00]  }
0x30: {  	v2 =	vld [tilespmem:s25+$0x9E80];
	_ =	sdelay $0x1  }
0x31: {  	s21 =	sshll.u32 s24, $0x6  }
0x32: {  	s21 =	sand.u32 $0x3FFFFE00, s21  }
0x33: {  	s21 =	sor.u32 s26, s21  }
0x34: {  	v1 =	vpack.i.f32.bf16 v2, v1  }
0x35: {  	[tilespmem:s21+$0x0] =	vst v1  }
0x36: {  	v1 =	vld [tilespmem:s25+$0x9F00]  }
0x37: {  	v2 =	vld [tilespmem:s25+$0x9F80];
	_ =	sdelay $0x4  }
0x38: {  	v1 =	vpack.i.f32.bf16 v2, v1  }
0x39: {  	[tilespmem:s21+$0x80] =	vst v1  }
0x3a: {  	v1 =	vld [tilespmem:s25+$0xA000]  }
0x3b: {  	v2 =	vld [tilespmem:s25+$0xA080];
	_ =	sdelay $0x3  }
.Ltmp2:
0x3c: {  	(pc) =	sbr.rel @p0 .LBB2_2-.Ltmp2, $4  }
0x3d: {  	v1 =	vpack.i.f32.bf16 v2, v1  }
0x3e: {  	[tilespmem:s21+$0x100] =	vst v1  }
0x3f: {  	v1 =	vld [tilespmem:s25+$0xA100]  }
0x40: {  	v2 =	vld [tilespmem:s25+$0xA180]  }
0x41: {  	_ =	sdelay $0x2  }
0x42: {  	s22 =	simm.s32 $0x0  }
0x43: {  	s23 =	sand.u32 $0x70, s22;
	s24 =	sand.u32 $0x1FC00, s22;
	v1 =	vpack.i.f32.bf16 v2, v1  }
0x44: {  	[tilespmem:s21+$0x180] =	vst v1;
	s21 =	sor.u32 s23, s24  }
0x45: {  	[tilespmem:s21+$0x9E80] =	vst v0  }
0x46: {  	[tilespmem:s21+$0x9F00] =	vst v0  }
0x47: {  	[tilespmem:s21+$0x9F80] =	vst v0  }
0x48: {  	s25 =	sand.u32 $0x7, s22;
	s23 =	simm.s32 $0x10;
	s24 =	simm.s32 $0x0;
	[tilespmem:s21+$0xA000] =	vst v0  }
.LBB2_4:
0x49: {  	p0 =	sne.s32 s23, $0x2770;
	s25 =	sshll.u32 s25, $0x4;
	[tilespmem:s21+$0xA080] =	vst v0  }
0x4a: {  	s25 =	sadd.s32 s25, s22;
	[tilespmem:s21+$0xA100] =	vst v0;
	s22 =	sadd.s32 $0x80, s22  }
0x4b: {  	s26 =	sand.u32 $0x70, s23;
	s28 =	sand.u32 $0x1FC00, s22;
	[tilespmem:s21+$0x9E00] =	vst v0;
	s25 =	sor.u32 $0x380, s25  }
.Ltmp3:
0x4c: {  	s21 =	sor.u32 s26, s28;
	[tilespmem:s25+$0x9E00] =	vst v0;
	(pc) =	sbr.rel @p0 .LBB2_4-.Ltmp3, $4  }
0x4d: {  	[tilespmem:s21+$0x9E80] =	vst v0  }
0x4e: {  	[tilespmem:s21+$0x9F00] =	vst v0  }
0x4f: {  	s24 =	sadd.s32 $0x1, s24;
	[tilespmem:s21+$0x9F80] =	vst v0  }
0x50: {  	s23 =	sadd.s32 $0x10, s23;
	s25 =	sand.u32 $0x7, s24;
	[tilespmem:s21+$0xA000] =	vst v0  }
0x51: {  	s23 =	sshll.u32 s25, $0x4;
	[tilespmem:s21+$0xA080] =	vst v0  }
0x52: {  	[tilespmem:s21+$0xA100] =	vst v0;
	s22 =	sadd.s32 s23, s22  }
0x53: {  	[tilespmem:s21+$0x9E00] =	vst v0;
	s31 =	sor.u32 $0x380, s22  }
0x54: {  	s21 =	simm.s32 $0x0;
	[tilespmem:s31+$0x9E00] =	vst v0  }
0x55: {  	[tilespmem:s15], [sflag:$0x1] =	stream.linear.gather [hbm4b:s8+s21], $0x400, $0x38;
	[tilespmem:$0x1F200] =	vst v63  }
.Ltmp4:
0x56: {  	_ = 	snop;
	(pc) =	sbr.rel .LBB2_6-.Ltmp4, $4  }
0x57: {  	_ = 	snop  }
0x58: {  	[tilespmem:s16], [sflag:$0x1] =	stream.linear.gather [hbm4b:s9+s21], $0x400, $0x38;
	[tilespmem:$0x1F200] =	vst v63  }
0x59: {  	_ = 	snop  }
0x5a: {  	[tilespmem:s17], [sflag:$0x1] =	stream.linear.gather [hbm4b:s10+s21], $0x400, $0x38;
	[tilespmem:$0x1F200] =	vst v63  }
.LBB2_12:
0x5b: {  	p0 =	sne.s32 s21, $0xA0  }
.Ltmp5:
0x5c: {  	_ = 	snop;
	(pc) =	sbr.rel @!p0 .LBB2_13-.Ltmp5, $1  }
0x5d: {  	_ =	sdelay $0x3  }
.LBB2_6:
0x5e: {  	s23 =	sand.u32 $0x1, s21  }
0x5f: {  	s22 =	smov.u32 s21;
	s21 =	sadd.s32 $0x1, s21;
	p0 =	seq.s32 s23, $0x1  }
0x60: {  	s24 =	sshll.u32 @!p0 s21, $0xA  }
0x61: {  	p1 =	seq.s32 s22, $0x9F;
	s24 =	sadd.s32 @!p0 s5, s24  }
0x62: {  	s26 =	simm.s32 @!p0 $0x0;
	p1 =	por !p0, p1;
	s24 =	sshrl.u32 @!p0 s24, $0x3  }
0x63: {  	s28 =	simm.s32 @!p0 $0x1E600;
	s22 =	sshll.u32 @!p1 s21, $0xA;
	s25 =	sadd.s32 @!p0 s3, s24  }
0x64: {  	[tilespmem:s28], [sflag:$0x2] =	stream.linear.gather @!p0 [hbm4b:s25+s26], $0x400, $0x38;
	[tilespmem:$0x1F200] =	vst v63  }
0x65: {  	s22 =	sadd.s32 @!p1 s5, s22;
	s25 =	sadd.s32 @!p0 s4, s24;
	s28 =	simm.s32 @!p0 $0x1EA00  }
0x66: {  	[tilespmem:s28], [sflag:$0x2] =	stream.linear.gather @!p0 [hbm4b:s25+s26], $0x400, $0x38;
	[tilespmem:$0x1F200] =	vst v63  }
0x67: {  	s22 =	sshrl.u32 @!p1 s22, $0x3;
	s24 =	sadd.s32 @!p0 s6, s24;
	s25 =	simm.s32 @!p0 $0x1EE00  }
0x68: {  	[tilespmem:s25], [sflag:$0x2] =	stream.linear.gather @!p0 [hbm4b:s24+s26], $0x400, $0x38;
	[tilespmem:$0x1F200] =	vst v63  }
0x69: {  	s24 =	sadd.s32 @!p1 s3, s22;
	s25 =	simm.s32 @!p1 $0x0;
	s26 =	simm.s32 @!p1 $0x1DA00  }
0x6a: {  	[tilespmem:s26], [sflag:$0x1] =	stream.linear.gather @!p1 [hbm4b:s24+s25], $0x400, $0x38;
	[tilespmem:$0x1F200] =	vst v63  }
0x6b: {  	s24 =	sadd.s32 @!p1 s4, s22;
	s26 =	simm.s32 @!p1 $0x1DE00  }
0x6c: {  	[tilespmem:s26], [sflag:$0x1] =	stream.linear.gather @!p1 [hbm4b:s24+s25], $0x400, $0x38;
	[tilespmem:$0x1F200] =	vst v63  }
0x6d: {  	s22 =	sadd.s32 @!p1 s6, s22;
	s24 =	simm.s32 @!p1 $0x1E200  }
0x6e: {  	[tilespmem:s24], [sflag:$0x1] =	stream.linear.gather @!p1 [hbm4b:s22+s25], $0x400, $0x38;
	[tilespmem:$0x1F200] =	vst v63  }
0x6f: {  	p1 =	sne.s32 s23, $0x0  }
.Ltmp6:
0x70: {  	_ = 	snop;
	(pc) =	sbr.rel @p1 .LBB2_9-.Ltmp6, $1  }
0x71: {  	_ =	sdelay $0x3  }
0x72: {  	_ =	swait.ge [sflag:s18], $0x400  }
0x73: {  	[sflag:s18] =	ssyncset.done $0x0  }
0x74: {  	[sflag:s18] =	ssyncadd.s32 $0xFFFFFC00  }
0x75: {  	_ =	swait.ge [sflag:s18], $0x400  }
0x76: {  	[sflag:s18] =	ssyncset.done $0x0  }
0x77: {  	[sflag:s18] =	ssyncadd.s32 $0xFFFFFC00  }
0x78: {  	_ =	swait.ge [sflag:s18], $0x400  }
0x79: {  	s22 =	simm.s32 $0xFFFFFFFC;
	s23 =	simm.s32 $0x1E220;
	[sflag:s18] =	ssyncset.done $0x0  }
0x7a: {  	s24 =	simm.s32 $0x1DE20;
	s25 =	simm.s32 $0x1DA20;
	[sflag:s18] =	ssyncadd.s32 $0xFFFFFC00  }
.LBB2_8:
0x7b: {  	v1 =	vld [tilespmem:s25+$0xFFFFFFE0];
	_ =	sdelay $0x4  }
0x7c: {  	v2 =	vshll.u32 v1, $0x2  }
0x7d: {  	v1 =	vand.u32 $0x7F, v1;
	v2 =	vand.u32 $0xFFFFFE00, v2  }
0x7e: {  	v1 =	vor.u32 v1, v2  }
0x7f: {  	v2 =	vld [tilespmem:s24+$0xFFFFFFE0];
	_ =	sdelay $0x3  }
0x80: {  	v3 =	vld.idx.msk [tilespmem:v1+s2+$0x0], $0xffff  }
0x81: {  	v4 =	vld [tilespmem:s23+$0xFFFFFFE0];
	v5 =	vshll.u32 v2, $0x3  }
0x82: {  	v2 =	vand.u32 $0x7F, v2;
	v5 =	vand.u32 $0xFFFFFC00, v5  }
0x83: {  	v2 =	vor.u32 v2, v5  }
0x84: {  	v5 =	vor.u32 $0x80, v2  }
0x85: {  	v7 =	vor.u32 $0x80, v1;
	v6 =	vunpack.i.l.bf16.f32 v3  }
0x86: {  	v3 =	vunpack.i.u.bf16.f32 v3;
	v6 =	vmul.f32 v6, v4  }
0x87: {  	v3 =	vmul.f32 v3, v4  }
0x88: {  	[tilespmem:v2+s13+$0x0] =	vst.idx.add.f32.msk $0xffff, v6  }
0x89: {  	[tilespmem:v5+s13+$0x0] =	vst.idx.add.f32.msk $0xffff, v3  }
0x8a: {  	v3 =	vld.idx.msk [tilespmem:v7+s2+$0x0], $0xffff;
	_ =	sdelay $0x2  }
0x8b: {  	v25 =	vor.u32 $0x100, v2  }
0x8c: {  	v26 =	vor.u32 $0x180, v2  }
0x8d: {  	v8 =	vor.u32 $0x100, v1;
	v7 =	vunpack.i.l.bf16.f32 v3  }
0x8e: {  	v3 =	vunpack.i.u.bf16.f32 v3;
	v7 =	vmul.f32 v7, v4  }
0x8f: {  	v3 =	vmul.f32 v3, v4  }
0x90: {  	[tilespmem:v25+s13+$0x0] =	vst.idx.add.f32.msk $0xffff, v7  }
0x91: {  	[tilespmem:v26+s13+$0x0] =	vst.idx.add.f32.msk $0xffff, v3  }
0x92: {  	v3 =	vld.idx.msk [tilespmem:v8+s2+$0x0], $0xffff;
	_ =	sdelay $0x2  }
0x93: {  	v27 =	vor.u32 $0x200, v2  }
0x94: {  	v28 =	vor.u32 $0x280, v2  }
0x95: {  	v1 =	vor.u32 $0x180, v1;
	v29 =	vunpack.i.l.bf16.f32 v3  }
0x96: {  	v3 =	vunpack.i.u.bf16.f32 v3;
	v7 =	vmul.f32 v29, v4  }
0x97: {  	v3 =	vmul.f32 v3, v4  }
0x98: {  	[tilespmem:v27+s13+$0x0] =	vst.idx.add.f32.msk $0xffff, v7  }
0x99: {  	[tilespmem:v28+s13+$0x0] =	vst.idx.add.f32.msk $0xffff, v3  }
0x9a: {  	v1 =	vld.idx.msk [tilespmem:v1+s2+$0x0], $0xffff;
	_ =	sdelay $0x2  }
0x9b: {  	v3 =	vor.u32 $0x300, v2  }
0x9c: {  	v2 =	vor.u32 $0x380, v2  }
0x9d: {  	v30 =	vunpack.i.l.bf16.f32 v1  }
0x9e: {  	v1 =	vunpack.i.u.bf16.f32 v1;
	v5 =	vmul.f32 v30, v4  }
0x9f: {  	v1 =	vmul.f32 v1, v4  }
0xa0: {  	[tilespmem:v3+s13+$0x0] =	vst.idx.add.f32.msk $0xffff, v5  }
0xa1: {  	[tilespmem:v2+s13+$0x0] =	vst.idx.add.f32.msk $0xffff, v1  }
0xa2: {  	v1 =	vld [tilespmem:s25+$0xFFFFFFF0];
	_ =	sdelay $0x4  }
0xa3: {  	v2 =	vshll.u32 v1, $0x2  }
0xa4: {  	v1 =	vand.u32 $0x7F, v1;
	v2 =	vand.u32 $0xFFFFFE00, v2  }
0xa5: {  	v1 =	vor.u32 v1, v2  }
0xa6: {  	v2 =	vld [tilespmem:s24+$0xFFFFFFF0];
	_ =	sdelay $0x3  }
0xa7: {  	v3 =	vld.idx.msk [tilespmem:v1+s2+$0x0], $0xffff  }
0xa8: {  	v31 =	vld [tilespmem:s23+$0xFFFFFFF0];
	v32 =	vshll.u32 v2, $0x3  }
0xa9: {  	v2 =	vand.u32 $0x7F, v2;
	v5 =	vand.u32 $0xFFFFFC00, v32  }
0xaa: {  	v2 =	vor.u32 v2, v5  }
0xab: {  	v5 =	vor.u32 $0x80, v2  }
0xac: {  	v34 =	vor.u32 $0x80, v1;
	v33 =	vunpack.i.l.bf16.f32 v3  }
0xad: {  	v3 =	vunpack.i.u.bf16.f32 v3;
	v6 =	vmul.f32 v33, v31  }
0xae: {  	v3 =	vmul.f32 v3, v31  }
0xaf: {  	[tilespmem:v2+s13+$0x0] =	vst.idx.add.f32.msk $0xffff, v6  }
0xb0: {  	[tilespmem:v5+s13+$0x0] =	vst.idx.add.f32.msk $0xffff, v3  }
0xb1: {  	v3 =	vld.idx.msk [tilespmem:v34+s2+$0x0], $0xffff;
	_ =	sdelay $0x2  }
0xb2: {  	v35 =	vor.u32 $0x100, v2  }
0xb3: {  	v36 =	vor.u32 $0x180, v2  }
0xb4: {  	v37 =	vor.u32 $0x100, v1;
	v7 =	vunpack.i.l.bf16.f32 v3  }
0xb5: {  	v3 =	vunpack.i.u.bf16.f32 v3;
	v7 =	vmul.f32 v7, v31  }
0xb6: {  	v3 =	vmul.f32 v3, v31  }
0xb7: {  	[tilespmem:v35+s13+$0x0] =	vst.idx.add.f32.msk $0xffff, v7  }
0xb8: {  	[tilespmem:v36+s13+$0x0] =	vst.idx.add.f32.msk $0xffff, v3  }
0xb9: {  	v3 =	vld.idx.msk [tilespmem:v37+s2+$0x0], $0xffff;
	_ =	sdelay $0x2  }
0xba: {  	v38 =	vor.u32 $0x200, v2  }
0xbb: {  	v39 =	vor.u32 $0x280, v2  }
0xbc: {  	v1 =	vor.u32 $0x180, v1;
	v40 =	vunpack.i.l.bf16.f32 v3  }
0xbd: {  	v3 =	vunpack.i.u.bf16.f32 v3;
	v7 =	vmul.f32 v40, v31  }
0xbe: {  	v3 =	vmul.f32 v3, v31  }
0xbf: {  	[tilespmem:v38+s13+$0x0] =	vst.idx.add.f32.msk $0xffff, v7  }
0xc0: {  	[tilespmem:v39+s13+$0x0] =	vst.idx.add.f32.msk $0xffff, v3  }
0xc1: {  	v1 =	vld.idx.msk [tilespmem:v1+s2+$0x0], $0xffff;
	_ =	sdelay $0x2  }
0xc2: {  	v3 =	vor.u32 $0x300, v2  }
0xc3: {  	v2 =	vor.u32 $0x380, v2  }
0xc4: {  	v41 =	vunpack.i.l.bf16.f32 v1  }
0xc5: {  	v1 =	vunpack.i.u.bf16.f32 v1;
	v5 =	vmul.f32 v41, v31  }
0xc6: {  	v1 =	vmul.f32 v1, v31  }
0xc7: {  	[tilespmem:v3+s13+$0x0] =	vst.idx.add.f32.msk $0xffff, v5  }
0xc8: {  	[tilespmem:v2+s13+$0x0] =	vst.idx.add.f32.msk $0xffff, v1  }
0xc9: {  	v1 =	vld [tilespmem:s25+$0x0];
	_ =	sdelay $0x4  }
0xca: {  	v2 =	vshll.u32 v1, $0x2  }
0xcb: {  	v1 =	vand.u32 $0x7F, v1;
	v2 =	vand.u32 $0xFFFFFE00, v2  }
0xcc: {  	v1 =	vor.u32 v1, v2  }
0xcd: {  	v2 =	vld [tilespmem:s24+$0x0];
	_ =	sdelay $0x3  }
0xce: {  	v3 =	vld.idx.msk [tilespmem:v1+s2+$0x0], $0xffff  }
0xcf: {  	v42 =	vld [tilespmem:s23+$0x0];
	v43 =	vshll.u32 v2, $0x3  }
0xd0: {  	v2 =	vand.u32 $0x7F, v2;
	v5 =	vand.u32 $0xFFFFFC00, v43  }
0xd1: {  	v2 =	vor.u32 v2, v5  }
0xd2: {  	v5 =	vor.u32 $0x80, v2  }
0xd3: {  	v45 =	vor.u32 $0x80, v1;
	v44 =	vunpack.i.l.bf16.f32 v3  }
0xd4: {  	v3 =	vunpack.i.u.bf16.f32 v3;
	v6 =	vmul.f32 v44, v42  }
0xd5: {  	v3 =	vmul.f32 v3, v42  }
0xd6: {  	[tilespmem:v2+s13+$0x0] =	vst.idx.add.f32.msk $0xffff, v6  }
0xd7: {  	[tilespmem:v5+s13+$0x0] =	vst.idx.add.f32.msk $0xffff, v3  }
0xd8: {  	v3 =	vld.idx.msk [tilespmem:v45+s2+$0x0], $0xffff;
	_ =	sdelay $0x2  }
0xd9: {  	v46 =	vor.u32 $0x100, v2  }
0xda: {  	v47 =	vor.u32 $0x180, v2  }
0xdb: {  	v48 =	vor.u32 $0x100, v1;
	v7 =	vunpack.i.l.bf16.f32 v3  }
0xdc: {  	v3 =	vunpack.i.u.bf16.f32 v3;
	v7 =	vmul.f32 v7, v42  }
0xdd: {  	v3 =	vmul.f32 v3, v42  }
0xde: {  	[tilespmem:v46+s13+$0x0] =	vst.idx.add.f32.msk $0xffff, v7  }
0xdf: {  	[tilespmem:v47+s13+$0x0] =	vst.idx.add.f32.msk $0xffff, v3  }
0xe0: {  	v3 =	vld.idx.msk [tilespmem:v48+s2+$0x0], $0xffff;
	_ =	sdelay $0x2  }
0xe1: {  	v49 =	vor.u32 $0x200, v2  }
0xe2: {  	v50 =	vor.u32 $0x280, v2  }
0xe3: {  	v1 =	vor.u32 $0x180, v1;
	v51 =	vunpack.i.l.bf16.f32 v3  }
0xe4: {  	v3 =	vunpack.i.u.bf16.f32 v3;
	v7 =	vmul.f32 v51, v42  }
0xe5: {  	v3 =	vmul.f32 v3, v42  }
0xe6: {  	[tilespmem:v49+s13+$0x0] =	vst.idx.add.f32.msk $0xffff, v7  }
0xe7: {  	[tilespmem:v50+s13+$0x0] =	vst.idx.add.f32.msk $0xffff, v3  }
0xe8: {  	v1 =	vld.idx.msk [tilespmem:v1+s2+$0x0], $0xffff;
	_ =	sdelay $0x2  }
0xe9: {  	v3 =	vor.u32 $0x300, v2  }
0xea: {  	v2 =	vor.u32 $0x380, v2  }
0xeb: {  	v52 =	vunpack.i.l.bf16.f32 v1  }
0xec: {  	v1 =	vunpack.i.u.bf16.f32 v1;
	v5 =	vmul.f32 v52, v42  }
0xed: {  	v1 =	vmul.f32 v1, v42  }
0xee: {  	[tilespmem:v3+s13+$0x0] =	vst.idx.add.f32.msk $0xffff, v5  }
0xef: {  	[tilespmem:v2+s13+$0x0] =	vst.idx.add.f32.msk $0xffff, v1  }
0xf0: {  	v1 =	vld [tilespmem:s25+$0x10];
	_ =	sdelay $0x4  }
0xf1: {  	v2 =	vshll.u32 v1, $0x2  }
0xf2: {  	v1 =	vand.u32 $0x7F, v1;
	v2 =	vand.u32 $0xFFFFFE00, v2  }
0xf3: {  	v1 =	vor.u32 v1, v2  }
0xf4: {  	v2 =	vld [tilespmem:s24+$0x10];
	_ =	sdelay $0x3  }
0xf5: {  	v3 =	vld.idx.msk [tilespmem:v1+s2+$0x0], $0xffff  }
0xf6: {  	v53 =	vld [tilespmem:s23+$0x10];
	v54 =	vshll.u32 v2, $0x3  }
0xf7: {  	v2 =	vand.u32 $0x7F, v2;
	v5 =	vand.u32 $0xFFFFFC00, v54  }
0xf8: {  	v2 =	vor.u32 v2, v5  }
0xf9: {  	v5 =	vor.u32 $0x80, v2  }
0xfa: {  	v56 =	vor.u32 $0x80, v1;
	v55 =	vunpack.i.l.bf16.f32 v3  }
0xfb: {  	v3 =	vunpack.i.u.bf16.f32 v3;
	v6 =	vmul.f32 v55, v53  }
0xfc: {  	v3 =	vmul.f32 v3, v53  }
0xfd: {  	[tilespmem:v2+s13+$0x0] =	vst.idx.add.f32.msk $0xffff, v6  }
0xfe: {  	[tilespmem:v5+s13+$0x0] =	vst.idx.add.f32.msk $0xffff, v3  }
0xff: {  	v3 =	vld.idx.msk [tilespmem:v56+s2+$0x0], $0xffff;
	_ =	sdelay $0x2  }
0x100: {  	v57 =	vor.u32 $0x100, v2  }
0x101: {  	v58 =	vor.u32 $0x180, v2  }
0x102: {  	v59 =	vor.u32 $0x100, v1;
	v7 =	vunpack.i.l.bf16.f32 v3  }
0x103: {  	v3 =	vunpack.i.u.bf16.f32 v3;
	v7 =	vmul.f32 v7, v53  }
0x104: {  	v3 =	vmul.f32 v3, v53  }
0x105: {  	[tilespmem:v57+s13+$0x0] =	vst.idx.add.f32.msk $0xffff, v7  }
0x106: {  	[tilespmem:v58+s13+$0x0] =	vst.idx.add.f32.msk $0xffff, v3  }
0x107: {  	v3 =	vld.idx.msk [tilespmem:v59+s2+$0x0], $0xffff;
	_ =	sdelay $0x2  }
0x108: {  	v60 =	vor.u32 $0x200, v2  }
0x109: {  	v61 =	vor.u32 $0x280, v2  }
0x10a: {  	v1 =	vor.u32 $0x180, v1;
	v62 =	vunpack.i.l.bf16.f32 v3  }
0x10b: {  	v3 =	vunpack.i.u.bf16.f32 v3;
	v7 =	vmul.f32 v62, v53  }
0x10c: {  	v3 =	vmul.f32 v3, v53  }
0x10d: {  	[tilespmem:v60+s13+$0x0] =	vst.idx.add.f32.msk $0xffff, v7  }
0x10e: {  	[tilespmem:v61+s13+$0x0] =	vst.idx.add.f32.msk $0xffff, v3  }
0x10f: {  	v1 =	vld.idx.msk [tilespmem:v1+s2+$0x0], $0xffff;
	_ =	sdelay $0x2  }
0x110: {  	s22 =	sadd.s32 $0x4, s22;
	v3 =	vor.u32 $0x300, v2  }
0x111: {  	p1 =	slt.u32 s22, $0x3C;
	v2 =	vor.u32 $0x380, v2  }
.Ltmp7:
0x112: {  	v63 =	vunpack.i.l.bf16.f32 v1;
	(pc) =	sbr.rel @p1 .LBB2_8-.Ltmp7, $4  }
0x113: {  	v1 =	vunpack.i.u.bf16.f32 v1;
	v5 =	vmul.f32 v63, v53  }
0x114: {  	v1 =	vmul.f32 v1, v53  }
0x115: {  	[tilespmem:v3+s13+$0x0] =	vst.idx.add.f32.msk $0xffff, v5  }
0x116: {  	s23 =	sadd.s32 $0x40, s23;
	s25 =	sadd.s32 $0x40, s25;
	s24 =	sadd.s32 $0x40, s24;
	[tilespmem:v2+s13+$0x0] =	vst.idx.add.f32.msk $0xffff, v1  }
.LBB2_9:
.Ltmp8:
0x117: {  	(pc) =	sbr.rel @!p0 .LBB2_12-.Ltmp8, $1  }
0x118: {  	_ =	sdelay $0x3  }
0x119: {  	_ =	swait.ge [sflag:s19], $0x400  }
0x11a: {  	[sflag:s19] =	ssyncset.done $0x0  }
0x11b: {  	[sflag:s19] =	ssyncadd.s32 $0xFFFFFC00  }
0x11c: {  	_ =	swait.ge [sflag:s19], $0x400  }
0x11d: {  	[sflag:s19] =	ssyncset.done $0x0  }
0x11e: {  	[sflag:s19] =	ssyncadd.s32 $0xFFFFFC00  }
0x11f: {  	_ =	swait.ge [sflag:s19], $0x400  }
0x120: {  	s22 =	simm.s32 $0xFFFFFFFC;
	s23 =	simm.s32 $0x1EE20;
	[sflag:s19] =	ssyncset.done $0x0  }
0x121: {  	s24 =	simm.s32 $0x1EA20;
	s25 =	simm.s32 $0x1E620;
	[sflag:s19] =	ssyncadd.s32 $0xFFFFFC00  }
.LBB2_11:
0x122: {  	v1 =	vld [tilespmem:s25+$0xFFFFFFE0];
	_ =	sdelay $0x4  }
0x123: {  	v2 =	vshll.u32 v1, $0x2  }
0x124: {  	v1 =	vand.u32 $0x7F, v1;
	v2 =	vand.u32 $0xFFFFFE00, v2  }
0x125: {  	v1 =	vor.u32 v1, v2  }
0x126: {  	v2 =	vld [tilespmem:s24+$0xFFFFFFE0];
	_ =	sdelay $0x3  }
0x127: {  	v3 =	vld.idx.msk [tilespmem:v1+s2+$0x0], $0xffff  }
0x128: {  	v4 =	vld [tilespmem:s23+$0xFFFFFFE0];
	v5 =	vshll.u32 v2, $0x3  }
0x129: {  	v2 =	vand.u32 $0x7F, v2;
	v5 =	vand.u32 $0xFFFFFC00, v5  }
0x12a: {  	v2 =	vor.u32 v2, v5  }
0x12b: {  	v5 =	vor.u32 $0x80, v2  }
0x12c: {  	v7 =	vor.u32 $0x80, v1;
	v6 =	vunpack.i.l.bf16.f32 v3  }
0x12d: {  	v3 =	vunpack.i.u.bf16.f32 v3;
	v6 =	vmul.f32 v6, v4  }
0x12e: {  	v3 =	vmul.f32 v3, v4  }
0x12f: {  	[tilespmem:v2+s13+$0x0] =	vst.idx.add.f32.msk $0xffff, v6  }
0x130: {  	[tilespmem:v5+s13+$0x0] =	vst.idx.add.f32.msk $0xffff, v3  }
0x131: {  	v3 =	vld.idx.msk [tilespmem:v7+s2+$0x0], $0xffff;
	_ =	sdelay $0x2  }
0x132: {  	v25 =	vor.u32 $0x100, v2  }
0x133: {  	v26 =	vor.u32 $0x180, v2  }
0x134: {  	v8 =	vor.u32 $0x100, v1;
	v7 =	vunpack.i.l.bf16.f32 v3  }
0x135: {  	v3 =	vunpack.i.u.bf16.f32 v3;
	v7 =	vmul.f32 v7, v4  }
0x136: {  	v3 =	vmul.f32 v3, v4  }
0x137: {  	[tilespmem:v25+s13+$0x0] =	vst.idx.add.f32.msk $0xffff, v7  }
0x138: {  	[tilespmem:v26+s13+$0x0] =	vst.idx.add.f32.msk $0xffff, v3  }
0x139: {  	v3 =	vld.idx.msk [tilespmem:v8+s2+$0x0], $0xffff;
	_ =	sdelay $0x2  }
0x13a: {  	v27 =	vor.u32 $0x200, v2  }
0x13b: {  	v28 =	vor.u32 $0x280, v2  }
0x13c: {  	v1 =	vor.u32 $0x180, v1;
	v29 =	vunpack.i.l.bf16.f32 v3  }
0x13d: {  	v3 =	vunpack.i.u.bf16.f32 v3;
	v7 =	vmul.f32 v29, v4  }
0x13e: {  	v3 =	vmul.f32 v3, v4  }
0x13f: {  	[tilespmem:v27+s13+$0x0] =	vst.idx.add.f32.msk $0xffff, v7  }
0x140: {  	[tilespmem:v28+s13+$0x0] =	vst.idx.add.f32.msk $0xffff, v3  }
0x141: {  	v1 =	vld.idx.msk [tilespmem:v1+s2+$0x0], $0xffff;
	_ =	sdelay $0x2  }
0x142: {  	v3 =	vor.u32 $0x300, v2  }
0x143: {  	v2 =	vor.u32 $0x380, v2  }
0x144: {  	v30 =	vunpack.i.l.bf16.f32 v1  }
0x145: {  	v1 =	vunpack.i.u.bf16.f32 v1;
	v5 =	vmul.f32 v30, v4  }
0x146: {  	v1 =	vmul.f32 v1, v4  }
0x147: {  	[tilespmem:v3+s13+$0x0] =	vst.idx.add.f32.msk $0xffff, v5  }
0x148: {  	[tilespmem:v2+s13+$0x0] =	vst.idx.add.f32.msk $0xffff, v1  }
0x149: {  	v1 =	vld [tilespmem:s25+$0xFFFFFFF0];
	_ =	sdelay $0x4  }
0x14a: {  	v2 =	vshll.u32 v1, $0x2  }
0x14b: {  	v1 =	vand.u32 $0x7F, v1;
	v2 =	vand.u32 $0xFFFFFE00, v2  }
0x14c: {  	v1 =	vor.u32 v1, v2  }
0x14d: {  	v2 =	vld [tilespmem:s24+$0xFFFFFFF0];
	_ =	sdelay $0x3  }
0x14e: {  	v3 =	vld.idx.msk [tilespmem:v1+s2+$0x0], $0xffff  }
0x14f: {  	v31 =	vld [tilespmem:s23+$0xFFFFFFF0];
	v32 =	vshll.u32 v2, $0x3  }
0x150: {  	v2 =	vand.u32 $0x7F, v2;
	v5 =	vand.u32 $0xFFFFFC00, v32  }
0x151: {  	v2 =	vor.u32 v2, v5  }
0x152: {  	v5 =	vor.u32 $0x80, v2  }
0x153: {  	v34 =	vor.u32 $0x80, v1;
	v33 =	vunpack.i.l.bf16.f32 v3  }
0x154: {  	v3 =	vunpack.i.u.bf16.f32 v3;
	v6 =	vmul.f32 v33, v31  }
0x155: {  	v3 =	vmul.f32 v3, v31  }
0x156: {  	[tilespmem:v2+s13+$0x0] =	vst.idx.add.f32.msk $0xffff, v6  }
0x157: {  	[tilespmem:v5+s13+$0x0] =	vst.idx.add.f32.msk $0xffff, v3  }
0x158: {  	v3 =	vld.idx.msk [tilespmem:v34+s2+$0x0], $0xffff;
	_ =	sdelay $0x2  }
0x159: {  	v35 =	vor.u32 $0x100, v2  }
0x15a: {  	v36 =	vor.u32 $0x180, v2  }
0x15b: {  	v37 =	vor.u32 $0x100, v1;
	v7 =	vunpack.i.l.bf16.f32 v3  }
0x15c: {  	v3 =	vunpack.i.u.bf16.f32 v3;
	v7 =	vmul.f32 v7, v31  }
0x15d: {  	v3 =	vmul.f32 v3, v31  }
0x15e: {  	[tilespmem:v35+s13+$0x0] =	vst.idx.add.f32.msk $0xffff, v7  }
0x15f: {  	[tilespmem:v36+s13+$0x0] =	vst.idx.add.f32.msk $0xffff, v3  }
0x160: {  	v3 =	vld.idx.msk [tilespmem:v37+s2+$0x0], $0xffff;
	_ =	sdelay $0x2  }
0x161: {  	v38 =	vor.u32 $0x200, v2  }
0x162: {  	v39 =	vor.u32 $0x280, v2  }
0x163: {  	v1 =	vor.u32 $0x180, v1;
	v40 =	vunpack.i.l.bf16.f32 v3  }
0x164: {  	v3 =	vunpack.i.u.bf16.f32 v3;
	v7 =	vmul.f32 v40, v31  }
0x165: {  	v3 =	vmul.f32 v3, v31  }
0x166: {  	[tilespmem:v38+s13+$0x0] =	vst.idx.add.f32.msk $0xffff, v7  }
0x167: {  	[tilespmem:v39+s13+$0x0] =	vst.idx.add.f32.msk $0xffff, v3  }
0x168: {  	v1 =	vld.idx.msk [tilespmem:v1+s2+$0x0], $0xffff;
	_ =	sdelay $0x2  }
0x169: {  	v3 =	vor.u32 $0x300, v2  }
0x16a: {  	v2 =	vor.u32 $0x380, v2  }
0x16b: {  	v41 =	vunpack.i.l.bf16.f32 v1  }
0x16c: {  	v1 =	vunpack.i.u.bf16.f32 v1;
	v5 =	vmul.f32 v41, v31  }
0x16d: {  	v1 =	vmul.f32 v1, v31  }
0x16e: {  	[tilespmem:v3+s13+$0x0] =	vst.idx.add.f32.msk $0xffff, v5  }
0x16f: {  	[tilespmem:v2+s13+$0x0] =	vst.idx.add.f32.msk $0xffff, v1  }
0x170: {  	v1 =	vld [tilespmem:s25+$0x0];
	_ =	sdelay $0x4  }
0x171: {  	v2 =	vshll.u32 v1, $0x2  }
0x172: {  	v1 =	vand.u32 $0x7F, v1;
	v2 =	vand.u32 $0xFFFFFE00, v2  }
0x173: {  	v1 =	vor.u32 v1, v2  }
0x174: {  	v2 =	vld [tilespmem:s24+$0x0];
	_ =	sdelay $0x3  }
0x175: {  	v3 =	vld.idx.msk [tilespmem:v1+s2+$0x0], $0xffff  }
0x176: {  	v42 =	vld [tilespmem:s23+$0x0];
	v43 =	vshll.u32 v2, $0x3  }
0x177: {  	v2 =	vand.u32 $0x7F, v2;
	v5 =	vand.u32 $0xFFFFFC00, v43  }
0x178: {  	v2 =	vor.u32 v2, v5  }
0x179: {  	v5 =	vor.u32 $0x80, v2  }
0x17a: {  	v45 =	vor.u32 $0x80, v1;
	v44 =	vunpack.i.l.bf16.f32 v3  }
0x17b: {  	v3 =	vunpack.i.u.bf16.f32 v3;
	v6 =	vmul.f32 v44, v42  }
0x17c: {  	v3 =	vmul.f32 v3, v42  }
0x17d: {  	[tilespmem:v2+s13+$0x0] =	vst.idx.add.f32.msk $0xffff, v6  }
0x17e: {  	[tilespmem:v5+s13+$0x0] =	vst.idx.add.f32.msk $0xffff, v3  }
0x17f: {  	v3 =	vld.idx.msk [tilespmem:v45+s2+$0x0], $0xffff;
	_ =	sdelay $0x2  }
0x180: {  	v46 =	vor.u32 $0x100, v2  }
0x181: {  	v47 =	vor.u32 $0x180, v2  }
0x182: {  	v48 =	vor.u32 $0x100, v1;
	v7 =	vunpack.i.l.bf16.f32 v3  }
0x183: {  	v3 =	vunpack.i.u.bf16.f32 v3;
	v7 =	vmul.f32 v7, v42  }
0x184: {  	v3 =	vmul.f32 v3, v42  }
0x185: {  	[tilespmem:v46+s13+$0x0] =	vst.idx.add.f32.msk $0xffff, v7  }
0x186: {  	[tilespmem:v47+s13+$0x0] =	vst.idx.add.f32.msk $0xffff, v3  }
0x187: {  	v3 =	vld.idx.msk [tilespmem:v48+s2+$0x0], $0xffff;
	_ =	sdelay $0x2  }
0x188: {  	v49 =	vor.u32 $0x200, v2  }
0x189: {  	v50 =	vor.u32 $0x280, v2  }
0x18a: {  	v1 =	vor.u32 $0x180, v1;
	v51 =	vunpack.i.l.bf16.f32 v3  }
0x18b: {  	v3 =	vunpack.i.u.bf16.f32 v3;
	v7 =	vmul.f32 v51, v42  }
0x18c: {  	v3 =	vmul.f32 v3, v42  }
0x18d: {  	[tilespmem:v49+s13+$0x0] =	vst.idx.add.f32.msk $0xffff, v7  }
0x18e: {  	[tilespmem:v50+s13+$0x0] =	vst.idx.add.f32.msk $0xffff, v3  }
0x18f: {  	v1 =	vld.idx.msk [tilespmem:v1+s2+$0x0], $0xffff;
	_ =	sdelay $0x2  }
0x190: {  	v3 =	vor.u32 $0x300, v2  }
0x191: {  	v2 =	vor.u32 $0x380, v2  }
0x192: {  	v52 =	vunpack.i.l.bf16.f32 v1  }
0x193: {  	v1 =	vunpack.i.u.bf16.f32 v1;
	v5 =	vmul.f32 v52, v42  }
0x194: {  	v1 =	vmul.f32 v1, v42  }
0x195: {  	[tilespmem:v3+s13+$0x0] =	vst.idx.add.f32.msk $0xffff, v5  }
0x196: {  	[tilespmem:v2+s13+$0x0] =	vst.idx.add.f32.msk $0xffff, v1  }
0x197: {  	v1 =	vld [tilespmem:s25+$0x10];
	_ =	sdelay $0x4  }
0x198: {  	v2 =	vshll.u32 v1, $0x2  }
0x199: {  	v1 =	vand.u32 $0x7F, v1;
	v2 =	vand.u32 $0xFFFFFE00, v2  }
0x19a: {  	v1 =	vor.u32 v1, v2  }
0x19b: {  	v2 =	vld [tilespmem:s24+$0x10];
	_ =	sdelay $0x3  }
0x19c: {  	v3 =	vld.idx.msk [tilespmem:v1+s2+$0x0], $0xffff  }
0x19d: {  	v53 =	vld [tilespmem:s23+$0x10];
	v54 =	vshll.u32 v2, $0x3  }
0x19e: {  	v2 =	vand.u32 $0x7F, v2;
	v5 =	vand.u32 $0xFFFFFC00, v54  }
0x19f: {  	v2 =	vor.u32 v2, v5  }
0x1a0: {  	v5 =	vor.u32 $0x80, v2  }
0x1a1: {  	v56 =	vor.u32 $0x80, v1;
	v55 =	vunpack.i.l.bf16.f32 v3  }
0x1a2: {  	v3 =	vunpack.i.u.bf16.f32 v3;
	v6 =	vmul.f32 v55, v53  }
0x1a3: {  	v3 =	vmul.f32 v3, v53  }
0x1a4: {  	[tilespmem:v2+s13+$0x0] =	vst.idx.add.f32.msk $0xffff, v6  }
0x1a5: {  	[tilespmem:v5+s13+$0x0] =	vst.idx.add.f32.msk $0xffff, v3  }
0x1a6: {  	v3 =	vld.idx.msk [tilespmem:v56+s2+$0x0], $0xffff;
	_ =	sdelay $0x2  }
0x1a7: {  	v57 =	vor.u32 $0x100, v2  }
0x1a8: {  	v58 =	vor.u32 $0x180, v2  }
0x1a9: {  	v59 =	vor.u32 $0x100, v1;
	v7 =	vunpack.i.l.bf16.f32 v3  }
0x1aa: {  	v3 =	vunpack.i.u.bf16.f32 v3;
	v7 =	vmul.f32 v7, v53  }
0x1ab: {  	v3 =	vmul.f32 v3, v53  }
0x1ac: {  	[tilespmem:v57+s13+$0x0] =	vst.idx.add.f32.msk $0xffff, v7  }
0x1ad: {  	[tilespmem:v58+s13+$0x0] =	vst.idx.add.f32.msk $0xffff, v3  }
0x1ae: {  	v3 =	vld.idx.msk [tilespmem:v59+s2+$0x0], $0xffff;
	_ =	sdelay $0x2  }
0x1af: {  	v60 =	vor.u32 $0x200, v2  }
0x1b0: {  	v61 =	vor.u32 $0x280, v2  }
0x1b1: {  	v1 =	vor.u32 $0x180, v1;
	v62 =	vunpack.i.l.bf16.f32 v3  }
0x1b2: {  	v3 =	vunpack.i.u.bf16.f32 v3;
	v7 =	vmul.f32 v62, v53  }
0x1b3: {  	v3 =	vmul.f32 v3, v53  }
0x1b4: {  	[tilespmem:v60+s13+$0x0] =	vst.idx.add.f32.msk $0xffff, v7  }
0x1b5: {  	[tilespmem:v61+s13+$0x0] =	vst.idx.add.f32.msk $0xffff, v3  }
0x1b6: {  	v1 =	vld.idx.msk [tilespmem:v1+s2+$0x0], $0xffff;
	_ =	sdelay $0x2  }
0x1b7: {  	s22 =	sadd.s32 $0x4, s22;
	v3 =	vor.u32 $0x300, v2  }
0x1b8: {  	p0 =	slt.u32 s22, $0x3C;
	v2 =	vor.u32 $0x380, v2  }
.Ltmp9:
0x1b9: {  	v63 =	vunpack.i.l.bf16.f32 v1;
	(pc) =	sbr.rel @p0 .LBB2_11-.Ltmp9, $4  }
0x1ba: {  	v1 =	vunpack.i.u.bf16.f32 v1;
	v5 =	vmul.f32 v63, v53  }
0x1bb: {  	v1 =	vmul.f32 v1, v53  }
0x1bc: {  	[tilespmem:v3+s13+$0x0] =	vst.idx.add.f32.msk $0xffff, v5  }
0x1bd: {  	s23 =	sadd.s32 $0x40, s23;
	s25 =	sadd.s32 $0x40, s25;
	s24 =	sadd.s32 $0x40, s24;
	[tilespmem:v2+s13+$0x0] =	vst.idx.add.f32.msk $0xffff, v1  }
.Ltmp10:
0x1be: {  	_ = 	snop;
	(pc) =	sbr.rel .LBB2_12-.Ltmp10, $1  }
0x1bf: {  	_ =	sdelay $0x3  }
.LBB2_14:
0x1c0: {  	_ =	sfence.sel $0x180000  }
0x1c1: {  	[bflag:$0x0] =	sbarrier.arrive $0xFFFF  }
0x1c2: {  	p0 =	sne.s32 s0, $0x0;
	_ =	strace $0x9000004A  }
0x1c3: {  	s0 =	sadd.s32 @!p0 $0x100000, s1;
	[bflag:$0x2] =	sbarrier.arrive $0xFFFF  }
0x1c4: {  	[sflag:s0] =	ssyncadd.tile.s32 @!p0 $0x1;
	_ =	shalt  }
.Lfunc_end2:
_tile_overlayer_lowered:
.L_overlay_start_2:
0x1c5: {  	(tag) =	ssettag $0x2  }
0x1c6: {  	s0 =	rddreg [dreg:$0x0];
	s2 =	stileid.u32  }
0x1c7: {  	s1 =	rddreg [dreg:$0x1];
	p0 =	sne.s32 s2, $0x0  }
0x1c8: {  	s3 =	rddreg [dreg:$0x2];
	[bflag:$0x3] =	sbarrier.arrive $0xFFFF;
	s2 =	simm.s32 @!p0 $0x1C03  }
0x1c9: {  	[timem:s3], [sflag:s2] =	dma.local @!p0 [hbm:s0], s1  }
0x1ca: {  	s0 =	simm.s32 @!p0 $0x3  }
0x1cb: {  	_ =	swait.ge @!p0 [sflag:s0], s1  }
0x1cc: {  	s1 =	ssub.s32 @!p0 $0x0, s1;
	[sflag:s0] =	ssyncset.done @!p0 $0x0  }
0x1cd: {  	[sflag:s0] =	ssyncadd.s32 @!p0 s1  }
0x1ce: {  	[bflag:$0x3] =	sbarrier.arrive $0xFFFF  }
0x1cf: {  	_ =	shalt  }

</sc_bundles>
